<compile_context>
chip_gen: v7x
topology: tpu7x:2x2x1
jax: 0.10.2.dev20260603
libtpu: 0.0.44.dev20260713+nightly
codegen_flags: <defaults>
</compile_context>

<pallas_src>
import functools

import jax
import jax.numpy as jnp
from jax import lax
from jax.experimental import pallas as pl
from jax.experimental.pallas import tpu as pltpu
from jax.experimental.pallas import tpu_sc as plsc

B = 4096
T = 200
NPLANE = 3
ROWS = T
COLS = B
TROW = 8
QW = COLS // 4
L = 16


def kernel(observations, norm_factors):
    xt = jnp.transpose(observations, (2, 1, 0))

    mesh = plsc.VectorSubcoreMesh(core_axis_name="c", subcore_axis_name="s")

    @functools.partial(
        pl.kernel,
        mesh=mesh,
        out_type=jax.ShapeDtypeStruct((NPLANE, ROWS, COLS), jnp.float32),
        compiler_params=pltpu.CompilerParams(needs_layout_passes=False),
        scratch_types=[
            pltpu.VMEM((256,), jnp.float32),
            pltpu.VMEM((256,), jnp.float32),
            pltpu.VMEM((2, TROW, QW), jnp.int32),
            pltpu.VMEM((2, TROW, QW), jnp.int32),
            pltpu.VMEM((2, TROW, QW), jnp.float32),
            pltpu.VMEM((2, TROW, QW), jnp.float32),
            pltpu.SemaphoreType.DMA,
            pltpu.SemaphoreType.DMA,
            pltpu.SemaphoreType.DMA,
            pltpu.SemaphoreType.DMA,
        ],
    )
    def sc_kernel(x_hbm, nf_hbm, out_hbm, nf_v, rcp_v,
                  ia, ib, oa, ob,
                  in_sa, in_sb, out_sa, out_sb):
        w = lax.axis_index("s") * 2 + lax.axis_index("c")

        nj = jnp.where(w < 4, 4, 3)
        base_j = jnp.where(w < 4, 4 * w, 16 + 3 * (w - 4))
        nc = jnp.where(w < 4, 1, jnp.where(w < 16, 4, 3))
        base_c = jnp.where(w < 4, w,
                           jnp.where(w < 16, 4 + 4 * (w - 4), 52 + 3 * (w - 16)))

        ibuf = (ia, ib)
        obuf = (oa, ob)
        in_s = (in_sa, in_sb)
        out_s = (out_sa, out_sb)

        def slices(u):
            return pl.ds((u // 4) * TROW, TROW), pl.ds((u % 4) * QW, QW)

        def in_joint(u, s):
            rs, cs = slices(u)
            return (pltpu.make_async_copy(
                x_hbm.at[pl.ds(1, 2), rs, cs], ibuf[s], in_s[s]),)

        def out_joint(u, s):
            rs, cs = slices(u)
            return (pltpu.make_async_copy(
                obuf[s], out_hbm.at[pl.ds(1, 2), rs, cs], out_s[s]),)

        def in_cast(u, s):
            rs, cs = slices(u)
            return (pltpu.make_async_copy(
                x_hbm.at[0, rs, cs], ibuf[s].at[0], in_s[s]),)

        def out_cast(u, s):
            rs, cs = slices(u)
            return (pltpu.make_async_copy(
                obuf[s].at[0], out_hbm.at[0, rs, cs], out_s[s]),)

        def start(copies):
            for c in copies:
                c.start()

        def wait(copies):
            for c in copies:
                c.wait()

        def compute_joint(s):
            is_, os_ = ibuf[s], obuf[s]

            def row_body(r, carry):
                @plsc.parallel_loop(0, QW // L, unroll=8)
                def _(j):
                    col = pl.ds(j * L, L)
                    a = is_[0, r, col]
                    v = is_[1, r, col]
                    rcp = plsc.load_gather(rcp_v, [a])
                    os_[0, r, col] = a.astype(jnp.float32)
                    os_[1, r, col] = v.astype(jnp.float32) * rcp
                return carry

            lax.fori_loop(0, TROW, row_body, 0)

        def compute_cast(s):
            is_, os_ = ibuf[s], obuf[s]

            def row_body(r, carry):
                @plsc.parallel_loop(0, QW // L, unroll=8)
                def _(j):
                    col = pl.ds(j * L, L)
                    os_[0, r, col] = is_[0, r, col].astype(jnp.float32)
                return carry

            lax.fori_loop(0, TROW, row_body, 0)

        start(in_joint(base_j + 0, 0))
        start(in_joint(base_j + 1, 1))

        pltpu.sync_copy(nf_hbm, nf_v)
        for i in range(256 // L):
            rcp_v[pl.ds(i * L, L)] = 1.0 / nf_v[pl.ds(i * L, L)]

        for q in range(4):
            s = q & 1
            u = base_j + q

            def iter_body(u=u, s=s, q=q):
                wait(in_joint(u, s))
                if q >= 2:
                    wait(out_joint(base_j + (q - 2), s))
                compute_joint(s)
                start(out_joint(u, s))
                if q + 2 < 4:
                    @pl.when(q + 2 < nj)
                    def _():
                        start(in_joint(base_j + (q + 2), s))

            if q < 3:
                iter_body()
            else:
                pl.when(q < nj)(iter_body)

        start(in_cast(base_c + 0, 0))
        @pl.when(nc >= 2)
        def _():
            start(in_cast(base_c + 1, 1))

        wait(out_joint(base_j, 0))
        wait(out_joint(base_j, 1))

        for q in range(4):
            s = q & 1
            u = base_c + q

            def iter_body(u=u, s=s, q=q):
                wait(in_cast(u, s))
                if q >= 2:
                    wait(out_cast(base_c + (q - 2), s))
                compute_cast(s)
                start(out_cast(u, s))
                if q + 2 < 4:
                    @pl.when(q + 2 < nc)
                    def _():
                        start(in_cast(base_c + (q + 2), s))

            if q < 1:
                iter_body()
            else:
                pl.when(q < nc)(iter_body)

        wait(out_cast(base_c, 0))
        @pl.when(nc >= 2)
        def _():
            wait(out_cast(base_c, 1))

    ot = sc_kernel(xt, norm_factors)
    return jnp.transpose(ot, (2, 1, 0))

# --- scband reference (transcript-rebuilt; emitter-appended) ---
"""Pipeline reference for scband-obs-attr-val-norm-31971736551786 (READ-ONLY COPY).

The authoritative reference and input builder live on the scoring server;
editing this copy changes nothing except your own understanding.
"""

import jax, jax.numpy as jnp
import numpy as np

MAX_EMBEDS = 256
BATCH = 4096
SEQ = 200

def setup_inputs(seed: int = 0) -> dict:
    key = jax.random.key(seed)
    k1, k2 = jax.random.split(key)
    # observations: int-valued tokens [B, T, 3]; column 1 is the attr index (must be < 256),
    # column 2 is the raw attr value to be normalized. randint in [0, 256) keeps indices valid.
    observations = jax.random.randint(k1, (BATCH, SEQ, 3), 0, MAX_EMBEDS).astype(jnp.int32)
    # Learned/registered buffer: per-attr normalization factors. Module initializes to ones and
    # overwrites entries from env.feature_normalizations; emulate with positive factors >= 1.
    norm_factors = jnp.ones((MAX_EMBEDS,), dtype=jnp.float32) + jax.random.uniform(k2, (MAX_EMBEDS,), dtype=jnp.float32) * 99.0
    return {"observations": observations, "norm_factors": norm_factors}

def reference(observations, norm_factors):
    # attr_indices = observations[..., 1].long()
    attr_indices = observations[..., 1].astype(jnp.int32)
    # gather per-token normalization factor from the 256-entry table
    nf = jnp.take(norm_factors, attr_indices, axis=0)
    # observations = observations.to(torch.float32)
    obs_f = observations.astype(jnp.float32)
    # observations[..., 2] = observations[..., 2] / norm_factors
    new_val = obs_f[..., 2] / nf
    out = obs_f.at[..., 2].set(new_val)
    return out

if __name__ == "__main__":
    import jax
    _d = setup_inputs()
    print(jax.jit(kernel)(*tuple(_d.values())))

</pallas_src>

<mosaic_0001>
#map = affine_map<(d0, d1) -> (0, 0, 0)>
#map1 = affine_map<(d0, d1) -> (0)>
module attributes {stable_mosaic.version = 14 : i64} {
  func.func @sc_kernel(%arg0: i32, %arg1: i32, %arg2: memref<3x200x4096xi32, #tpu.memory_space<hbm>>, %arg3: memref<256xf32, #tpu.memory_space<hbm>>, %arg4: memref<3x200x4096xf32, #tpu.memory_space<hbm>>, %arg5: memref<256xf32, #tpu.memory_space<vmem>>, %arg6: memref<256xf32, #tpu.memory_space<vmem>>, %arg7: memref<2x8x1024xi32, #tpu.memory_space<vmem>>, %arg8: memref<2x8x1024xi32, #tpu.memory_space<vmem>>, %arg9: memref<2x8x1024xf32, #tpu.memory_space<vmem>>, %arg10: memref<2x8x1024xf32, #tpu.memory_space<vmem>>, %arg11: memref<!tpu.dma_semaphore, #tpu.memory_space<semaphore_mem>>, %arg12: memref<!tpu.dma_semaphore, #tpu.memory_space<semaphore_mem>>, %arg13: memref<!tpu.dma_semaphore, #tpu.memory_space<semaphore_mem>>, %arg14: memref<!tpu.dma_semaphore, #tpu.memory_space<semaphore_mem>>) attributes {dimension_semantics = [#tpu.dimension_semantics<core_parallel>, #tpu.dimension_semantics<subcore_parallel>], iteration_bounds = array<i64: 2, 16>, scalar_prefetch = 0 : i64, scratch_operands = 10 : i64, tpu.core_type = #tpu.core_type<sc_vector_subcore>, window_params = [{transform_indices = #map}, {transform_indices = #map1}, {transform_indices = #map}]} {
    %mul3A = arith.constant 2 : i32
    %mul3A_0 = arith.muli %arg1, %mul3A : i32
    %add3A = arith.addi %mul3A_0, %arg0 : i32
    %lt3A = arith.constant 4 : i32
    %lt3A_1 = arith.cmpi slt, %add3A, %lt3A : i32
    %jit3A = arith.constant 4 : i32
    %jit3A_2 = arith.constant 3 : i32
    %select_n3A = arith.select %lt3A_1, %jit3A, %jit3A_2 : i32
    %lt3A_3 = arith.constant 4 : i32
    %lt3A_4 = arith.cmpi slt, %add3A, %lt3A_3 : i32
    %mul3A_5 = arith.constant 4 : i32
    %mul3A_6 = arith.muli %mul3A_5, %add3A : i32
    %sub3A = arith.constant 4 : i32
    %sub3A_7 = arith.subi %add3A, %sub3A : i32
    %mul3A_8 = arith.constant 3 : i32
    %mul3A_9 = arith.muli %mul3A_8, %sub3A_7 : i32
    %add3A_10 = arith.constant 16 : i32
    %add3A_11 = arith.addi %add3A_10, %mul3A_9 : i32
    %select_n3A_12 = arith.select %lt3A_4, %mul3A_6, %add3A_11 : i32
    %lt3A_13 = arith.constant 4 : i32
    %lt3A_14 = arith.cmpi slt, %add3A, %lt3A_13 : i32
    %lt3A_15 = arith.constant 16 : i32
    %lt3A_16 = arith.cmpi slt, %add3A, %lt3A_15 : i32
    %jit3A_17 = arith.constant 4 : i32
    %jit3A_18 = arith.constant 3 : i32
    %select_n3A_19 = arith.select %lt3A_16, %jit3A_17, %jit3A_18 : i32
    %jit3A_20 = arith.constant 1 : i32
    %select_n3A_21 = arith.select %lt3A_14, %jit3A_20, %select_n3A_19 : i32
    %lt3A_22 = arith.constant 4 : i32
    %lt3A_23 = arith.cmpi slt, %add3A, %lt3A_22 : i32
    %lt3A_24 = arith.constant 16 : i32
    %lt3A_25 = arith.cmpi slt, %add3A, %lt3A_24 : i32
    %sub3A_26 = arith.constant 4 : i32
    %sub3A_27 = arith.subi %add3A, %sub3A_26 : i32
    %mul3A_28 = arith.constant 4 : i32
    %mul3A_29 = arith.muli %mul3A_28, %sub3A_27 : i32
    %add3A_30 = arith.constant 4 : i32
    %add3A_31 = arith.addi %add3A_30, %mul3A_29 : i32
    %sub3A_32 = arith.constant 16 : i32
    %sub3A_33 = arith.subi %add3A, %sub3A_32 : i32
    %mul3A_34 = arith.constant 3 : i32
    %mul3A_35 = arith.muli %mul3A_34, %sub3A_33 : i32
    %add3A_36 = arith.constant 52 : i32
    %add3A_37 = arith.addi %add3A_36, %mul3A_35 : i32
    %select_n3A_38 = arith.select %lt3A_25, %add3A_31, %add3A_37 : i32
    %select_n3A_39 = arith.select %lt3A_23, %add3A, %select_n3A_38 : i32
    %add3A_40 = arith.constant 0 : i32
    %add3A_41 = arith.addi %select_n3A_12, %add3A_40 : i32
    %jit3A_42 = arith.constant 4 : i32
    %div3A = arith.divsi %add3A_41, %jit3A_42 : i32
    %sign3A = arith.constant 0 : i32
    %sign3A_43 = arith.cmpi sgt, %add3A_41, %sign3A : i32
    %sign3A_44 = arith.extui %sign3A_43 : i1 to i32
    %sign3A_45 = arith.constant 0 : i32
    %sign3A_46 = arith.cmpi slt, %add3A_41, %sign3A_45 : i32
    %sign3A_47 = arith.extui %sign3A_46 : i1 to i32
    %sign3A_48 = arith.subi %sign3A_44, %sign3A_47 : i32
    %sign3A_49 = arith.constant 0 : i32
    %sign3A_50 = arith.cmpi sgt, %jit3A_42, %sign3A_49 : i32
    %sign3A_51 = arith.extui %sign3A_50 : i1 to i32
    %sign3A_52 = arith.constant 0 : i32
    %sign3A_53 = arith.cmpi slt, %jit3A_42, %sign3A_52 : i32
    %sign3A_54 = arith.extui %sign3A_53 : i1 to i32
    %sign3A_55 = arith.subi %sign3A_51, %sign3A_54 : i32
    %ne3A = arith.cmpi ne, %sign3A_48, %sign3A_55 : i32
    %rem3A = arith.remsi %add3A_41, %jit3A_42 : i32
    %ne3A_56 = arith.constant 0 : i32
    %ne3A_57 = arith.cmpi ne, %rem3A, %ne3A_56 : i32
    %and3A = arith.andi %ne3A, %ne3A_57 : i1
    %sub3A_58 = arith.constant 1 : i32
    %sub3A_59 = arith.subi %div3A, %sub3A_58 : i32
    %select_n3A_60 = arith.select %and3A, %sub3A_59, %div3A : i32
    %mul3A_61 = arith.constant 8 : i32
    %mul3A_62 = arith.muli %select_n3A_60, %mul3A_61 : i32
    %jit3A_63 = arith.constant 4 : i32
    %eq3A = arith.constant 0 : i32
    %eq3A_64 = arith.cmpi eq, %jit3A_63, %eq3A : i32
    %jit3A_65 = arith.constant 1 : i32
    %select_n3A_66 = arith.select %eq3A_64, %jit3A_65, %jit3A_63 : i32
    %rem3A_67 = arith.remsi %add3A_41, %select_n3A_66 : i32
    %ne3A_68 = arith.constant 0 : i32
    %ne3A_69 = arith.cmpi ne, %rem3A_67, %ne3A_68 : i32
    %lt3A_70 = arith.constant 0 : i32
    %lt3A_71 = arith.cmpi slt, %rem3A_67, %lt3A_70 : i32
    %lt3A_72 = arith.constant 0 : i32
    %lt3A_73 = arith.cmpi slt, %select_n3A_66, %lt3A_72 : i32
    %ne3A_74 = arith.xori %lt3A_71, %lt3A_73 : i1
    %and3A_75 = arith.andi %ne3A_74, %ne3A_69 : i1
    %add3A_76 = arith.addi %rem3A_67, %select_n3A_66 : i32
    %select_n3A_77 = arith.select %and3A_75, %add3A_76, %rem3A_67 : i32
    %mul3A_78 = arith.constant 1024 : i32
    %mul3A_79 = arith.muli %select_n3A_77, %mul3A_78 : i32
    %dma_start3A = arith.constant 1 : i32
    %dma_start3A_80 = tpu.memref_slice %arg2[%dma_start3A, %mul3A_62, %mul3A_79] : memref<3x200x4096xi32, #tpu.memory_space<hbm>> -> memref<2x8x1024xi32, #tpu.memory_space<hbm>>
    %dma_start3A_81 = arith.constant 1 : i32
    %dma_start3A_82 = tpu.memref_slice %arg2[%dma_start3A_81, %mul3A_62, %mul3A_79] : memref<3x200x4096xi32, #tpu.memory_space<hbm>> -> memref<2x8x1024xi32, #tpu.memory_space<hbm>>
    tpu.enqueue_dma source(%dma_start3A_82 : memref<2x8x1024xi32, #tpu.memory_space<hbm>>) target(%arg7 : memref<2x8x1024xi32, #tpu.memory_space<vmem>>) target_semaphore(%arg11 : memref<!tpu.dma_semaphore, #tpu.memory_space<semaphore_mem>>)
    %add3A_83 = arith.constant 1 : i32
    %add3A_84 = arith.addi %select_n3A_12, %add3A_83 : i32
    %jit3A_85 = arith.constant 4 : i32
    %div3A_86 = arith.divsi %add3A_84, %jit3A_85 : i32
    %sign3A_87 = arith.constant 0 : i32
    %sign3A_88 = arith.cmpi sgt, %add3A_84, %sign3A_87 : i32
    %sign3A_89 = arith.extui %sign3A_88 : i1 to i32
    %sign3A_90 = arith.constant 0 : i32
    %sign3A_91 = arith.cmpi slt, %add3A_84, %sign3A_90 : i32
    %sign3A_92 = arith.extui %sign3A_91 : i1 to i32
    %sign3A_93 = arith.subi %sign3A_89, %sign3A_92 : i32
    %sign3A_94 = arith.constant 0 : i32
    %sign3A_95 = arith.cmpi sgt, %jit3A_85, %sign3A_94 : i32
    %sign3A_96 = arith.extui %sign3A_95 : i1 to i32
    %sign3A_97 = arith.constant 0 : i32
    %sign3A_98 = arith.cmpi slt, %jit3A_85, %sign3A_97 : i32
    %sign3A_99 = arith.extui %sign3A_98 : i1 to i32
    %sign3A_100 = arith.subi %sign3A_96, %sign3A_99 : i32
    %ne3A_101 = arith.cmpi ne, %sign3A_93, %sign3A_100 : i32
    %rem3A_102 = arith.remsi %add3A_84, %jit3A_85 : i32
    %ne3A_103 = arith.constant 0 : i32
    %ne3A_104 = arith.cmpi ne, %rem3A_102, %ne3A_103 : i32
    %and3A_105 = arith.andi %ne3A_101, %ne3A_104 : i1
    %sub3A_106 = arith.constant 1 : i32
    %sub3A_107 = arith.subi %div3A_86, %sub3A_106 : i32
    %select_n3A_108 = arith.select %and3A_105, %sub3A_107, %div3A_86 : i32
    %mul3A_109 = arith.constant 8 : i32
    %mul3A_110 = arith.muli %select_n3A_108, %mul3A_109 : i32
    %jit3A_111 = arith.constant 4 : i32
    %eq3A_112 = arith.constant 0 : i32
    %eq3A_113 = arith.cmpi eq, %jit3A_111, %eq3A_112 : i32
    %jit3A_114 = arith.constant 1 : i32
    %select_n3A_115 = arith.select %eq3A_113, %jit3A_114, %jit3A_111 : i32
    %rem3A_116 = arith.remsi %add3A_84, %select_n3A_115 : i32
    %ne3A_117 = arith.constant 0 : i32
    %ne3A_118 = arith.cmpi ne, %rem3A_116, %ne3A_117 : i32
    %lt3A_119 = arith.constant 0 : i32
    %lt3A_120 = arith.cmpi slt, %rem3A_116, %lt3A_119 : i32
    %lt3A_121 = arith.constant 0 : i32
    %lt3A_122 = arith.cmpi slt, %select_n3A_115, %lt3A_121 : i32
    %ne3A_123 = arith.xori %lt3A_120, %lt3A_122 : i1
    %and3A_124 = arith.andi %ne3A_123, %ne3A_118 : i1
    %add3A_125 = arith.addi %rem3A_116, %select_n3A_115 : i32
    %select_n3A_126 = arith.select %and3A_124, %add3A_125, %rem3A_116 : i32
    %mul3A_127 = arith.constant 1024 : i32
    %mul3A_128 = arith.muli %select_n3A_126, %mul3A_127 : i32
    %dma_start3A_129 = arith.constant 1 : i32
    %dma_start3A_130 = tpu.memref_slice %arg2[%dma_start3A_129, %mul3A_110, %mul3A_128] : memref<3x200x4096xi32, #tpu.memory_space<hbm>> -> memref<2x8x1024xi32, #tpu.memory_space<hbm>>
    %dma_start3A_131 = arith.constant 1 : i32
    %dma_start3A_132 = tpu.memref_slice %arg2[%dma_start3A_131, %mul3A_110, %mul3A_128] : memref<3x200x4096xi32, #tpu.memory_space<hbm>> -> memref<2x8x1024xi32, #tpu.memory_space<hbm>>
    tpu.enqueue_dma source(%dma_start3A_132 : memref<2x8x1024xi32, #tpu.memory_space<hbm>>) target(%arg8 : memref<2x8x1024xi32, #tpu.memory_space<vmem>>) target_semaphore(%arg12 : memref<!tpu.dma_semaphore, #tpu.memory_space<semaphore_mem>>)
    "tpu.region"() ({
      %run_scoped3A = tpu.sem_alloc : memref<!tpu.dma_semaphore, #tpu.memory_space<semaphore_mem>>
      tpu.enqueue_dma source(%arg3 : memref<256xf32, #tpu.memory_space<hbm>>) target(%arg5 : memref<256xf32, #tpu.memory_space<vmem>>) target_semaphore(%run_scoped3A : memref<!tpu.dma_semaphore, #tpu.memory_space<semaphore_mem>>)
      tpu.wait_dma2 semaphore(%run_scoped3A : memref<!tpu.dma_semaphore, #tpu.memory_space<semaphore_mem>>) src(%arg3 : memref<256xf32, #tpu.memory_space<hbm>>) dst(%arg5 : memref<256xf32, #tpu.memory_space<vmem>>)
      tpu.yield
    }) : () -> ()
    %get3A = arith.constant 0 : index
    %get3A_133 = tpu.vector_load %arg5[%get3A] {strides = array<i32>} : memref<256xf32, #tpu.memory_space<vmem>>, vector<16xf32>,
    %div3A_134 = arith.constant 1.000000e+00 : f32
    %div3A_135 = vector.broadcast %div3A_134 : f32 to vector<16xf32>
    %div3A_136 = arith.divf %div3A_135, %get3A_133 : vector<16xf32>
    %swap3A = arith.constant 0 : index
    %swap3A_137 = tpu.vector_load %arg6[%swap3A] {strides = array<i32>} : memref<256xf32, #tpu.memory_space<vmem>>, vector<16xf32>,
    tpu.vector_store %arg6[%swap3A], %div3A_136 {strides = array<i32>} : memref<256xf32, #tpu.memory_space<vmem>>, vector<16xf32>,
    %get3A_138 = arith.constant 16 : index
    %get3A_139 = tpu.vector_load %arg5[%get3A_138] {strides = array<i32>} : memref<256xf32, #tpu.memory_space<vmem>>, vector<16xf32>,
    %div3A_140 = arith.constant 1.000000e+00 : f32
    %div3A_141 = vector.broadcast %div3A_140 : f32 to vector<16xf32>
    %div3A_142 = arith.divf %div3A_141, %get3A_139 : vector<16xf32>
    %swap3A_143 = arith.constant 16 : index
    %swap3A_144 = tpu.vector_load %arg6[%swap3A_143] {strides = array<i32>} : memref<256xf32, #tpu.memory_space<vmem>>, vector<16xf32>,
    tpu.vector_store %arg6[%swap3A_143], %div3A_142 {strides = array<i32>} : memref<256xf32, #tpu.memory_space<vmem>>, vector<16xf32>,
    %get3A_145 = arith.constant 32 : index
    %get3A_146 = tpu.vector_load %arg5[%get3A_145] {strides = array<i32>} : memref<256xf32, #tpu.memory_space<vmem>>, vector<16xf32>,
    %div3A_147 = arith.constant 1.000000e+00 : f32
    %div3A_148 = vector.broadcast %div3A_147 : f32 to vector<16xf32>
    %div3A_149 = arith.divf %div3A_148, %get3A_146 : vector<16xf32>
    %swap3A_150 = arith.constant 32 : index
    %swap3A_151 = tpu.vector_load %arg6[%swap3A_150] {strides = array<i32>} : memref<256xf32, #tpu.memory_space<vmem>>, vector<16xf32>,
    tpu.vector_store %arg6[%swap3A_150], %div3A_149 {strides = array<i32>} : memref<256xf32, #tpu.memory_space<vmem>>, vector<16xf32>,
    %get3A_152 = arith.constant 48 : index
    %get3A_153 = tpu.vector_load %arg5[%get3A_152] {strides = array<i32>} : memref<256xf32, #tpu.memory_space<vmem>>, vector<16xf32>,
    %div3A_154 = arith.constant 1.000000e+00 : f32
    %div3A_155 = vector.broadcast %div3A_154 : f32 to vector<16xf32>
    %div3A_156 = arith.divf %div3A_155, %get3A_153 : vector<16xf32>
    %swap3A_157 = arith.constant 48 : index
    %swap3A_158 = tpu.vector_load %arg6[%swap3A_157] {strides = array<i32>} : memref<256xf32, #tpu.memory_space<vmem>>, vector<16xf32>,
    tpu.vector_store %arg6[%swap3A_157], %div3A_156 {strides = array<i32>} : memref<256xf32, #tpu.memory_space<vmem>>, vector<16xf32>,
    %get3A_159 = arith.constant 64 : index
    %get3A_160 = tpu.vector_load %arg5[%get3A_159] {strides = array<i32>} : memref<256xf32, #tpu.memory_space<vmem>>, vector<16xf32>,
    %div3A_161 = arith.constant 1.000000e+00 : f32
    %div3A_162 = vector.broadcast %div3A_161 : f32 to vector<16xf32>
    %div3A_163 = arith.divf %div3A_162, %get3A_160 : vector<16xf32>
    %swap3A_164 = arith.constant 64 : index
    %swap3A_165 = tpu.vector_load %arg6[%swap3A_164] {strides = array<i32>} : memref<256xf32, #tpu.memory_space<vmem>>, vector<16xf32>,
    tpu.vector_store %arg6[%swap3A_164], %div3A_163 {strides = array<i32>} : memref<256xf32, #tpu.memory_space<vmem>>, vector<16xf32>,
    %get3A_166 = arith.constant 80 : index
    %get3A_167 = tpu.vector_load %arg5[%get3A_166] {strides = array<i32>} : memref<256xf32, #tpu.memory_space<vmem>>, vector<16xf32>,
    %div3A_168 = arith.constant 1.000000e+00 : f32
    %div3A_169 = vector.broadcast %div3A_168 : f32 to vector<16xf32>
    %div3A_170 = arith.divf %div3A_169, %get3A_167 : vector<16xf32>
    %swap3A_171 = arith.constant 80 : index
    %swap3A_172 = tpu.vector_load %arg6[%swap3A_171] {strides = array<i32>} : memref<256xf32, #tpu.memory_space<vmem>>, vector<16xf32>,
    tpu.vector_store %arg6[%swap3A_171], %div3A_170 {strides = array<i32>} : memref<256xf32, #tpu.memory_space<vmem>>, vector<16xf32>,
    %get3A_173 = arith.constant 96 : index
    %get3A_174 = tpu.vector_load %arg5[%get3A_173] {strides = array<i32>} : memref<256xf32, #tpu.memory_space<vmem>>, vector<16xf32>,
    %div3A_175 = arith.constant 1.000000e+00 : f32
    %div3A_176 = vector.broadcast %div3A_175 : f32 to vector<16xf32>
    %div3A_177 = arith.divf %div3A_176, %get3A_174 : vector<16xf32>
    %swap3A_178 = arith.constant 96 : index
    %swap3A_179 = tpu.vector_load %arg6[%swap3A_178] {strides = array<i32>} : memref<256xf32, #tpu.memory_space<vmem>>, vector<16xf32>,
    tpu.vector_store %arg6[%swap3A_178], %div3A_177 {strides = array<i32>} : memref<256xf32, #tpu.memory_space<vmem>>, vector<16xf32>,
    %get3A_180 = arith.constant 112 : index
    %get3A_181 = tpu.vector_load %arg5[%get3A_180] {strides = array<i32>} : memref<256xf32, #tpu.memory_space<vmem>>, vector<16xf32>,
    %div3A_182 = arith.constant 1.000000e+00 : f32
    %div3A_183 = vector.broadcast %div3A_182 : f32 to vector<16xf32>
    %div3A_184 = arith.divf %div3A_183, %get3A_181 : vector<16xf32>
    %swap3A_185 = arith.constant 112 : index
    %swap3A_186 = tpu.vector_load %arg6[%swap3A_185] {strides = array<i32>} : memref<256xf32, #tpu.memory_space<vmem>>, vector<16xf32>,
    tpu.vector_store %arg6[%swap3A_185], %div3A_184 {strides = array<i32>} : memref<256xf32, #tpu.memory_space<vmem>>, vector<16xf32>,
    %get3A_187 = arith.constant 128 : index
    %get3A_188 = tpu.vector_load %arg5[%get3A_187] {strides = array<i32>} : memref<256xf32, #tpu.memory_space<vmem>>, vector<16xf32>,
    %div3A_189 = arith.constant 1.000000e+00 : f32
    %div3A_190 = vector.broadcast %div3A_189 : f32 to vector<16xf32>
    %div3A_191 = arith.divf %div3A_190, %get3A_188 : vector<16xf32>
    %swap3A_192 = arith.constant 128 : index
    %swap3A_193 = tpu.vector_load %arg6[%swap3A_192] {strides = array<i32>} : memref<256xf32, #tpu.memory_space<vmem>>, vector<16xf32>,
    tpu.vector_store %arg6[%swap3A_192], %div3A_191 {strides = array<i32>} : memref<256xf32, #tpu.memory_space<vmem>>, vector<16xf32>,
    %get3A_194 = arith.constant 144 : index
    %get3A_195 = tpu.vector_load %arg5[%get3A_194] {strides = array<i32>} : memref<256xf32, #tpu.memory_space<vmem>>, vector<16xf32>,
    %div3A_196 = arith.constant 1.000000e+00 : f32
    %div3A_197 = vector.broadcast %div3A_196 : f32 to vector<16xf32>
    %div3A_198 = arith.divf %div3A_197, %get3A_195 : vector<16xf32>
    %swap3A_199 = arith.constant 144 : index
    %swap3A_200 = tpu.vector_load %arg6[%swap3A_199] {strides = array<i32>} : memref<256xf32, #tpu.memory_space<vmem>>, vector<16xf32>,
    tpu.vector_store %arg6[%swap3A_199], %div3A_198 {strides = array<i32>} : memref<256xf32, #tpu.memory_space<vmem>>, vector<16xf32>,
    %get3A_201 = arith.constant 160 : index
    %get3A_202 = tpu.vector_load %arg5[%get3A_201] {strides = array<i32>} : memref<256xf32, #tpu.memory_space<vmem>>, vector<16xf32>,
    %div3A_203 = arith.constant 1.000000e+00 : f32
    %div3A_204 = vector.broadcast %div3A_203 : f32 to vector<16xf32>
    %div3A_205 = arith.divf %div3A_204, %get3A_202 : vector<16xf32>
    %swap3A_206 = arith.constant 160 : index
    %swap3A_207 = tpu.vector_load %arg6[%swap3A_206] {strides = array<i32>} : memref<256xf32, #tpu.memory_space<vmem>>, vector<16xf32>,
    tpu.vector_store %arg6[%swap3A_206], %div3A_205 {strides = array<i32>} : memref<256xf32, #tpu.memory_space<vmem>>, vector<16xf32>,
    %get3A_208 = arith.constant 176 : index
    %get3A_209 = tpu.vector_load %arg5[%get3A_208] {strides = array<i32>} : memref<256xf32, #tpu.memory_space<vmem>>, vector<16xf32>,
    %div3A_210 = arith.constant 1.000000e+00 : f32
    %div3A_211 = vector.broadcast %div3A_210 : f32 to vector<16xf32>
    %div3A_212 = arith.divf %div3A_211, %get3A_209 : vector<16xf32>
    %swap3A_213 = arith.constant 176 : index
    %swap3A_214 = tpu.vector_load %arg6[%swap3A_213] {strides = array<i32>} : memref<256xf32, #tpu.memory_space<vmem>>, vector<16xf32>,
    tpu.vector_store %arg6[%swap3A_213], %div3A_212 {strides = array<i32>} : memref<256xf32, #tpu.memory_space<vmem>>, vector<16xf32>,
    %get3A_215 = arith.constant 192 : index
    %get3A_216 = tpu.vector_load %arg5[%get3A_215] {strides = array<i32>} : memref<256xf32, #tpu.memory_space<vmem>>, vector<16xf32>,
    %div3A_217 = arith.constant 1.000000e+00 : f32
    %div3A_218 = vector.broadcast %div3A_217 : f32 to vector<16xf32>
    %div3A_219 = arith.divf %div3A_218, %get3A_216 : vector<16xf32>
    %swap3A_220 = arith.constant 192 : index
    %swap3A_221 = tpu.vector_load %arg6[%swap3A_220] {strides = array<i32>} : memref<256xf32, #tpu.memory_space<vmem>>, vector<16xf32>,
    tpu.vector_store %arg6[%swap3A_220], %div3A_219 {strides = array<i32>} : memref<256xf32, #tpu.memory_space<vmem>>, vector<16xf32>,
    %get3A_222 = arith.constant 208 : index
    %get3A_223 = tpu.vector_load %arg5[%get3A_222] {strides = array<i32>} : memref<256xf32, #tpu.memory_space<vmem>>, vector<16xf32>,
    %div3A_224 = arith.constant 1.000000e+00 : f32
    %div3A_225 = vector.broadcast %div3A_224 : f32 to vector<16xf32>
    %div3A_226 = arith.divf %div3A_225, %get3A_223 : vector<16xf32>
    %swap3A_227 = arith.constant 208 : index
    %swap3A_228 = tpu.vector_load %arg6[%swap3A_227] {strides = array<i32>} : memref<256xf32, #tpu.memory_space<vmem>>, vector<16xf32>,
    tpu.vector_store %arg6[%swap3A_227], %div3A_226 {strides = array<i32>} : memref<256xf32, #tpu.memory_space<vmem>>, vector<16xf32>,
    %get3A_229 = arith.constant 224 : index
    %get3A_230 = tpu.vector_load %arg5[%get3A_229] {strides = array<i32>} : memref<256xf32, #tpu.memory_space<vmem>>, vector<16xf32>,
    %div3A_231 = arith.constant 1.000000e+00 : f32
    %div3A_232 = vector.broadcast %div3A_231 : f32 to vector<16xf32>
    %div3A_233 = arith.divf %div3A_232, %get3A_230 : vector<16xf32>
    %swap3A_234 = arith.constant 224 : index
    %swap3A_235 = tpu.vector_load %arg6[%swap3A_234] {strides = array<i32>} : memref<256xf32, #tpu.memory_space<vmem>>, vector<16xf32>,
    tpu.vector_store %arg6[%swap3A_234], %div3A_233 {strides = array<i32>} : memref<256xf32, #tpu.memory_space<vmem>>, vector<16xf32>,
    %get3A_236 = arith.constant 240 : index
    %get3A_237 = tpu.vector_load %arg5[%get3A_236] {strides = array<i32>} : memref<256xf32, #tpu.memory_space<vmem>>, vector<16xf32>,
    %div3A_238 = arith.constant 1.000000e+00 : f32
    %div3A_239 = vector.broadcast %div3A_238 : f32 to vector<16xf32>
    %div3A_240 = arith.divf %div3A_239, %get3A_237 : vector<16xf32>
    %swap3A_241 = arith.constant 240 : index
    %swap3A_242 = tpu.vector_load %arg6[%swap3A_241] {strides = array<i32>} : memref<256xf32, #tpu.memory_space<vmem>>, vector<16xf32>,
    tpu.vector_store %arg6[%swap3A_241], %div3A_240 {strides = array<i32>} : memref<256xf32, #tpu.memory_space<vmem>>, vector<16xf32>,
    %add3A_243 = arith.constant 0 : i32
    %add3A_244 = arith.addi %select_n3A_12, %add3A_243 : i32
    %jit3A_245 = arith.constant 4 : i32
    %div3A_246 = arith.divsi %add3A_244, %jit3A_245 : i32
    %sign3A_247 = arith.constant 0 : i32
    %sign3A_248 = arith.cmpi sgt, %add3A_244, %sign3A_247 : i32
    %sign3A_249 = arith.extui %sign3A_248 : i1 to i32
    %sign3A_250 = arith.constant 0 : i32
    %sign3A_251 = arith.cmpi slt, %add3A_244, %sign3A_250 : i32
    %sign3A_252 = arith.extui %sign3A_251 : i1 to i32
    %sign3A_253 = arith.subi %sign3A_249, %sign3A_252 : i32
    %sign3A_254 = arith.constant 0 : i32
    %sign3A_255 = arith.cmpi sgt, %jit3A_245, %sign3A_254 : i32
    %sign3A_256 = arith.extui %sign3A_255 : i1 to i32
    %sign3A_257 = arith.constant 0 : i32
    %sign3A_258 = arith.cmpi slt, %jit3A_245, %sign3A_257 : i32
    %sign3A_259 = arith.extui %sign3A_258 : i1 to i32
    %sign3A_260 = arith.subi %sign3A_256, %sign3A_259 : i32
    %ne3A_261 = arith.cmpi ne, %sign3A_253, %sign3A_260 : i32
    %rem3A_262 = arith.remsi %add3A_244, %jit3A_245 : i32
    %ne3A_263 = arith.constant 0 : i32
    %ne3A_264 = arith.cmpi ne, %rem3A_262, %ne3A_263 : i32
    %and3A_265 = arith.andi %ne3A_261, %ne3A_264 : i1
    %sub3A_266 = arith.constant 1 : i32
    %sub3A_267 = arith.subi %div3A_246, %sub3A_266 : i32
    %select_n3A_268 = arith.select %and3A_265, %sub3A_267, %div3A_246 : i32
    %mul3A_269 = arith.constant 8 : i32
    %mul3A_270 = arith.muli %select_n3A_268, %mul3A_269 : i32
    %jit3A_271 = arith.constant 4 : i32
    %eq3A_272 = arith.constant 0 : i32
    %eq3A_273 = arith.cmpi eq, %jit3A_271, %eq3A_272 : i32
    %jit3A_274 = arith.constant 1 : i32
    %select_n3A_275 = arith.select %eq3A_273, %jit3A_274, %jit3A_271 : i32
    %rem3A_276 = arith.remsi %add3A_244, %select_n3A_275 : i32
    %ne3A_277 = arith.constant 0 : i32
    %ne3A_278 = arith.cmpi ne, %rem3A_276, %ne3A_277 : i32
    %lt3A_279 = arith.constant 0 : i32
    %lt3A_280 = arith.cmpi slt, %rem3A_276, %lt3A_279 : i32
    %lt3A_281 = arith.constant 0 : i32
    %lt3A_282 = arith.cmpi slt, %select_n3A_275, %lt3A_281 : i32
    %ne3A_283 = arith.xori %lt3A_280, %lt3A_282 : i1
    %and3A_284 = arith.andi %ne3A_283, %ne3A_278 : i1
    %add3A_285 = arith.addi %rem3A_276, %select_n3A_275 : i32
    %select_n3A_286 = arith.select %and3A_284, %add3A_285, %rem3A_276 : i32
    %mul3A_287 = arith.constant 1024 : i32
    %mul3A_288 = arith.muli %select_n3A_286, %mul3A_287 : i32
    %dma_wait3A = arith.constant 1 : i32
    %dma_wait3A_289 = tpu.memref_slice %arg2[%dma_wait3A, %mul3A_270, %mul3A_288] : memref<3x200x4096xi32, #tpu.memory_space<hbm>> -> memref<2x8x1024xi32, #tpu.memory_space<hbm>>
    %dma_wait3A_290 = arith.constant 1 : i32
    %dma_wait3A_291 = tpu.memref_slice %arg2[%dma_wait3A_290, %mul3A_270, %mul3A_288] : memref<3x200x4096xi32, #tpu.memory_space<hbm>> -> memref<2x8x1024xi32, #tpu.memory_space<hbm>>
    tpu.wait_dma2 semaphore(%arg11 : memref<!tpu.dma_semaphore, #tpu.memory_space<semaphore_mem>>) src(%dma_wait3A_291 : memref<2x8x1024xi32, #tpu.memory_space<hbm>>) dst(%arg7 : memref<2x8x1024xi32, #tpu.memory_space<vmem>>)
    %scan3A = arith.constant 0 : i32
    %scan3A_292 = arith.constant 0 : i32
    %scan3A_293 = arith.constant 8 : i32
    %scan3A_294 = arith.addi %scan3A_292, %scan3A_293 : i32
    %scan3A_295 = arith.constant 1 : i32
    scf.for %scan3A_990 = %scan3A_292 to %scan3A_294 step %scan3A_295  : i32 {
      %parallel_loop3A = arith.constant 0 : i32
      %parallel_loop3A_991 = arith.constant 64 : i32
      %parallel_loop3A_992 = arith.constant 1 : i32
      scf.for %parallel_loop3A_993 = %parallel_loop3A to %parallel_loop3A_991 step %parallel_loop3A_992  : i32 {
        %parallel_loop3A_994 = arith.constant 16 : i32
        %parallel_loop3A_995 = arith.muli %parallel_loop3A_993, %parallel_loop3A_994 : i32
        %parallel_loop3A_996 = arith.constant 0 : i32
        %parallel_loop3A_997 = arith.index_cast %parallel_loop3A_996 : i32 to index
        %parallel_loop3A_998 = arith.index_cast %scan3A_990 : i32 to index
        %parallel_loop3A_999 = arith.index_cast %parallel_loop3A_995 : i32 to index
        %parallel_loop3A_1000 = tpu.vector_load %arg7[%parallel_loop3A_997, %parallel_loop3A_998, %parallel_loop3A_999] {strides = array<i32>} : memref<2x8x1024xi32, #tpu.memory_space<vmem>>, vector<16xi32>,
        %parallel_loop3A_1001 = arith.constant 1 : i32
        %parallel_loop3A_1002 = arith.index_cast %parallel_loop3A_1001 : i32 to index
        %parallel_loop3A_1003 = arith.index_cast %scan3A_990 : i32 to index
        %parallel_loop3A_1004 = arith.index_cast %parallel_loop3A_995 : i32 to index
        %parallel_loop3A_1005 = tpu.vector_load %arg7[%parallel_loop3A_1002, %parallel_loop3A_1003, %parallel_loop3A_1004] {strides = array<i32>} : memref<2x8x1024xi32, #tpu.memory_space<vmem>>, vector<16xi32>,
        %parallel_loop3A_1006 = tpu.vector_load_idx %arg6[%parallel_loop3A_1000] : memref<256xf32, #tpu.memory_space<vmem>>[vector<16xi32>], vector<16xf32>,
        %parallel_loop3A_1007 = arith.sitofp %parallel_loop3A_1000 : vector<16xi32> to vector<16xf32>
        %parallel_loop3A_1008 = arith.constant 0 : i32
        %parallel_loop3A_1009 = arith.index_cast %parallel_loop3A_1008 : i32 to index
        %parallel_loop3A_1010 = arith.index_cast %scan3A_990 : i32 to index
        %parallel_loop3A_1011 = arith.index_cast %parallel_loop3A_995 : i32 to index
        %parallel_loop3A_1012 = tpu.vector_load %arg9[%parallel_loop3A_1009, %parallel_loop3A_1010, %parallel_loop3A_1011] {strides = array<i32>} : memref<2x8x1024xf32, #tpu.memory_space<vmem>>, vector<16xf32>,
        tpu.vector_store %arg9[%parallel_loop3A_1009, %parallel_loop3A_1010, %parallel_loop3A_1011], %parallel_loop3A_1007 {strides = array<i32>} : memref<2x8x1024xf32, #tpu.memory_space<vmem>>, vector<16xf32>,
        %parallel_loop3A_1013 = arith.sitofp %parallel_loop3A_1005 : vector<16xi32> to vector<16xf32>
        %parallel_loop3A_1014 = arith.mulf %parallel_loop3A_1013, %parallel_loop3A_1006 : vector<16xf32>
        %parallel_loop3A_1015 = arith.constant 1 : i32
        %parallel_loop3A_1016 = arith.index_cast %parallel_loop3A_1015 : i32 to index
        %parallel_loop3A_1017 = arith.index_cast %scan3A_990 : i32 to index
        %parallel_loop3A_1018 = arith.index_cast %parallel_loop3A_995 : i32 to index
        %parallel_loop3A_1019 = tpu.vector_load %arg9[%parallel_loop3A_1016, %parallel_loop3A_1017, %parallel_loop3A_1018] {strides = array<i32>} : memref<2x8x1024xf32, #tpu.memory_space<vmem>>, vector<16xf32>,
        tpu.vector_store %arg9[%parallel_loop3A_1016, %parallel_loop3A_1017, %parallel_loop3A_1018], %parallel_loop3A_1014 {strides = array<i32>} : memref<2x8x1024xf32, #tpu.memory_space<vmem>>, vector<16xf32>,
      } {sc.loop_unroll_factor = 8 : i64, sc.parallel_access}
    }
    %scan3A_296 = arith.constant 8 : i32
    %jit3A_297 = arith.constant 4 : i32
    %div3A_298 = arith.divsi %add3A_244, %jit3A_297 : i32
    %sign3A_299 = arith.constant 0 : i32
    %sign3A_300 = arith.cmpi sgt, %add3A_244, %sign3A_299 : i32
    %sign3A_301 = arith.extui %sign3A_300 : i1 to i32
    %sign3A_302 = arith.constant 0 : i32
    %sign3A_303 = arith.cmpi slt, %add3A_244, %sign3A_302 : i32
    %sign3A_304 = arith.extui %sign3A_303 : i1 to i32
    %sign3A_305 = arith.subi %sign3A_301, %sign3A_304 : i32
    %sign3A_306 = arith.constant 0 : i32
    %sign3A_307 = arith.cmpi sgt, %jit3A_297, %sign3A_306 : i32
    %sign3A_308 = arith.extui %sign3A_307 : i1 to i32
    %sign3A_309 = arith.constant 0 : i32
    %sign3A_310 = arith.cmpi slt, %jit3A_297, %sign3A_309 : i32
    %sign3A_311 = arith.extui %sign3A_310 : i1 to i32
    %sign3A_312 = arith.subi %sign3A_308, %sign3A_311 : i32
    %ne3A_313 = arith.cmpi ne, %sign3A_305, %sign3A_312 : i32
    %rem3A_314 = arith.remsi %add3A_244, %jit3A_297 : i32
    %ne3A_315 = arith.constant 0 : i32
    %ne3A_316 = arith.cmpi ne, %rem3A_314, %ne3A_315 : i32
    %and3A_317 = arith.andi %ne3A_313, %ne3A_316 : i1
    %sub3A_318 = arith.constant 1 : i32
    %sub3A_319 = arith.subi %div3A_298, %sub3A_318 : i32
    %select_n3A_320 = arith.select %and3A_317, %sub3A_319, %div3A_298 : i32
    %mul3A_321 = arith.constant 8 : i32
    %mul3A_322 = arith.muli %select_n3A_320, %mul3A_321 : i32
    %jit3A_323 = arith.constant 4 : i32
    %eq3A_324 = arith.constant 0 : i32
    %eq3A_325 = arith.cmpi eq, %jit3A_323, %eq3A_324 : i32
    %jit3A_326 = arith.constant 1 : i32
    %select_n3A_327 = arith.select %eq3A_325, %jit3A_326, %jit3A_323 : i32
    %rem3A_328 = arith.remsi %add3A_244, %select_n3A_327 : i32
    %ne3A_329 = arith.constant 0 : i32
    %ne3A_330 = arith.cmpi ne, %rem3A_328, %ne3A_329 : i32
    %lt3A_331 = arith.constant 0 : i32
    %lt3A_332 = arith.cmpi slt, %rem3A_328, %lt3A_331 : i32
    %lt3A_333 = arith.constant 0 : i32
    %lt3A_334 = arith.cmpi slt, %select_n3A_327, %lt3A_333 : i32
    %ne3A_335 = arith.xori %lt3A_332, %lt3A_334 : i1
    %and3A_336 = arith.andi %ne3A_335, %ne3A_330 : i1
    %add3A_337 = arith.addi %rem3A_328, %select_n3A_327 : i32
    %select_n3A_338 = arith.select %and3A_336, %add3A_337, %rem3A_328 : i32
    %mul3A_339 = arith.constant 1024 : i32
    %mul3A_340 = arith.muli %select_n3A_338, %mul3A_339 : i32
    %dma_start3A_341 = arith.constant 1 : i32
    %dma_start3A_342 = tpu.memref_slice %arg4[%dma_start3A_341, %mul3A_322, %mul3A_340] : memref<3x200x4096xf32, #tpu.memory_space<hbm>> -> memref<2x8x1024xf32, #tpu.memory_space<hbm>>
    %dma_start3A_343 = arith.constant 1 : i32
    %dma_start3A_344 = tpu.memref_slice %arg4[%dma_start3A_343, %mul3A_322, %mul3A_340] : memref<3x200x4096xf32, #tpu.memory_space<hbm>> -> memref<2x8x1024xf32, #tpu.memory_space<hbm>>
    tpu.enqueue_dma source(%arg9 : memref<2x8x1024xf32, #tpu.memory_space<vmem>>) target(%dma_start3A_344 : memref<2x8x1024xf32, #tpu.memory_space<hbm>>) target_semaphore(%arg13 : memref<!tpu.dma_semaphore, #tpu.memory_space<semaphore_mem>>)
    %gt3A = arith.constant 2 : i32
    %gt3A_345 = arith.cmpi sgt, %select_n3A, %gt3A : i32
    %convert_element_type3A = arith.extui %gt3A_345 : i1 to i32
    %cond3A = arith.constant 0 : i32
    %cond3A_346 = arith.cmpi ne, %convert_element_type3A, %cond3A : i32
    scf.if %cond3A_346 {
      %add3A_990 = arith.constant 2 : i32
      %add3A_991 = arith.addi %select_n3A_12, %add3A_990 : i32
      %jit3A_992 = arith.constant 4 : i32
      %div3A_993 = arith.divsi %add3A_991, %jit3A_992 : i32
      %sign3A_994 = arith.constant 0 : i32
      %sign3A_995 = arith.cmpi sgt, %add3A_991, %sign3A_994 : i32
      %sign3A_996 = arith.extui %sign3A_995 : i1 to i32
      %sign3A_997 = arith.constant 0 : i32
      %sign3A_998 = arith.cmpi slt, %add3A_991, %sign3A_997 : i32
      %sign3A_999 = arith.extui %sign3A_998 : i1 to i32
      %sign3A_1000 = arith.subi %sign3A_996, %sign3A_999 : i32
      %sign3A_1001 = arith.constant 0 : i32
      %sign3A_1002 = arith.cmpi sgt, %jit3A_992, %sign3A_1001 : i32
      %sign3A_1003 = arith.extui %sign3A_1002 : i1 to i32
      %sign3A_1004 = arith.constant 0 : i32
      %sign3A_1005 = arith.cmpi slt, %jit3A_992, %sign3A_1004 : i32
      %sign3A_1006 = arith.extui %sign3A_1005 : i1 to i32
      %sign3A_1007 = arith.subi %sign3A_1003, %sign3A_1006 : i32
      %ne3A_1008 = arith.cmpi ne, %sign3A_1000, %sign3A_1007 : i32
      %rem3A_1009 = arith.remsi %add3A_991, %jit3A_992 : i32
      %ne3A_1010 = arith.constant 0 : i32
      %ne3A_1011 = arith.cmpi ne, %rem3A_1009, %ne3A_1010 : i32
      %and3A_1012 = arith.andi %ne3A_1008, %ne3A_1011 : i1
      %sub3A_1013 = arith.constant 1 : i32
      %sub3A_1014 = arith.subi %div3A_993, %sub3A_1013 : i32
      %select_n3A_1015 = arith.select %and3A_1012, %sub3A_1014, %div3A_993 : i32
      %mul3A_1016 = arith.constant 8 : i32
      %mul3A_1017 = arith.muli %select_n3A_1015, %mul3A_1016 : i32
      %jit3A_1018 = arith.constant 4 : i32
      %eq3A_1019 = arith.constant 0 : i32
      %eq3A_1020 = arith.cmpi eq, %jit3A_1018, %eq3A_1019 : i32
      %jit3A_1021 = arith.constant 1 : i32
      %select_n3A_1022 = arith.select %eq3A_1020, %jit3A_1021, %jit3A_1018 : i32
      %rem3A_1023 = arith.remsi %add3A_991, %select_n3A_1022 : i32
      %ne3A_1024 = arith.constant 0 : i32
      %ne3A_1025 = arith.cmpi ne, %rem3A_1023, %ne3A_1024 : i32
      %lt3A_1026 = arith.constant 0 : i32
      %lt3A_1027 = arith.cmpi slt, %rem3A_1023, %lt3A_1026 : i32
      %lt3A_1028 = arith.constant 0 : i32
      %lt3A_1029 = arith.cmpi slt, %select_n3A_1022, %lt3A_1028 : i32
      %ne3A_1030 = arith.xori %lt3A_1027, %lt3A_1029 : i1
      %and3A_1031 = arith.andi %ne3A_1030, %ne3A_1025 : i1
      %add3A_1032 = arith.addi %rem3A_1023, %select_n3A_1022 : i32
      %select_n3A_1033 = arith.select %and3A_1031, %add3A_1032, %rem3A_1023 : i32
      %mul3A_1034 = arith.constant 1024 : i32
      %mul3A_1035 = arith.muli %select_n3A_1033, %mul3A_1034 : i32
      %dma_start3A_1036 = arith.constant 1 : i32
      %dma_start3A_1037 = tpu.memref_slice %arg2[%dma_start3A_1036, %mul3A_1017, %mul3A_1035] : memref<3x200x4096xi32, #tpu.memory_space<hbm>> -> memref<2x8x1024xi32, #tpu.memory_space<hbm>>
      %dma_start3A_1038 = arith.constant 1 : i32
      %dma_start3A_1039 = tpu.memref_slice %arg2[%dma_start3A_1038, %mul3A_1017, %mul3A_1035] : memref<3x200x4096xi32, #tpu.memory_space<hbm>> -> memref<2x8x1024xi32, #tpu.memory_space<hbm>>
      tpu.enqueue_dma source(%dma_start3A_1039 : memref<2x8x1024xi32, #tpu.memory_space<hbm>>) target(%arg7 : memref<2x8x1024xi32, #tpu.memory_space<vmem>>) target_semaphore(%arg11 : memref<!tpu.dma_semaphore, #tpu.memory_space<semaphore_mem>>)
    } else {
    }
    %add3A_347 = arith.constant 1 : i32
    %add3A_348 = arith.addi %select_n3A_12, %add3A_347 : i32
    %jit3A_349 = arith.constant 4 : i32
    %div3A_350 = arith.divsi %add3A_348, %jit3A_349 : i32
    %sign3A_351 = arith.constant 0 : i32
    %sign3A_352 = arith.cmpi sgt, %add3A_348, %sign3A_351 : i32
    %sign3A_353 = arith.extui %sign3A_352 : i1 to i32
    %sign3A_354 = arith.constant 0 : i32
    %sign3A_355 = arith.cmpi slt, %add3A_348, %sign3A_354 : i32
    %sign3A_356 = arith.extui %sign3A_355 : i1 to i32
    %sign3A_357 = arith.subi %sign3A_353, %sign3A_356 : i32
    %sign3A_358 = arith.constant 0 : i32
    %sign3A_359 = arith.cmpi sgt, %jit3A_349, %sign3A_358 : i32
    %sign3A_360 = arith.extui %sign3A_359 : i1 to i32
    %sign3A_361 = arith.constant 0 : i32
    %sign3A_362 = arith.cmpi slt, %jit3A_349, %sign3A_361 : i32
    %sign3A_363 = arith.extui %sign3A_362 : i1 to i32
    %sign3A_364 = arith.subi %sign3A_360, %sign3A_363 : i32
    %ne3A_365 = arith.cmpi ne, %sign3A_357, %sign3A_364 : i32
    %rem3A_366 = arith.remsi %add3A_348, %jit3A_349 : i32
    %ne3A_367 = arith.constant 0 : i32
    %ne3A_368 = arith.cmpi ne, %rem3A_366, %ne3A_367 : i32
    %and3A_369 = arith.andi %ne3A_365, %ne3A_368 : i1
    %sub3A_370 = arith.constant 1 : i32
    %sub3A_371 = arith.subi %div3A_350, %sub3A_370 : i32
    %select_n3A_372 = arith.select %and3A_369, %sub3A_371, %div3A_350 : i32
    %mul3A_373 = arith.constant 8 : i32
    %mul3A_374 = arith.muli %select_n3A_372, %mul3A_373 : i32
    %jit3A_375 = arith.constant 4 : i32
    %eq3A_376 = arith.constant 0 : i32
    %eq3A_377 = arith.cmpi eq, %jit3A_375, %eq3A_376 : i32
    %jit3A_378 = arith.constant 1 : i32
    %select_n3A_379 = arith.select %eq3A_377, %jit3A_378, %jit3A_375 : i32
    %rem3A_380 = arith.remsi %add3A_348, %select_n3A_379 : i32
    %ne3A_381 = arith.constant 0 : i32
    %ne3A_382 = arith.cmpi ne, %rem3A_380, %ne3A_381 : i32
    %lt3A_383 = arith.constant 0 : i32
    %lt3A_384 = arith.cmpi slt, %rem3A_380, %lt3A_383 : i32
    %lt3A_385 = arith.constant 0 : i32
    %lt3A_386 = arith.cmpi slt, %select_n3A_379, %lt3A_385 : i32
    %ne3A_387 = arith.xori %lt3A_384, %lt3A_386 : i1
    %and3A_388 = arith.andi %ne3A_387, %ne3A_382 : i1
    %add3A_389 = arith.addi %rem3A_380, %select_n3A_379 : i32
    %select_n3A_390 = arith.select %and3A_388, %add3A_389, %rem3A_380 : i32
    %mul3A_391 = arith.constant 1024 : i32
    %mul3A_392 = arith.muli %select_n3A_390, %mul3A_391 : i32
    %dma_wait3A_393 = arith.constant 1 : i32
    %dma_wait3A_394 = tpu.memref_slice %arg2[%dma_wait3A_393, %mul3A_374, %mul3A_392] : memref<3x200x4096xi32, #tpu.memory_space<hbm>> -> memref<2x8x1024xi32, #tpu.memory_space<hbm>>
    %dma_wait3A_395 = arith.constant 1 : i32
    %dma_wait3A_396 = tpu.memref_slice %arg2[%dma_wait3A_395, %mul3A_374, %mul3A_392] : memref<3x200x4096xi32, #tpu.memory_space<hbm>> -> memref<2x8x1024xi32, #tpu.memory_space<hbm>>
    tpu.wait_dma2 semaphore(%arg12 : memref<!tpu.dma_semaphore, #tpu.memory_space<semaphore_mem>>) src(%dma_wait3A_396 : memref<2x8x1024xi32, #tpu.memory_space<hbm>>) dst(%arg8 : memref<2x8x1024xi32, #tpu.memory_space<vmem>>)
    %scan3A_397 = arith.constant 0 : i32
    %scan3A_398 = arith.constant 0 : i32
    %scan3A_399 = arith.constant 8 : i32
    %scan3A_400 = arith.addi %scan3A_398, %scan3A_399 : i32
    %scan3A_401 = arith.constant 1 : i32
    scf.for %scan3A_990 = %scan3A_398 to %scan3A_400 step %scan3A_401  : i32 {
      %parallel_loop3A = arith.constant 0 : i32
      %parallel_loop3A_991 = arith.constant 64 : i32
      %parallel_loop3A_992 = arith.constant 1 : i32
      scf.for %parallel_loop3A_993 = %parallel_loop3A to %parallel_loop3A_991 step %parallel_loop3A_992  : i32 {
        %parallel_loop3A_994 = arith.constant 16 : i32
        %parallel_loop3A_995 = arith.muli %parallel_loop3A_993, %parallel_loop3A_994 : i32
        %parallel_loop3A_996 = arith.constant 0 : i32
        %parallel_loop3A_997 = arith.index_cast %parallel_loop3A_996 : i32 to index
        %parallel_loop3A_998 = arith.index_cast %scan3A_990 : i32 to index
        %parallel_loop3A_999 = arith.index_cast %parallel_loop3A_995 : i32 to index
        %parallel_loop3A_1000 = tpu.vector_load %arg8[%parallel_loop3A_997, %parallel_loop3A_998, %parallel_loop3A_999] {strides = array<i32>} : memref<2x8x1024xi32, #tpu.memory_space<vmem>>, vector<16xi32>,
        %parallel_loop3A_1001 = arith.constant 1 : i32
        %parallel_loop3A_1002 = arith.index_cast %parallel_loop3A_1001 : i32 to index
        %parallel_loop3A_1003 = arith.index_cast %scan3A_990 : i32 to index
        %parallel_loop3A_1004 = arith.index_cast %parallel_loop3A_995 : i32 to index
        %parallel_loop3A_1005 = tpu.vector_load %arg8[%parallel_loop3A_1002, %parallel_loop3A_1003, %parallel_loop3A_1004] {strides = array<i32>} : memref<2x8x1024xi32, #tpu.memory_space<vmem>>, vector<16xi32>,
        %parallel_loop3A_1006 = tpu.vector_load_idx %arg6[%parallel_loop3A_1000] : memref<256xf32, #tpu.memory_space<vmem>>[vector<16xi32>], vector<16xf32>,
        %parallel_loop3A_1007 = arith.sitofp %parallel_loop3A_1000 : vector<16xi32> to vector<16xf32>
        %parallel_loop3A_1008 = arith.constant 0 : i32
        %parallel_loop3A_1009 = arith.index_cast %parallel_loop3A_1008 : i32 to index
        %parallel_loop3A_1010 = arith.index_cast %scan3A_990 : i32 to index
        %parallel_loop3A_1011 = arith.index_cast %parallel_loop3A_995 : i32 to index
        %parallel_loop3A_1012 = tpu.vector_load %arg10[%parallel_loop3A_1009, %parallel_loop3A_1010, %parallel_loop3A_1011] {strides = array<i32>} : memref<2x8x1024xf32, #tpu.memory_space<vmem>>, vector<16xf32>,
        tpu.vector_store %arg10[%parallel_loop3A_1009, %parallel_loop3A_1010, %parallel_loop3A_1011], %parallel_loop3A_1007 {strides = array<i32>} : memref<2x8x1024xf32, #tpu.memory_space<vmem>>, vector<16xf32>,
        %parallel_loop3A_1013 = arith.sitofp %parallel_loop3A_1005 : vector<16xi32> to vector<16xf32>
        %parallel_loop3A_1014 = arith.mulf %parallel_loop3A_1013, %parallel_loop3A_1006 : vector<16xf32>
        %parallel_loop3A_1015 = arith.constant 1 : i32
        %parallel_loop3A_1016 = arith.index_cast %parallel_loop3A_1015 : i32 to index
        %parallel_loop3A_1017 = arith.index_cast %scan3A_990 : i32 to index
        %parallel_loop3A_1018 = arith.index_cast %parallel_loop3A_995 : i32 to index
        %parallel_loop3A_1019 = tpu.vector_load %arg10[%parallel_loop3A_1016, %parallel_loop3A_1017, %parallel_loop3A_1018] {strides = array<i32>} : memref<2x8x1024xf32, #tpu.memory_space<vmem>>, vector<16xf32>,
        tpu.vector_store %arg10[%parallel_loop3A_1016, %parallel_loop3A_1017, %parallel_loop3A_1018], %parallel_loop3A_1014 {strides = array<i32>} : memref<2x8x1024xf32, #tpu.memory_space<vmem>>, vector<16xf32>,
      } {sc.loop_unroll_factor = 8 : i64, sc.parallel_access}
    }
    %scan3A_402 = arith.constant 8 : i32
    %jit3A_403 = arith.constant 4 : i32
    %div3A_404 = arith.divsi %add3A_348, %jit3A_403 : i32
    %sign3A_405 = arith.constant 0 : i32
    %sign3A_406 = arith.cmpi sgt, %add3A_348, %sign3A_405 : i32
    %sign3A_407 = arith.extui %sign3A_406 : i1 to i32
    %sign3A_408 = arith.constant 0 : i32
    %sign3A_409 = arith.cmpi slt, %add3A_348, %sign3A_408 : i32
    %sign3A_410 = arith.extui %sign3A_409 : i1 to i32
    %sign3A_411 = arith.subi %sign3A_407, %sign3A_410 : i32
    %sign3A_412 = arith.constant 0 : i32
    %sign3A_413 = arith.cmpi sgt, %jit3A_403, %sign3A_412 : i32
    %sign3A_414 = arith.extui %sign3A_413 : i1 to i32
    %sign3A_415 = arith.constant 0 : i32
    %sign3A_416 = arith.cmpi slt, %jit3A_403, %sign3A_415 : i32
    %sign3A_417 = arith.extui %sign3A_416 : i1 to i32
    %sign3A_418 = arith.subi %sign3A_414, %sign3A_417 : i32
    %ne3A_419 = arith.cmpi ne, %sign3A_411, %sign3A_418 : i32
    %rem3A_420 = arith.remsi %add3A_348, %jit3A_403 : i32
    %ne3A_421 = arith.constant 0 : i32
    %ne3A_422 = arith.cmpi ne, %rem3A_420, %ne3A_421 : i32
    %and3A_423 = arith.andi %ne3A_419, %ne3A_422 : i1
    %sub3A_424 = arith.constant 1 : i32
    %sub3A_425 = arith.subi %div3A_404, %sub3A_424 : i32
    %select_n3A_426 = arith.select %and3A_423, %sub3A_425, %div3A_404 : i32
    %mul3A_427 = arith.constant 8 : i32
    %mul3A_428 = arith.muli %select_n3A_426, %mul3A_427 : i32
    %jit3A_429 = arith.constant 4 : i32
    %eq3A_430 = arith.constant 0 : i32
    %eq3A_431 = arith.cmpi eq, %jit3A_429, %eq3A_430 : i32
    %jit3A_432 = arith.constant 1 : i32
    %select_n3A_433 = arith.select %eq3A_431, %jit3A_432, %jit3A_429 : i32
    %rem3A_434 = arith.remsi %add3A_348, %select_n3A_433 : i32
    %ne3A_435 = arith.constant 0 : i32
    %ne3A_436 = arith.cmpi ne, %rem3A_434, %ne3A_435 : i32
    %lt3A_437 = arith.constant 0 : i32
    %lt3A_438 = arith.cmpi slt, %rem3A_434, %lt3A_437 : i32
    %lt3A_439 = arith.constant 0 : i32
    %lt3A_440 = arith.cmpi slt, %select_n3A_433, %lt3A_439 : i32
    %ne3A_441 = arith.xori %lt3A_438, %lt3A_440 : i1
    %and3A_442 = arith.andi %ne3A_441, %ne3A_436 : i1
    %add3A_443 = arith.addi %rem3A_434, %select_n3A_433 : i32
    %select_n3A_444 = arith.select %and3A_442, %add3A_443, %rem3A_434 : i32
    %mul3A_445 = arith.constant 1024 : i32
    %mul3A_446 = arith.muli %select_n3A_444, %mul3A_445 : i32
    %dma_start3A_447 = arith.constant 1 : i32
    %dma_start3A_448 = tpu.memref_slice %arg4[%dma_start3A_447, %mul3A_428, %mul3A_446] : memref<3x200x4096xf32, #tpu.memory_space<hbm>> -> memref<2x8x1024xf32, #tpu.memory_space<hbm>>
    %dma_start3A_449 = arith.constant 1 : i32
    %dma_start3A_450 = tpu.memref_slice %arg4[%dma_start3A_449, %mul3A_428, %mul3A_446] : memref<3x200x4096xf32, #tpu.memory_space<hbm>> -> memref<2x8x1024xf32, #tpu.memory_space<hbm>>
    tpu.enqueue_dma source(%arg10 : memref<2x8x1024xf32, #tpu.memory_space<vmem>>) target(%dma_start3A_450 : memref<2x8x1024xf32, #tpu.memory_space<hbm>>) target_semaphore(%arg14 : memref<!tpu.dma_semaphore, #tpu.memory_space<semaphore_mem>>)
    %gt3A_451 = arith.constant 3 : i32
    %gt3A_452 = arith.cmpi sgt, %select_n3A, %gt3A_451 : i32
    %convert_element_type3A_453 = arith.extui %gt3A_452 : i1 to i32
    %cond3A_454 = arith.constant 0 : i32
    %cond3A_455 = arith.cmpi ne, %convert_element_type3A_453, %cond3A_454 : i32
    scf.if %cond3A_455 {
      %add3A_990 = arith.constant 3 : i32
      %add3A_991 = arith.addi %select_n3A_12, %add3A_990 : i32
      %jit3A_992 = arith.constant 4 : i32
      %div3A_993 = arith.divsi %add3A_991, %jit3A_992 : i32
      %sign3A_994 = arith.constant 0 : i32
      %sign3A_995 = arith.cmpi sgt, %add3A_991, %sign3A_994 : i32
      %sign3A_996 = arith.extui %sign3A_995 : i1 to i32
      %sign3A_997 = arith.constant 0 : i32
      %sign3A_998 = arith.cmpi slt, %add3A_991, %sign3A_997 : i32
      %sign3A_999 = arith.extui %sign3A_998 : i1 to i32
      %sign3A_1000 = arith.subi %sign3A_996, %sign3A_999 : i32
      %sign3A_1001 = arith.constant 0 : i32
      %sign3A_1002 = arith.cmpi sgt, %jit3A_992, %sign3A_1001 : i32
      %sign3A_1003 = arith.extui %sign3A_1002 : i1 to i32
      %sign3A_1004 = arith.constant 0 : i32
      %sign3A_1005 = arith.cmpi slt, %jit3A_992, %sign3A_1004 : i32
      %sign3A_1006 = arith.extui %sign3A_1005 : i1 to i32
      %sign3A_1007 = arith.subi %sign3A_1003, %sign3A_1006 : i32
      %ne3A_1008 = arith.cmpi ne, %sign3A_1000, %sign3A_1007 : i32
      %rem3A_1009 = arith.remsi %add3A_991, %jit3A_992 : i32
      %ne3A_1010 = arith.constant 0 : i32
      %ne3A_1011 = arith.cmpi ne, %rem3A_1009, %ne3A_1010 : i32
      %and3A_1012 = arith.andi %ne3A_1008, %ne3A_1011 : i1
      %sub3A_1013 = arith.constant 1 : i32
      %sub3A_1014 = arith.subi %div3A_993, %sub3A_1013 : i32
      %select_n3A_1015 = arith.select %and3A_1012, %sub3A_1014, %div3A_993 : i32
      %mul3A_1016 = arith.constant 8 : i32
      %mul3A_1017 = arith.muli %select_n3A_1015, %mul3A_1016 : i32
      %jit3A_1018 = arith.constant 4 : i32
      %eq3A_1019 = arith.constant 0 : i32
      %eq3A_1020 = arith.cmpi eq, %jit3A_1018, %eq3A_1019 : i32
      %jit3A_1021 = arith.constant 1 : i32
      %select_n3A_1022 = arith.select %eq3A_1020, %jit3A_1021, %jit3A_1018 : i32
      %rem3A_1023 = arith.remsi %add3A_991, %select_n3A_1022 : i32
      %ne3A_1024 = arith.constant 0 : i32
      %ne3A_1025 = arith.cmpi ne, %rem3A_1023, %ne3A_1024 : i32
      %lt3A_1026 = arith.constant 0 : i32
      %lt3A_1027 = arith.cmpi slt, %rem3A_1023, %lt3A_1026 : i32
      %lt3A_1028 = arith.constant 0 : i32
      %lt3A_1029 = arith.cmpi slt, %select_n3A_1022, %lt3A_1028 : i32
      %ne3A_1030 = arith.xori %lt3A_1027, %lt3A_1029 : i1
      %and3A_1031 = arith.andi %ne3A_1030, %ne3A_1025 : i1
      %add3A_1032 = arith.addi %rem3A_1023, %select_n3A_1022 : i32
      %select_n3A_1033 = arith.select %and3A_1031, %add3A_1032, %rem3A_1023 : i32
      %mul3A_1034 = arith.constant 1024 : i32
      %mul3A_1035 = arith.muli %select_n3A_1033, %mul3A_1034 : i32
      %dma_start3A_1036 = arith.constant 1 : i32
      %dma_start3A_1037 = tpu.memref_slice %arg2[%dma_start3A_1036, %mul3A_1017, %mul3A_1035] : memref<3x200x4096xi32, #tpu.memory_space<hbm>> -> memref<2x8x1024xi32, #tpu.memory_space<hbm>>
      %dma_start3A_1038 = arith.constant 1 : i32
      %dma_start3A_1039 = tpu.memref_slice %arg2[%dma_start3A_1038, %mul3A_1017, %mul3A_1035] : memref<3x200x4096xi32, #tpu.memory_space<hbm>> -> memref<2x8x1024xi32, #tpu.memory_space<hbm>>
      tpu.enqueue_dma source(%dma_start3A_1039 : memref<2x8x1024xi32, #tpu.memory_space<hbm>>) target(%arg8 : memref<2x8x1024xi32, #tpu.memory_space<vmem>>) target_semaphore(%arg12 : memref<!tpu.dma_semaphore, #tpu.memory_space<semaphore_mem>>)
    } else {
    }
    %add3A_456 = arith.constant 2 : i32
    %add3A_457 = arith.addi %select_n3A_12, %add3A_456 : i32
    %jit3A_458 = arith.constant 4 : i32
    %div3A_459 = arith.divsi %add3A_457, %jit3A_458 : i32
    %sign3A_460 = arith.constant 0 : i32
    %sign3A_461 = arith.cmpi sgt, %add3A_457, %sign3A_460 : i32
    %sign3A_462 = arith.extui %sign3A_461 : i1 to i32
    %sign3A_463 = arith.constant 0 : i32
    %sign3A_464 = arith.cmpi slt, %add3A_457, %sign3A_463 : i32
    %sign3A_465 = arith.extui %sign3A_464 : i1 to i32
    %sign3A_466 = arith.subi %sign3A_462, %sign3A_465 : i32
    %sign3A_467 = arith.constant 0 : i32
    %sign3A_468 = arith.cmpi sgt, %jit3A_458, %sign3A_467 : i32
    %sign3A_469 = arith.extui %sign3A_468 : i1 to i32
    %sign3A_470 = arith.constant 0 : i32
    %sign3A_471 = arith.cmpi slt, %jit3A_458, %sign3A_470 : i32
    %sign3A_472 = arith.extui %sign3A_471 : i1 to i32
    %sign3A_473 = arith.subi %sign3A_469, %sign3A_472 : i32
    %ne3A_474 = arith.cmpi ne, %sign3A_466, %sign3A_473 : i32
    %rem3A_475 = arith.remsi %add3A_457, %jit3A_458 : i32
    %ne3A_476 = arith.constant 0 : i32
    %ne3A_477 = arith.cmpi ne, %rem3A_475, %ne3A_476 : i32
    %and3A_478 = arith.andi %ne3A_474, %ne3A_477 : i1
    %sub3A_479 = arith.constant 1 : i32
    %sub3A_480 = arith.subi %div3A_459, %sub3A_479 : i32
    %select_n3A_481 = arith.select %and3A_478, %sub3A_480, %div3A_459 : i32
    %mul3A_482 = arith.constant 8 : i32
    %mul3A_483 = arith.muli %select_n3A_481, %mul3A_482 : i32
    %jit3A_484 = arith.constant 4 : i32
    %eq3A_485 = arith.constant 0 : i32
    %eq3A_486 = arith.cmpi eq, %jit3A_484, %eq3A_485 : i32
    %jit3A_487 = arith.constant 1 : i32
    %select_n3A_488 = arith.select %eq3A_486, %jit3A_487, %jit3A_484 : i32
    %rem3A_489 = arith.remsi %add3A_457, %select_n3A_488 : i32
    %ne3A_490 = arith.constant 0 : i32
    %ne3A_491 = arith.cmpi ne, %rem3A_489, %ne3A_490 : i32
    %lt3A_492 = arith.constant 0 : i32
    %lt3A_493 = arith.cmpi slt, %rem3A_489, %lt3A_492 : i32
    %lt3A_494 = arith.constant 0 : i32
    %lt3A_495 = arith.cmpi slt, %select_n3A_488, %lt3A_494 : i32
    %ne3A_496 = arith.xori %lt3A_493, %lt3A_495 : i1
    %and3A_497 = arith.andi %ne3A_496, %ne3A_491 : i1
    %add3A_498 = arith.addi %rem3A_489, %select_n3A_488 : i32
    %select_n3A_499 = arith.select %and3A_497, %add3A_498, %rem3A_489 : i32
    %mul3A_500 = arith.constant 1024 : i32
    %mul3A_501 = arith.muli %select_n3A_499, %mul3A_500 : i32
    %dma_wait3A_502 = arith.constant 1 : i32
    %dma_wait3A_503 = tpu.memref_slice %arg2[%dma_wait3A_502, %mul3A_483, %mul3A_501] : memref<3x200x4096xi32, #tpu.memory_space<hbm>> -> memref<2x8x1024xi32, #tpu.memory_space<hbm>>
    %dma_wait3A_504 = arith.constant 1 : i32
    %dma_wait3A_505 = tpu.memref_slice %arg2[%dma_wait3A_504, %mul3A_483, %mul3A_501] : memref<3x200x4096xi32, #tpu.memory_space<hbm>> -> memref<2x8x1024xi32, #tpu.memory_space<hbm>>
    tpu.wait_dma2 semaphore(%arg11 : memref<!tpu.dma_semaphore, #tpu.memory_space<semaphore_mem>>) src(%dma_wait3A_505 : memref<2x8x1024xi32, #tpu.memory_space<hbm>>) dst(%arg7 : memref<2x8x1024xi32, #tpu.memory_space<vmem>>)
    %add3A_506 = arith.constant 0 : i32
    %add3A_507 = arith.addi %select_n3A_12, %add3A_506 : i32
    %jit3A_508 = arith.constant 4 : i32
    %div3A_509 = arith.divsi %add3A_507, %jit3A_508 : i32
    %sign3A_510 = arith.constant 0 : i32
    %sign3A_511 = arith.cmpi sgt, %add3A_507, %sign3A_510 : i32
    %sign3A_512 = arith.extui %sign3A_511 : i1 to i32
    %sign3A_513 = arith.constant 0 : i32
    %sign3A_514 = arith.cmpi slt, %add3A_507, %sign3A_513 : i32
    %sign3A_515 = arith.extui %sign3A_514 : i1 to i32
    %sign3A_516 = arith.subi %sign3A_512, %sign3A_515 : i32
    %sign3A_517 = arith.constant 0 : i32
    %sign3A_518 = arith.cmpi sgt, %jit3A_508, %sign3A_517 : i32
    %sign3A_519 = arith.extui %sign3A_518 : i1 to i32
    %sign3A_520 = arith.constant 0 : i32
    %sign3A_521 = arith.cmpi slt, %jit3A_508, %sign3A_520 : i32
    %sign3A_522 = arith.extui %sign3A_521 : i1 to i32
    %sign3A_523 = arith.subi %sign3A_519, %sign3A_522 : i32
    %ne3A_524 = arith.cmpi ne, %sign3A_516, %sign3A_523 : i32
    %rem3A_525 = arith.remsi %add3A_507, %jit3A_508 : i32
    %ne3A_526 = arith.constant 0 : i32
    %ne3A_527 = arith.cmpi ne, %rem3A_525, %ne3A_526 : i32
    %and3A_528 = arith.andi %ne3A_524, %ne3A_527 : i1
    %sub3A_529 = arith.constant 1 : i32
    %sub3A_530 = arith.subi %div3A_509, %sub3A_529 : i32
    %select_n3A_531 = arith.select %and3A_528, %sub3A_530, %div3A_509 : i32
    %mul3A_532 = arith.constant 8 : i32
    %mul3A_533 = arith.muli %select_n3A_531, %mul3A_532 : i32
    %jit3A_534 = arith.constant 4 : i32
    %eq3A_535 = arith.constant 0 : i32
    %eq3A_536 = arith.cmpi eq, %jit3A_534, %eq3A_535 : i32
    %jit3A_537 = arith.constant 1 : i32
    %select_n3A_538 = arith.select %eq3A_536, %jit3A_537, %jit3A_534 : i32
    %rem3A_539 = arith.remsi %add3A_507, %select_n3A_538 : i32
    %ne3A_540 = arith.constant 0 : i32
    %ne3A_541 = arith.cmpi ne, %rem3A_539, %ne3A_540 : i32
    %lt3A_542 = arith.constant 0 : i32
    %lt3A_543 = arith.cmpi slt, %rem3A_539, %lt3A_542 : i32
    %lt3A_544 = arith.constant 0 : i32
    %lt3A_545 = arith.cmpi slt, %select_n3A_538, %lt3A_544 : i32
    %ne3A_546 = arith.xori %lt3A_543, %lt3A_545 : i1
    %and3A_547 = arith.andi %ne3A_546, %ne3A_541 : i1
    %add3A_548 = arith.addi %rem3A_539, %select_n3A_538 : i32
    %select_n3A_549 = arith.select %and3A_547, %add3A_548, %rem3A_539 : i32
    %mul3A_550 = arith.constant 1024 : i32
    %mul3A_551 = arith.muli %select_n3A_549, %mul3A_550 : i32
    %dma_wait3A_552 = arith.constant 1 : i32
    %dma_wait3A_553 = tpu.memref_slice %arg4[%dma_wait3A_552, %mul3A_533, %mul3A_551] : memref<3x200x4096xf32, #tpu.memory_space<hbm>> -> memref<2x8x1024xf32, #tpu.memory_space<hbm>>
    %dma_wait3A_554 = arith.constant 1 : i32
    %dma_wait3A_555 = tpu.memref_slice %arg4[%dma_wait3A_554, %mul3A_533, %mul3A_551] : memref<3x200x4096xf32, #tpu.memory_space<hbm>> -> memref<2x8x1024xf32, #tpu.memory_space<hbm>>
    tpu.wait_dma2 semaphore(%arg13 : memref<!tpu.dma_semaphore, #tpu.memory_space<semaphore_mem>>) src(%arg9 : memref<2x8x1024xf32, #tpu.memory_space<vmem>>) dst(%dma_wait3A_555 : memref<2x8x1024xf32, #tpu.memory_space<hbm>>)
    %scan3A_556 = arith.constant 0 : i32
    %scan3A_557 = arith.constant 0 : i32
    %scan3A_558 = arith.constant 8 : i32
    %scan3A_559 = arith.addi %scan3A_557, %scan3A_558 : i32
    %scan3A_560 = arith.constant 1 : i32
    scf.for %scan3A_990 = %scan3A_557 to %scan3A_559 step %scan3A_560  : i32 {
      %parallel_loop3A = arith.constant 0 : i32
      %parallel_loop3A_991 = arith.constant 64 : i32
      %parallel_loop3A_992 = arith.constant 1 : i32
      scf.for %parallel_loop3A_993 = %parallel_loop3A to %parallel_loop3A_991 step %parallel_loop3A_992  : i32 {
        %parallel_loop3A_994 = arith.constant 16 : i32
        %parallel_loop3A_995 = arith.muli %parallel_loop3A_993, %parallel_loop3A_994 : i32
        %parallel_loop3A_996 = arith.constant 0 : i32
        %parallel_loop3A_997 = arith.index_cast %parallel_loop3A_996 : i32 to index
        %parallel_loop3A_998 = arith.index_cast %scan3A_990 : i32 to index
        %parallel_loop3A_999 = arith.index_cast %parallel_loop3A_995 : i32 to index
        %parallel_loop3A_1000 = tpu.vector_load %arg7[%parallel_loop3A_997, %parallel_loop3A_998, %parallel_loop3A_999] {strides = array<i32>} : memref<2x8x1024xi32, #tpu.memory_space<vmem>>, vector<16xi32>,
        %parallel_loop3A_1001 = arith.constant 1 : i32
        %parallel_loop3A_1002 = arith.index_cast %parallel_loop3A_1001 : i32 to index
        %parallel_loop3A_1003 = arith.index_cast %scan3A_990 : i32 to index
        %parallel_loop3A_1004 = arith.index_cast %parallel_loop3A_995 : i32 to index
        %parallel_loop3A_1005 = tpu.vector_load %arg7[%parallel_loop3A_1002, %parallel_loop3A_1003, %parallel_loop3A_1004] {strides = array<i32>} : memref<2x8x1024xi32, #tpu.memory_space<vmem>>, vector<16xi32>,
        %parallel_loop3A_1006 = tpu.vector_load_idx %arg6[%parallel_loop3A_1000] : memref<256xf32, #tpu.memory_space<vmem>>[vector<16xi32>], vector<16xf32>,
        %parallel_loop3A_1007 = arith.sitofp %parallel_loop3A_1000 : vector<16xi32> to vector<16xf32>
        %parallel_loop3A_1008 = arith.constant 0 : i32
        %parallel_loop3A_1009 = arith.index_cast %parallel_loop3A_1008 : i32 to index
        %parallel_loop3A_1010 = arith.index_cast %scan3A_990 : i32 to index
        %parallel_loop3A_1011 = arith.index_cast %parallel_loop3A_995 : i32 to index
        %parallel_loop3A_1012 = tpu.vector_load %arg9[%parallel_loop3A_1009, %parallel_loop3A_1010, %parallel_loop3A_1011] {strides = array<i32>} : memref<2x8x1024xf32, #tpu.memory_space<vmem>>, vector<16xf32>,
        tpu.vector_store %arg9[%parallel_loop3A_1009, %parallel_loop3A_1010, %parallel_loop3A_1011], %parallel_loop3A_1007 {strides = array<i32>} : memref<2x8x1024xf32, #tpu.memory_space<vmem>>, vector<16xf32>,
        %parallel_loop3A_1013 = arith.sitofp %parallel_loop3A_1005 : vector<16xi32> to vector<16xf32>
        %parallel_loop3A_1014 = arith.mulf %parallel_loop3A_1013, %parallel_loop3A_1006 : vector<16xf32>
        %parallel_loop3A_1015 = arith.constant 1 : i32
        %parallel_loop3A_1016 = arith.index_cast %parallel_loop3A_1015 : i32 to index
        %parallel_loop3A_1017 = arith.index_cast %scan3A_990 : i32 to index
        %parallel_loop3A_1018 = arith.index_cast %parallel_loop3A_995 : i32 to index
        %parallel_loop3A_1019 = tpu.vector_load %arg9[%parallel_loop3A_1016, %parallel_loop3A_1017, %parallel_loop3A_1018] {strides = array<i32>} : memref<2x8x1024xf32, #tpu.memory_space<vmem>>, vector<16xf32>,
        tpu.vector_store %arg9[%parallel_loop3A_1016, %parallel_loop3A_1017, %parallel_loop3A_1018], %parallel_loop3A_1014 {strides = array<i32>} : memref<2x8x1024xf32, #tpu.memory_space<vmem>>, vector<16xf32>,
      } {sc.loop_unroll_factor = 8 : i64, sc.parallel_access}
    }
    %scan3A_561 = arith.constant 8 : i32
    %jit3A_562 = arith.constant 4 : i32
    %div3A_563 = arith.divsi %add3A_457, %jit3A_562 : i32
    %sign3A_564 = arith.constant 0 : i32
    %sign3A_565 = arith.cmpi sgt, %add3A_457, %sign3A_564 : i32
    %sign3A_566 = arith.extui %sign3A_565 : i1 to i32
    %sign3A_567 = arith.constant 0 : i32
    %sign3A_568 = arith.cmpi slt, %add3A_457, %sign3A_567 : i32
    %sign3A_569 = arith.extui %sign3A_568 : i1 to i32
    %sign3A_570 = arith.subi %sign3A_566, %sign3A_569 : i32
    %sign3A_571 = arith.constant 0 : i32
    %sign3A_572 = arith.cmpi sgt, %jit3A_562, %sign3A_571 : i32
    %sign3A_573 = arith.extui %sign3A_572 : i1 to i32
    %sign3A_574 = arith.constant 0 : i32
    %sign3A_575 = arith.cmpi slt, %jit3A_562, %sign3A_574 : i32
    %sign3A_576 = arith.extui %sign3A_575 : i1 to i32
    %sign3A_577 = arith.subi %sign3A_573, %sign3A_576 : i32
    %ne3A_578 = arith.cmpi ne, %sign3A_570, %sign3A_577 : i32
    %rem3A_579 = arith.remsi %add3A_457, %jit3A_562 : i32
    %ne3A_580 = arith.constant 0 : i32
    %ne3A_581 = arith.cmpi ne, %rem3A_579, %ne3A_580 : i32
    %and3A_582 = arith.andi %ne3A_578, %ne3A_581 : i1
    %sub3A_583 = arith.constant 1 : i32
    %sub3A_584 = arith.subi %div3A_563, %sub3A_583 : i32
    %select_n3A_585 = arith.select %and3A_582, %sub3A_584, %div3A_563 : i32
    %mul3A_586 = arith.constant 8 : i32
    %mul3A_587 = arith.muli %select_n3A_585, %mul3A_586 : i32
    %jit3A_588 = arith.constant 4 : i32
    %eq3A_589 = arith.constant 0 : i32
    %eq3A_590 = arith.cmpi eq, %jit3A_588, %eq3A_589 : i32
    %jit3A_591 = arith.constant 1 : i32
    %select_n3A_592 = arith.select %eq3A_590, %jit3A_591, %jit3A_588 : i32
    %rem3A_593 = arith.remsi %add3A_457, %select_n3A_592 : i32
    %ne3A_594 = arith.constant 0 : i32
    %ne3A_595 = arith.cmpi ne, %rem3A_593, %ne3A_594 : i32
    %lt3A_596 = arith.constant 0 : i32
    %lt3A_597 = arith.cmpi slt, %rem3A_593, %lt3A_596 : i32
    %lt3A_598 = arith.constant 0 : i32
    %lt3A_599 = arith.cmpi slt, %select_n3A_592, %lt3A_598 : i32
    %ne3A_600 = arith.xori %lt3A_597, %lt3A_599 : i1
    %and3A_601 = arith.andi %ne3A_600, %ne3A_595 : i1
    %add3A_602 = arith.addi %rem3A_593, %select_n3A_592 : i32
    %select_n3A_603 = arith.select %and3A_601, %add3A_602, %rem3A_593 : i32
    %mul3A_604 = arith.constant 1024 : i32
    %mul3A_605 = arith.muli %select_n3A_603, %mul3A_604 : i32
    %dma_start3A_606 = arith.constant 1 : i32
    %dma_start3A_607 = tpu.memref_slice %arg4[%dma_start3A_606, %mul3A_587, %mul3A_605] : memref<3x200x4096xf32, #tpu.memory_space<hbm>> -> memref<2x8x1024xf32, #tpu.memory_space<hbm>>
    %dma_start3A_608 = arith.constant 1 : i32
    %dma_start3A_609 = tpu.memref_slice %arg4[%dma_start3A_608, %mul3A_587, %mul3A_605] : memref<3x200x4096xf32, #tpu.memory_space<hbm>> -> memref<2x8x1024xf32, #tpu.memory_space<hbm>>
    tpu.enqueue_dma source(%arg9 : memref<2x8x1024xf32, #tpu.memory_space<vmem>>) target(%dma_start3A_609 : memref<2x8x1024xf32, #tpu.memory_space<hbm>>) target_semaphore(%arg13 : memref<!tpu.dma_semaphore, #tpu.memory_space<semaphore_mem>>)
    %add3A_610 = arith.constant 3 : i32
    %add3A_611 = arith.addi %select_n3A_12, %add3A_610 : i32
    %gt3A_612 = arith.constant 3 : i32
    %gt3A_613 = arith.cmpi sgt, %select_n3A, %gt3A_612 : i32
    %convert_element_type3A_614 = arith.extui %gt3A_613 : i1 to i32
    %cond3A_615 = arith.constant 0 : i32
    %cond3A_616 = arith.cmpi ne, %convert_element_type3A_614, %cond3A_615 : i32
    scf.if %cond3A_616 {
      %jit3A_990 = arith.constant 4 : i32
      %div3A_991 = arith.divsi %add3A_611, %jit3A_990 : i32
      %sign3A_992 = arith.constant 0 : i32
      %sign3A_993 = arith.cmpi sgt, %add3A_611, %sign3A_992 : i32
      %sign3A_994 = arith.extui %sign3A_993 : i1 to i32
      %sign3A_995 = arith.constant 0 : i32
      %sign3A_996 = arith.cmpi slt, %add3A_611, %sign3A_995 : i32
      %sign3A_997 = arith.extui %sign3A_996 : i1 to i32
      %sign3A_998 = arith.subi %sign3A_994, %sign3A_997 : i32
      %sign3A_999 = arith.constant 0 : i32
      %sign3A_1000 = arith.cmpi sgt, %jit3A_990, %sign3A_999 : i32
      %sign3A_1001 = arith.extui %sign3A_1000 : i1 to i32
      %sign3A_1002 = arith.constant 0 : i32
      %sign3A_1003 = arith.cmpi slt, %jit3A_990, %sign3A_1002 : i32
      %sign3A_1004 = arith.extui %sign3A_1003 : i1 to i32
      %sign3A_1005 = arith.subi %sign3A_1001, %sign3A_1004 : i32
      %ne3A_1006 = arith.cmpi ne, %sign3A_998, %sign3A_1005 : i32
      %rem3A_1007 = arith.remsi %add3A_611, %jit3A_990 : i32
      %ne3A_1008 = arith.constant 0 : i32
      %ne3A_1009 = arith.cmpi ne, %rem3A_1007, %ne3A_1008 : i32
      %and3A_1010 = arith.andi %ne3A_1006, %ne3A_1009 : i1
      %sub3A_1011 = arith.constant 1 : i32
      %sub3A_1012 = arith.subi %div3A_991, %sub3A_1011 : i32
      %select_n3A_1013 = arith.select %and3A_1010, %sub3A_1012, %div3A_991 : i32
      %mul3A_1014 = arith.constant 8 : i32
      %mul3A_1015 = arith.muli %select_n3A_1013, %mul3A_1014 : i32
      %jit3A_1016 = arith.constant 4 : i32
      %eq3A_1017 = arith.constant 0 : i32
      %eq3A_1018 = arith.cmpi eq, %jit3A_1016, %eq3A_1017 : i32
      %jit3A_1019 = arith.constant 1 : i32
      %select_n3A_1020 = arith.select %eq3A_1018, %jit3A_1019, %jit3A_1016 : i32
      %rem3A_1021 = arith.remsi %add3A_611, %select_n3A_1020 : i32
      %ne3A_1022 = arith.constant 0 : i32
      %ne3A_1023 = arith.cmpi ne, %rem3A_1021, %ne3A_1022 : i32
      %lt3A_1024 = arith.constant 0 : i32
      %lt3A_1025 = arith.cmpi slt, %rem3A_1021, %lt3A_1024 : i32
      %lt3A_1026 = arith.constant 0 : i32
      %lt3A_1027 = arith.cmpi slt, %select_n3A_1020, %lt3A_1026 : i32
      %ne3A_1028 = arith.xori %lt3A_1025, %lt3A_1027 : i1
      %and3A_1029 = arith.andi %ne3A_1028, %ne3A_1023 : i1
      %add3A_1030 = arith.addi %rem3A_1021, %select_n3A_1020 : i32
      %select_n3A_1031 = arith.select %and3A_1029, %add3A_1030, %rem3A_1021 : i32
      %mul3A_1032 = arith.constant 1024 : i32
      %mul3A_1033 = arith.muli %select_n3A_1031, %mul3A_1032 : i32
      %dma_wait3A_1034 = arith.constant 1 : i32
      %dma_wait3A_1035 = tpu.memref_slice %arg2[%dma_wait3A_1034, %mul3A_1015, %mul3A_1033] : memref<3x200x4096xi32, #tpu.memory_space<hbm>> -> memref<2x8x1024xi32, #tpu.memory_space<hbm>>
      %dma_wait3A_1036 = arith.constant 1 : i32
      %dma_wait3A_1037 = tpu.memref_slice %arg2[%dma_wait3A_1036, %mul3A_1015, %mul3A_1033] : memref<3x200x4096xi32, #tpu.memory_space<hbm>> -> memref<2x8x1024xi32, #tpu.memory_space<hbm>>
      tpu.wait_dma2 semaphore(%arg12 : memref<!tpu.dma_semaphore, #tpu.memory_space<semaphore_mem>>) src(%dma_wait3A_1037 : memref<2x8x1024xi32, #tpu.memory_space<hbm>>) dst(%arg8 : memref<2x8x1024xi32, #tpu.memory_space<vmem>>)
      %add3A_1038 = arith.constant 1 : i32
      %add3A_1039 = arith.addi %select_n3A_12, %add3A_1038 : i32
      %jit3A_1040 = arith.constant 4 : i32
      %div3A_1041 = arith.divsi %add3A_1039, %jit3A_1040 : i32
      %sign3A_1042 = arith.constant 0 : i32
      %sign3A_1043 = arith.cmpi sgt, %add3A_1039, %sign3A_1042 : i32
      %sign3A_1044 = arith.extui %sign3A_1043 : i1 to i32
      %sign3A_1045 = arith.constant 0 : i32
      %sign3A_1046 = arith.cmpi slt, %add3A_1039, %sign3A_1045 : i32
      %sign3A_1047 = arith.extui %sign3A_1046 : i1 to i32
      %sign3A_1048 = arith.subi %sign3A_1044, %sign3A_1047 : i32
      %sign3A_1049 = arith.constant 0 : i32
      %sign3A_1050 = arith.cmpi sgt, %jit3A_1040, %sign3A_1049 : i32
      %sign3A_1051 = arith.extui %sign3A_1050 : i1 to i32
      %sign3A_1052 = arith.constant 0 : i32
      %sign3A_1053 = arith.cmpi slt, %jit3A_1040, %sign3A_1052 : i32
      %sign3A_1054 = arith.extui %sign3A_1053 : i1 to i32
      %sign3A_1055 = arith.subi %sign3A_1051, %sign3A_1054 : i32
      %ne3A_1056 = arith.cmpi ne, %sign3A_1048, %sign3A_1055 : i32
      %rem3A_1057 = arith.remsi %add3A_1039, %jit3A_1040 : i32
      %ne3A_1058 = arith.constant 0 : i32
      %ne3A_1059 = arith.cmpi ne, %rem3A_1057, %ne3A_1058 : i32
      %and3A_1060 = arith.andi %ne3A_1056, %ne3A_1059 : i1
      %sub3A_1061 = arith.constant 1 : i32
      %sub3A_1062 = arith.subi %div3A_1041, %sub3A_1061 : i32
      %select_n3A_1063 = arith.select %and3A_1060, %sub3A_1062, %div3A_1041 : i32
      %mul3A_1064 = arith.constant 8 : i32
      %mul3A_1065 = arith.muli %select_n3A_1063, %mul3A_1064 : i32
      %jit3A_1066 = arith.constant 4 : i32
      %eq3A_1067 = arith.constant 0 : i32
      %eq3A_1068 = arith.cmpi eq, %jit3A_1066, %eq3A_1067 : i32
      %jit3A_1069 = arith.constant 1 : i32
      %select_n3A_1070 = arith.select %eq3A_1068, %jit3A_1069, %jit3A_1066 : i32
      %rem3A_1071 = arith.remsi %add3A_1039, %select_n3A_1070 : i32
      %ne3A_1072 = arith.constant 0 : i32
      %ne3A_1073 = arith.cmpi ne, %rem3A_1071, %ne3A_1072 : i32
      %lt3A_1074 = arith.constant 0 : i32
      %lt3A_1075 = arith.cmpi slt, %rem3A_1071, %lt3A_1074 : i32
      %lt3A_1076 = arith.constant 0 : i32
      %lt3A_1077 = arith.cmpi slt, %select_n3A_1070, %lt3A_1076 : i32
      %ne3A_1078 = arith.xori %lt3A_1075, %lt3A_1077 : i1
      %and3A_1079 = arith.andi %ne3A_1078, %ne3A_1073 : i1
      %add3A_1080 = arith.addi %rem3A_1071, %select_n3A_1070 : i32
      %select_n3A_1081 = arith.select %and3A_1079, %add3A_1080, %rem3A_1071 : i32
      %mul3A_1082 = arith.constant 1024 : i32
      %mul3A_1083 = arith.muli %select_n3A_1081, %mul3A_1082 : i32
      %dma_wait3A_1084 = arith.constant 1 : i32
      %dma_wait3A_1085 = tpu.memref_slice %arg4[%dma_wait3A_1084, %mul3A_1065, %mul3A_1083] : memref<3x200x4096xf32, #tpu.memory_space<hbm>> -> memref<2x8x1024xf32, #tpu.memory_space<hbm>>
      %dma_wait3A_1086 = arith.constant 1 : i32
      %dma_wait3A_1087 = tpu.memref_slice %arg4[%dma_wait3A_1086, %mul3A_1065, %mul3A_1083] : memref<3x200x4096xf32, #tpu.memory_space<hbm>> -> memref<2x8x1024xf32, #tpu.memory_space<hbm>>
      tpu.wait_dma2 semaphore(%arg14 : memref<!tpu.dma_semaphore, #tpu.memory_space<semaphore_mem>>) src(%arg10 : memref<2x8x1024xf32, #tpu.memory_space<vmem>>) dst(%dma_wait3A_1087 : memref<2x8x1024xf32, #tpu.memory_space<hbm>>)
      %scan3A_1088 = arith.constant 0 : i32
      %scan3A_1089 = arith.constant 0 : i32
      %scan3A_1090 = arith.constant 8 : i32
      %scan3A_1091 = arith.addi %scan3A_1089, %scan3A_1090 : i32
      %scan3A_1092 = arith.constant 1 : i32
      scf.for %scan3A_1142 = %scan3A_1089 to %scan3A_1091 step %scan3A_1092  : i32 {
        %parallel_loop3A = arith.constant 0 : i32
        %parallel_loop3A_1143 = arith.constant 64 : i32
        %parallel_loop3A_1144 = arith.constant 1 : i32
        scf.for %parallel_loop3A_1145 = %parallel_loop3A to %parallel_loop3A_1143 step %parallel_loop3A_1144  : i32 {
          %parallel_loop3A_1146 = arith.constant 16 : i32
          %parallel_loop3A_1147 = arith.muli %parallel_loop3A_1145, %parallel_loop3A_1146 : i32
          %parallel_loop3A_1148 = arith.constant 0 : i32
          %parallel_loop3A_1149 = arith.index_cast %parallel_loop3A_1148 : i32 to index
          %parallel_loop3A_1150 = arith.index_cast %scan3A_1142 : i32 to index
          %parallel_loop3A_1151 = arith.index_cast %parallel_loop3A_1147 : i32 to index
          %parallel_loop3A_1152 = tpu.vector_load %arg8[%parallel_loop3A_1149, %parallel_loop3A_1150, %parallel_loop3A_1151] {strides = array<i32>} : memref<2x8x1024xi32, #tpu.memory_space<vmem>>, vector<16xi32>,
          %parallel_loop3A_1153 = arith.constant 1 : i32
          %parallel_loop3A_1154 = arith.index_cast %parallel_loop3A_1153 : i32 to index
          %parallel_loop3A_1155 = arith.index_cast %scan3A_1142 : i32 to index
          %parallel_loop3A_1156 = arith.index_cast %parallel_loop3A_1147 : i32 to index
          %parallel_loop3A_1157 = tpu.vector_load %arg8[%parallel_loop3A_1154, %parallel_loop3A_1155, %parallel_loop3A_1156] {strides = array<i32>} : memref<2x8x1024xi32, #tpu.memory_space<vmem>>, vector<16xi32>,
          %parallel_loop3A_1158 = tpu.vector_load_idx %arg6[%parallel_loop3A_1152] : memref<256xf32, #tpu.memory_space<vmem>>[vector<16xi32>], vector<16xf32>,
          %parallel_loop3A_1159 = arith.sitofp %parallel_loop3A_1152 : vector<16xi32> to vector<16xf32>
          %parallel_loop3A_1160 = arith.constant 0 : i32
          %parallel_loop3A_1161 = arith.index_cast %parallel_loop3A_1160 : i32 to index
          %parallel_loop3A_1162 = arith.index_cast %scan3A_1142 : i32 to index
          %parallel_loop3A_1163 = arith.index_cast %parallel_loop3A_1147 : i32 to index
          %parallel_loop3A_1164 = tpu.vector_load %arg10[%parallel_loop3A_1161, %parallel_loop3A_1162, %parallel_loop3A_1163] {strides = array<i32>} : memref<2x8x1024xf32, #tpu.memory_space<vmem>>, vector<16xf32>,
          tpu.vector_store %arg10[%parallel_loop3A_1161, %parallel_loop3A_1162, %parallel_loop3A_1163], %parallel_loop3A_1159 {strides = array<i32>} : memref<2x8x1024xf32, #tpu.memory_space<vmem>>, vector<16xf32>,
          %parallel_loop3A_1165 = arith.sitofp %parallel_loop3A_1157 : vector<16xi32> to vector<16xf32>
          %parallel_loop3A_1166 = arith.mulf %parallel_loop3A_1165, %parallel_loop3A_1158 : vector<16xf32>
          %parallel_loop3A_1167 = arith.constant 1 : i32
          %parallel_loop3A_1168 = arith.index_cast %parallel_loop3A_1167 : i32 to index
          %parallel_loop3A_1169 = arith.index_cast %scan3A_1142 : i32 to index
          %parallel_loop3A_1170 = arith.index_cast %parallel_loop3A_1147 : i32 to index
          %parallel_loop3A_1171 = tpu.vector_load %arg10[%parallel_loop3A_1168, %parallel_loop3A_1169, %parallel_loop3A_1170] {strides = array<i32>} : memref<2x8x1024xf32, #tpu.memory_space<vmem>>, vector<16xf32>,
          tpu.vector_store %arg10[%parallel_loop3A_1168, %parallel_loop3A_1169, %parallel_loop3A_1170], %parallel_loop3A_1166 {strides = array<i32>} : memref<2x8x1024xf32, #tpu.memory_space<vmem>>, vector<16xf32>,
        } {sc.loop_unroll_factor = 8 : i64, sc.parallel_access}
      }
      %scan3A_1093 = arith.constant 8 : i32
      %jit3A_1094 = arith.constant 4 : i32
      %div3A_1095 = arith.divsi %add3A_611, %jit3A_1094 : i32
      %sign3A_1096 = arith.constant 0 : i32
      %sign3A_1097 = arith.cmpi sgt, %add3A_611, %sign3A_1096 : i32
      %sign3A_1098 = arith.extui %sign3A_1097 : i1 to i32
      %sign3A_1099 = arith.constant 0 : i32
      %sign3A_1100 = arith.cmpi slt, %add3A_611, %sign3A_1099 : i32
      %sign3A_1101 = arith.extui %sign3A_1100 : i1 to i32
      %sign3A_1102 = arith.subi %sign3A_1098, %sign3A_1101 : i32
      %sign3A_1103 = arith.constant 0 : i32
      %sign3A_1104 = arith.cmpi sgt, %jit3A_1094, %sign3A_1103 : i32
      %sign3A_1105 = arith.extui %sign3A_1104 : i1 to i32
      %sign3A_1106 = arith.constant 0 : i32
      %sign3A_1107 = arith.cmpi slt, %jit3A_1094, %sign3A_1106 : i32
      %sign3A_1108 = arith.extui %sign3A_1107 : i1 to i32
      %sign3A_1109 = arith.subi %sign3A_1105, %sign3A_1108 : i32
      %ne3A_1110 = arith.cmpi ne, %sign3A_1102, %sign3A_1109 : i32
      %rem3A_1111 = arith.remsi %add3A_611, %jit3A_1094 : i32
      %ne3A_1112 = arith.constant 0 : i32
      %ne3A_1113 = arith.cmpi ne, %rem3A_1111, %ne3A_1112 : i32
      %and3A_1114 = arith.andi %ne3A_1110, %ne3A_1113 : i1
      %sub3A_1115 = arith.constant 1 : i32
      %sub3A_1116 = arith.subi %div3A_1095, %sub3A_1115 : i32
      %select_n3A_1117 = arith.select %and3A_1114, %sub3A_1116, %div3A_1095 : i32
      %mul3A_1118 = arith.constant 8 : i32
      %mul3A_1119 = arith.muli %select_n3A_1117, %mul3A_1118 : i32
      %jit3A_1120 = arith.constant 4 : i32
      %eq3A_1121 = arith.constant 0 : i32
      %eq3A_1122 = arith.cmpi eq, %jit3A_1120, %eq3A_1121 : i32
      %jit3A_1123 = arith.constant 1 : i32
      %select_n3A_1124 = arith.select %eq3A_1122, %jit3A_1123, %jit3A_1120 : i32
      %rem3A_1125 = arith.remsi %add3A_611, %select_n3A_1124 : i32
      %ne3A_1126 = arith.constant 0 : i32
      %ne3A_1127 = arith.cmpi ne, %rem3A_1125, %ne3A_1126 : i32
      %lt3A_1128 = arith.constant 0 : i32
      %lt3A_1129 = arith.cmpi slt, %rem3A_1125, %lt3A_1128 : i32
      %lt3A_1130 = arith.constant 0 : i32
      %lt3A_1131 = arith.cmpi slt, %select_n3A_1124, %lt3A_1130 : i32
      %ne3A_1132 = arith.xori %lt3A_1129, %lt3A_1131 : i1
      %and3A_1133 = arith.andi %ne3A_1132, %ne3A_1127 : i1
      %add3A_1134 = arith.addi %rem3A_1125, %select_n3A_1124 : i32
      %select_n3A_1135 = arith.select %and3A_1133, %add3A_1134, %rem3A_1125 : i32
      %mul3A_1136 = arith.constant 1024 : i32
      %mul3A_1137 = arith.muli %select_n3A_1135, %mul3A_1136 : i32
      %dma_start3A_1138 = arith.constant 1 : i32
      %dma_start3A_1139 = tpu.memref_slice %arg4[%dma_start3A_1138, %mul3A_1119, %mul3A_1137] : memref<3x200x4096xf32, #tpu.memory_space<hbm>> -> memref<2x8x1024xf32, #tpu.memory_space<hbm>>
      %dma_start3A_1140 = arith.constant 1 : i32
      %dma_start3A_1141 = tpu.memref_slice %arg4[%dma_start3A_1140, %mul3A_1119, %mul3A_1137] : memref<3x200x4096xf32, #tpu.memory_space<hbm>> -> memref<2x8x1024xf32, #tpu.memory_space<hbm>>
      tpu.enqueue_dma source(%arg10 : memref<2x8x1024xf32, #tpu.memory_space<vmem>>) target(%dma_start3A_1141 : memref<2x8x1024xf32, #tpu.memory_space<hbm>>) target_semaphore(%arg14 : memref<!tpu.dma_semaphore, #tpu.memory_space<semaphore_mem>>)
    } else {
    }
    %add3A_617 = arith.constant 0 : i32
    %add3A_618 = arith.addi %select_n3A_39, %add3A_617 : i32
    %jit3A_619 = arith.constant 4 : i32
    %div3A_620 = arith.divsi %add3A_618, %jit3A_619 : i32
    %sign3A_621 = arith.constant 0 : i32
    %sign3A_622 = arith.cmpi sgt, %add3A_618, %sign3A_621 : i32
    %sign3A_623 = arith.extui %sign3A_622 : i1 to i32
    %sign3A_624 = arith.constant 0 : i32
    %sign3A_625 = arith.cmpi slt, %add3A_618, %sign3A_624 : i32
    %sign3A_626 = arith.extui %sign3A_625 : i1 to i32
    %sign3A_627 = arith.subi %sign3A_623, %sign3A_626 : i32
    %sign3A_628 = arith.constant 0 : i32
    %sign3A_629 = arith.cmpi sgt, %jit3A_619, %sign3A_628 : i32
    %sign3A_630 = arith.extui %sign3A_629 : i1 to i32
    %sign3A_631 = arith.constant 0 : i32
    %sign3A_632 = arith.cmpi slt, %jit3A_619, %sign3A_631 : i32
    %sign3A_633 = arith.extui %sign3A_632 : i1 to i32
    %sign3A_634 = arith.subi %sign3A_630, %sign3A_633 : i32
    %ne3A_635 = arith.cmpi ne, %sign3A_627, %sign3A_634 : i32
    %rem3A_636 = arith.remsi %add3A_618, %jit3A_619 : i32
    %ne3A_637 = arith.constant 0 : i32
    %ne3A_638 = arith.cmpi ne, %rem3A_636, %ne3A_637 : i32
    %and3A_639 = arith.andi %ne3A_635, %ne3A_638 : i1
    %sub3A_640 = arith.constant 1 : i32
    %sub3A_641 = arith.subi %div3A_620, %sub3A_640 : i32
    %select_n3A_642 = arith.select %and3A_639, %sub3A_641, %div3A_620 : i32
    %mul3A_643 = arith.constant 8 : i32
    %mul3A_644 = arith.muli %select_n3A_642, %mul3A_643 : i32
    %jit3A_645 = arith.constant 4 : i32
    %eq3A_646 = arith.constant 0 : i32
    %eq3A_647 = arith.cmpi eq, %jit3A_645, %eq3A_646 : i32
    %jit3A_648 = arith.constant 1 : i32
    %select_n3A_649 = arith.select %eq3A_647, %jit3A_648, %jit3A_645 : i32
    %rem3A_650 = arith.remsi %add3A_618, %select_n3A_649 : i32
    %ne3A_651 = arith.constant 0 : i32
    %ne3A_652 = arith.cmpi ne, %rem3A_650, %ne3A_651 : i32
    %lt3A_653 = arith.constant 0 : i32
    %lt3A_654 = arith.cmpi slt, %rem3A_650, %lt3A_653 : i32
    %lt3A_655 = arith.constant 0 : i32
    %lt3A_656 = arith.cmpi slt, %select_n3A_649, %lt3A_655 : i32
    %ne3A_657 = arith.xori %lt3A_654, %lt3A_656 : i1
    %and3A_658 = arith.andi %ne3A_657, %ne3A_652 : i1
    %add3A_659 = arith.addi %rem3A_650, %select_n3A_649 : i32
    %select_n3A_660 = arith.select %and3A_658, %add3A_659, %rem3A_650 : i32
    %mul3A_661 = arith.constant 1024 : i32
    %mul3A_662 = arith.muli %select_n3A_660, %mul3A_661 : i32
    %dma_start3A_663 = arith.constant 0 : i32
    %dma_start3A_664 = arith.constant 0 : i32
    %dma_start3A_665 = arith.constant 0 : i32
    %dma_start3A_666 = arith.constant 0 : i32
    %dma_start3A_667 = tpu.memref_slice %arg7[%dma_start3A_664, %dma_start3A_665, %dma_start3A_666] : memref<2x8x1024xi32, #tpu.memory_space<vmem>> -> memref<1x8x1024xi32, #tpu.memory_space<vmem>>
    %dma_start3A_668 = tpu.memref_squeeze %dma_start3A_667 : memref<1x8x1024xi32, #tpu.memory_space<vmem>> -> memref<8x1024xi32, #tpu.memory_space<vmem>>
    %dma_start3A_669 = tpu.memref_slice %arg2[%dma_start3A_663, %mul3A_644, %mul3A_662] : memref<3x200x4096xi32, #tpu.memory_space<hbm>> -> memref<1x8x1024xi32, #tpu.memory_space<hbm>>
    %dma_start3A_670 = tpu.memref_squeeze %dma_start3A_669 : memref<1x8x1024xi32, #tpu.memory_space<hbm>> -> memref<8x1024xi32, #tpu.memory_space<hbm>>
    %dma_start3A_671 = arith.constant 0 : i32
    %dma_start3A_672 = arith.constant 0 : i32
    %dma_start3A_673 = tpu.memref_slice %arg7[%dma_start3A_664, %dma_start3A_671, %dma_start3A_672] : memref<2x8x1024xi32, #tpu.memory_space<vmem>> -> memref<1x8x1024xi32, #tpu.memory_space<vmem>>
    %dma_start3A_674 = tpu.memref_squeeze %dma_start3A_673 : memref<1x8x1024xi32, #tpu.memory_space<vmem>> -> memref<8x1024xi32, #tpu.memory_space<vmem>>
    %dma_start3A_675 = tpu.memref_slice %arg2[%dma_start3A_663, %mul3A_644, %mul3A_662] : memref<3x200x4096xi32, #tpu.memory_space<hbm>> -> memref<1x8x1024xi32, #tpu.memory_space<hbm>>
    %dma_start3A_676 = tpu.memref_squeeze %dma_start3A_675 : memref<1x8x1024xi32, #tpu.memory_space<hbm>> -> memref<8x1024xi32, #tpu.memory_space<hbm>>
    tpu.enqueue_dma source(%dma_start3A_676 : memref<8x1024xi32, #tpu.memory_space<hbm>>) target(%dma_start3A_674 : memref<8x1024xi32, #tpu.memory_space<vmem>>) target_semaphore(%arg11 : memref<!tpu.dma_semaphore, #tpu.memory_space<semaphore_mem>>)
    %ge3A = arith.constant 2 : i32
    %ge3A_677 = arith.cmpi sge, %select_n3A_21, %ge3A : i32
    %convert_element_type3A_678 = arith.extui %ge3A_677 : i1 to i32
    %cond3A_679 = arith.constant 0 : i32
    %cond3A_680 = arith.cmpi ne, %convert_element_type3A_678, %cond3A_679 : i32
    scf.if %cond3A_680 {
      %add3A_990 = arith.constant 1 : i32
      %add3A_991 = arith.addi %select_n3A_39, %add3A_990 : i32
      %jit3A_992 = arith.constant 4 : i32
      %div3A_993 = arith.divsi %add3A_991, %jit3A_992 : i32
      %sign3A_994 = arith.constant 0 : i32
      %sign3A_995 = arith.cmpi sgt, %add3A_991, %sign3A_994 : i32
      %sign3A_996 = arith.extui %sign3A_995 : i1 to i32
      %sign3A_997 = arith.constant 0 : i32
      %sign3A_998 = arith.cmpi slt, %add3A_991, %sign3A_997 : i32
      %sign3A_999 = arith.extui %sign3A_998 : i1 to i32
      %sign3A_1000 = arith.subi %sign3A_996, %sign3A_999 : i32
      %sign3A_1001 = arith.constant 0 : i32
      %sign3A_1002 = arith.cmpi sgt, %jit3A_992, %sign3A_1001 : i32
      %sign3A_1003 = arith.extui %sign3A_1002 : i1 to i32
      %sign3A_1004 = arith.constant 0 : i32
      %sign3A_1005 = arith.cmpi slt, %jit3A_992, %sign3A_1004 : i32
      %sign3A_1006 = arith.extui %sign3A_1005 : i1 to i32
      %sign3A_1007 = arith.subi %sign3A_1003, %sign3A_1006 : i32
      %ne3A_1008 = arith.cmpi ne, %sign3A_1000, %sign3A_1007 : i32
      %rem3A_1009 = arith.remsi %add3A_991, %jit3A_992 : i32
      %ne3A_1010 = arith.constant 0 : i32
      %ne3A_1011 = arith.cmpi ne, %rem3A_1009, %ne3A_1010 : i32
      %and3A_1012 = arith.andi %ne3A_1008, %ne3A_1011 : i1
      %sub3A_1013 = arith.constant 1 : i32
      %sub3A_1014 = arith.subi %div3A_993, %sub3A_1013 : i32
      %select_n3A_1015 = arith.select %and3A_1012, %sub3A_1014, %div3A_993 : i32
      %mul3A_1016 = arith.constant 8 : i32
      %mul3A_1017 = arith.muli %select_n3A_1015, %mul3A_1016 : i32
      %jit3A_1018 = arith.constant 4 : i32
      %eq3A_1019 = arith.constant 0 : i32
      %eq3A_1020 = arith.cmpi eq, %jit3A_1018, %eq3A_1019 : i32
      %jit3A_1021 = arith.constant 1 : i32
      %select_n3A_1022 = arith.select %eq3A_1020, %jit3A_1021, %jit3A_1018 : i32
      %rem3A_1023 = arith.remsi %add3A_991, %select_n3A_1022 : i32
      %ne3A_1024 = arith.constant 0 : i32
      %ne3A_1025 = arith.cmpi ne, %rem3A_1023, %ne3A_1024 : i32
      %lt3A_1026 = arith.constant 0 : i32
      %lt3A_1027 = arith.cmpi slt, %rem3A_1023, %lt3A_1026 : i32
      %lt3A_1028 = arith.constant 0 : i32
      %lt3A_1029 = arith.cmpi slt, %select_n3A_1022, %lt3A_1028 : i32
      %ne3A_1030 = arith.xori %lt3A_1027, %lt3A_1029 : i1
      %and3A_1031 = arith.andi %ne3A_1030, %ne3A_1025 : i1
      %add3A_1032 = arith.addi %rem3A_1023, %select_n3A_1022 : i32
      %select_n3A_1033 = arith.select %and3A_1031, %add3A_1032, %rem3A_1023 : i32
      %mul3A_1034 = arith.constant 1024 : i32
      %mul3A_1035 = arith.muli %select_n3A_1033, %mul3A_1034 : i32
      %dma_start3A_1036 = arith.constant 0 : i32
      %dma_start3A_1037 = arith.constant 0 : i32
      %dma_start3A_1038 = arith.constant 0 : i32
      %dma_start3A_1039 = arith.constant 0 : i32
      %dma_start3A_1040 = tpu.memref_slice %arg8[%dma_start3A_1037, %dma_start3A_1038, %dma_start3A_1039] : memref<2x8x1024xi32, #tpu.memory_space<vmem>> -> memref<1x8x1024xi32, #tpu.memory_space<vmem>>
      %dma_start3A_1041 = tpu.memref_squeeze %dma_start3A_1040 : memref<1x8x1024xi32, #tpu.memory_space<vmem>> -> memref<8x1024xi32, #tpu.memory_space<vmem>>
      %dma_start3A_1042 = tpu.memref_slice %arg2[%dma_start3A_1036, %mul3A_1017, %mul3A_1035] : memref<3x200x4096xi32, #tpu.memory_space<hbm>> -> memref<1x8x1024xi32, #tpu.memory_space<hbm>>
      %dma_start3A_1043 = tpu.memref_squeeze %dma_start3A_1042 : memref<1x8x1024xi32, #tpu.memory_space<hbm>> -> memref<8x1024xi32, #tpu.memory_space<hbm>>
      %dma_start3A_1044 = arith.constant 0 : i32
      %dma_start3A_1045 = arith.constant 0 : i32
      %dma_start3A_1046 = tpu.memref_slice %arg8[%dma_start3A_1037, %dma_start3A_1044, %dma_start3A_1045] : memref<2x8x1024xi32, #tpu.memory_space<vmem>> -> memref<1x8x1024xi32, #tpu.memory_space<vmem>>
      %dma_start3A_1047 = tpu.memref_squeeze %dma_start3A_1046 : memref<1x8x1024xi32, #tpu.memory_space<vmem>> -> memref<8x1024xi32, #tpu.memory_space<vmem>>
      %dma_start3A_1048 = tpu.memref_slice %arg2[%dma_start3A_1036, %mul3A_1017, %mul3A_1035] : memref<3x200x4096xi32, #tpu.memory_space<hbm>> -> memref<1x8x1024xi32, #tpu.memory_space<hbm>>
      %dma_start3A_1049 = tpu.memref_squeeze %dma_start3A_1048 : memref<1x8x1024xi32, #tpu.memory_space<hbm>> -> memref<8x1024xi32, #tpu.memory_space<hbm>>
      tpu.enqueue_dma source(%dma_start3A_1049 : memref<8x1024xi32, #tpu.memory_space<hbm>>) target(%dma_start3A_1047 : memref<8x1024xi32, #tpu.memory_space<vmem>>) target_semaphore(%arg12 : memref<!tpu.dma_semaphore, #tpu.memory_space<semaphore_mem>>)
    } else {
    }
    %jit3A_681 = arith.constant 4 : i32
    %div3A_682 = arith.divsi %select_n3A_12, %jit3A_681 : i32
    %sign3A_683 = arith.constant 0 : i32
    %sign3A_684 = arith.cmpi sgt, %select_n3A_12, %sign3A_683 : i32
    %sign3A_685 = arith.extui %sign3A_684 : i1 to i32
    %sign3A_686 = arith.constant 0 : i32
    %sign3A_687 = arith.cmpi slt, %select_n3A_12, %sign3A_686 : i32
    %sign3A_688 = arith.extui %sign3A_687 : i1 to i32
    %sign3A_689 = arith.subi %sign3A_685, %sign3A_688 : i32
    %sign3A_690 = arith.constant 0 : i32
    %sign3A_691 = arith.cmpi sgt, %jit3A_681, %sign3A_690 : i32
    %sign3A_692 = arith.extui %sign3A_691 : i1 to i32
    %sign3A_693 = arith.constant 0 : i32
    %sign3A_694 = arith.cmpi slt, %jit3A_681, %sign3A_693 : i32
    %sign3A_695 = arith.extui %sign3A_694 : i1 to i32
    %sign3A_696 = arith.subi %sign3A_692, %sign3A_695 : i32
    %ne3A_697 = arith.cmpi ne, %sign3A_689, %sign3A_696 : i32
    %rem3A_698 = arith.remsi %select_n3A_12, %jit3A_681 : i32
    %ne3A_699 = arith.constant 0 : i32
    %ne3A_700 = arith.cmpi ne, %rem3A_698, %ne3A_699 : i32
    %and3A_701 = arith.andi %ne3A_697, %ne3A_700 : i1
    %sub3A_702 = arith.constant 1 : i32
    %sub3A_703 = arith.subi %div3A_682, %sub3A_702 : i32
    %select_n3A_704 = arith.select %and3A_701, %sub3A_703, %div3A_682 : i32
    %mul3A_705 = arith.constant 8 : i32
    %mul3A_706 = arith.muli %select_n3A_704, %mul3A_705 : i32
    %jit3A_707 = arith.constant 4 : i32
    %eq3A_708 = arith.constant 0 : i32
    %eq3A_709 = arith.cmpi eq, %jit3A_707, %eq3A_708 : i32
    %jit3A_710 = arith.constant 1 : i32
    %select_n3A_711 = arith.select %eq3A_709, %jit3A_710, %jit3A_707 : i32
    %rem3A_712 = arith.remsi %select_n3A_12, %select_n3A_711 : i32
    %ne3A_713 = arith.constant 0 : i32
    %ne3A_714 = arith.cmpi ne, %rem3A_712, %ne3A_713 : i32
    %lt3A_715 = arith.constant 0 : i32
    %lt3A_716 = arith.cmpi slt, %rem3A_712, %lt3A_715 : i32
    %lt3A_717 = arith.constant 0 : i32
    %lt3A_718 = arith.cmpi slt, %select_n3A_711, %lt3A_717 : i32
    %ne3A_719 = arith.xori %lt3A_716, %lt3A_718 : i1
    %and3A_720 = arith.andi %ne3A_719, %ne3A_714 : i1
    %add3A_721 = arith.addi %rem3A_712, %select_n3A_711 : i32
    %select_n3A_722 = arith.select %and3A_720, %add3A_721, %rem3A_712 : i32
    %mul3A_723 = arith.constant 1024 : i32
    %mul3A_724 = arith.muli %select_n3A_722, %mul3A_723 : i32
    %dma_wait3A_725 = arith.constant 1 : i32
    %dma_wait3A_726 = tpu.memref_slice %arg4[%dma_wait3A_725, %mul3A_706, %mul3A_724] : memref<3x200x4096xf32, #tpu.memory_space<hbm>> -> memref<2x8x1024xf32, #tpu.memory_space<hbm>>
    %dma_wait3A_727 = arith.constant 1 : i32
    %dma_wait3A_728 = tpu.memref_slice %arg4[%dma_wait3A_727, %mul3A_706, %mul3A_724] : memref<3x200x4096xf32, #tpu.memory_space<hbm>> -> memref<2x8x1024xf32, #tpu.memory_space<hbm>>
    tpu.wait_dma2 semaphore(%arg13 : memref<!tpu.dma_semaphore, #tpu.memory_space<semaphore_mem>>) src(%arg9 : memref<2x8x1024xf32, #tpu.memory_space<vmem>>) dst(%dma_wait3A_728 : memref<2x8x1024xf32, #tpu.memory_space<hbm>>)
    %jit3A_729 = arith.constant 4 : i32
    %div3A_730 = arith.divsi %select_n3A_12, %jit3A_729 : i32
    %sign3A_731 = arith.constant 0 : i32
    %sign3A_732 = arith.cmpi sgt, %select_n3A_12, %sign3A_731 : i32
    %sign3A_733 = arith.extui %sign3A_732 : i1 to i32
    %sign3A_734 = arith.constant 0 : i32
    %sign3A_735 = arith.cmpi slt, %select_n3A_12, %sign3A_734 : i32
    %sign3A_736 = arith.extui %sign3A_735 : i1 to i32
    %sign3A_737 = arith.subi %sign3A_733, %sign3A_736 : i32
    %sign3A_738 = arith.constant 0 : i32
    %sign3A_739 = arith.cmpi sgt, %jit3A_729, %sign3A_738 : i32
    %sign3A_740 = arith.extui %sign3A_739 : i1 to i32
    %sign3A_741 = arith.constant 0 : i32
    %sign3A_742 = arith.cmpi slt, %jit3A_729, %sign3A_741 : i32
    %sign3A_743 = arith.extui %sign3A_742 : i1 to i32
    %sign3A_744 = arith.subi %sign3A_740, %sign3A_743 : i32
    %ne3A_745 = arith.cmpi ne, %sign3A_737, %sign3A_744 : i32
    %rem3A_746 = arith.remsi %select_n3A_12, %jit3A_729 : i32
    %ne3A_747 = arith.constant 0 : i32
    %ne3A_748 = arith.cmpi ne, %rem3A_746, %ne3A_747 : i32
    %and3A_749 = arith.andi %ne3A_745, %ne3A_748 : i1
    %sub3A_750 = arith.constant 1 : i32
    %sub3A_751 = arith.subi %div3A_730, %sub3A_750 : i32
    %select_n3A_752 = arith.select %and3A_749, %sub3A_751, %div3A_730 : i32
    %mul3A_753 = arith.constant 8 : i32
    %mul3A_754 = arith.muli %select_n3A_752, %mul3A_753 : i32
    %jit3A_755 = arith.constant 4 : i32
    %eq3A_756 = arith.constant 0 : i32
    %eq3A_757 = arith.cmpi eq, %jit3A_755, %eq3A_756 : i32
    %jit3A_758 = arith.constant 1 : i32
    %select_n3A_759 = arith.select %eq3A_757, %jit3A_758, %jit3A_755 : i32
    %rem3A_760 = arith.remsi %select_n3A_12, %select_n3A_759 : i32
    %ne3A_761 = arith.constant 0 : i32
    %ne3A_762 = arith.cmpi ne, %rem3A_760, %ne3A_761 : i32
    %lt3A_763 = arith.constant 0 : i32
    %lt3A_764 = arith.cmpi slt, %rem3A_760, %lt3A_763 : i32
    %lt3A_765 = arith.constant 0 : i32
    %lt3A_766 = arith.cmpi slt, %select_n3A_759, %lt3A_765 : i32
    %ne3A_767 = arith.xori %lt3A_764, %lt3A_766 : i1
    %and3A_768 = arith.andi %ne3A_767, %ne3A_762 : i1
    %add3A_769 = arith.addi %rem3A_760, %select_n3A_759 : i32
    %select_n3A_770 = arith.select %and3A_768, %add3A_769, %rem3A_760 : i32
    %mul3A_771 = arith.constant 1024 : i32
    %mul3A_772 = arith.muli %select_n3A_770, %mul3A_771 : i32
    %dma_wait3A_773 = arith.constant 1 : i32
    %dma_wait3A_774 = tpu.memref_slice %arg4[%dma_wait3A_773, %mul3A_754, %mul3A_772] : memref<3x200x4096xf32, #tpu.memory_space<hbm>> -> memref<2x8x1024xf32, #tpu.memory_space<hbm>>
    %dma_wait3A_775 = arith.constant 1 : i32
    %dma_wait3A_776 = tpu.memref_slice %arg4[%dma_wait3A_775, %mul3A_754, %mul3A_772] : memref<3x200x4096xf32, #tpu.memory_space<hbm>> -> memref<2x8x1024xf32, #tpu.memory_space<hbm>>
    tpu.wait_dma2 semaphore(%arg14 : memref<!tpu.dma_semaphore, #tpu.memory_space<semaphore_mem>>) src(%arg10 : memref<2x8x1024xf32, #tpu.memory_space<vmem>>) dst(%dma_wait3A_776 : memref<2x8x1024xf32, #tpu.memory_space<hbm>>)
    %add3A_777 = arith.constant 0 : i32
    %add3A_778 = arith.addi %select_n3A_39, %add3A_777 : i32
    %jit3A_779 = arith.constant 4 : i32
    %div3A_780 = arith.divsi %add3A_778, %jit3A_779 : i32
    %sign3A_781 = arith.constant 0 : i32
    %sign3A_782 = arith.cmpi sgt, %add3A_778, %sign3A_781 : i32
    %sign3A_783 = arith.extui %sign3A_782 : i1 to i32
    %sign3A_784 = arith.constant 0 : i32
    %sign3A_785 = arith.cmpi slt, %add3A_778, %sign3A_784 : i32
    %sign3A_786 = arith.extui %sign3A_785 : i1 to i32
    %sign3A_787 = arith.subi %sign3A_783, %sign3A_786 : i32
    %sign3A_788 = arith.constant 0 : i32
    %sign3A_789 = arith.cmpi sgt, %jit3A_779, %sign3A_788 : i32
    %sign3A_790 = arith.extui %sign3A_789 : i1 to i32
    %sign3A_791 = arith.constant 0 : i32
    %sign3A_792 = arith.cmpi slt, %jit3A_779, %sign3A_791 : i32
    %sign3A_793 = arith.extui %sign3A_792 : i1 to i32
    %sign3A_794 = arith.subi %sign3A_790, %sign3A_793 : i32
    %ne3A_795 = arith.cmpi ne, %sign3A_787, %sign3A_794 : i32
    %rem3A_796 = arith.remsi %add3A_778, %jit3A_779 : i32
    %ne3A_797 = arith.constant 0 : i32
    %ne3A_798 = arith.cmpi ne, %rem3A_796, %ne3A_797 : i32
    %and3A_799 = arith.andi %ne3A_795, %ne3A_798 : i1
    %sub3A_800 = arith.constant 1 : i32
    %sub3A_801 = arith.subi %div3A_780, %sub3A_800 : i32
    %select_n3A_802 = arith.select %and3A_799, %sub3A_801, %div3A_780 : i32
    %mul3A_803 = arith.constant 8 : i32
    %mul3A_804 = arith.muli %select_n3A_802, %mul3A_803 : i32
    %jit3A_805 = arith.constant 4 : i32
    %eq3A_806 = arith.constant 0 : i32
    %eq3A_807 = arith.cmpi eq, %jit3A_805, %eq3A_806 : i32
    %jit3A_808 = arith.constant 1 : i32
    %select_n3A_809 = arith.select %eq3A_807, %jit3A_808, %jit3A_805 : i32
    %rem3A_810 = arith.remsi %add3A_778, %select_n3A_809 : i32
    %ne3A_811 = arith.constant 0 : i32
    %ne3A_812 = arith.cmpi ne, %rem3A_810, %ne3A_811 : i32
    %lt3A_813 = arith.constant 0 : i32
    %lt3A_814 = arith.cmpi slt, %rem3A_810, %lt3A_813 : i32
    %lt3A_815 = arith.constant 0 : i32
    %lt3A_816 = arith.cmpi slt, %select_n3A_809, %lt3A_815 : i32
    %ne3A_817 = arith.xori %lt3A_814, %lt3A_816 : i1
    %and3A_818 = arith.andi %ne3A_817, %ne3A_812 : i1
    %add3A_819 = arith.addi %rem3A_810, %select_n3A_809 : i32
    %select_n3A_820 = arith.select %and3A_818, %add3A_819, %rem3A_810 : i32
    %mul3A_821 = arith.constant 1024 : i32
    %mul3A_822 = arith.muli %select_n3A_820, %mul3A_821 : i32
    %dma_wait3A_823 = arith.constant 0 : i32
    %dma_wait3A_824 = arith.constant 0 : i32
    %dma_wait3A_825 = arith.constant 0 : i32
    %dma_wait3A_826 = arith.constant 0 : i32
    %dma_wait3A_827 = tpu.memref_slice %arg7[%dma_wait3A_824, %dma_wait3A_825, %dma_wait3A_826] : memref<2x8x1024xi32, #tpu.memory_space<vmem>> -> memref<1x8x1024xi32, #tpu.memory_space<vmem>>
    %dma_wait3A_828 = tpu.memref_squeeze %dma_wait3A_827 : memref<1x8x1024xi32, #tpu.memory_space<vmem>> -> memref<8x1024xi32, #tpu.memory_space<vmem>>
    %dma_wait3A_829 = tpu.memref_slice %arg2[%dma_wait3A_823, %mul3A_804, %mul3A_822] : memref<3x200x4096xi32, #tpu.memory_space<hbm>> -> memref<1x8x1024xi32, #tpu.memory_space<hbm>>
    %dma_wait3A_830 = tpu.memref_squeeze %dma_wait3A_829 : memref<1x8x1024xi32, #tpu.memory_space<hbm>> -> memref<8x1024xi32, #tpu.memory_space<hbm>>
    %dma_wait3A_831 = arith.constant 0 : i32
    %dma_wait3A_832 = arith.constant 0 : i32
    %dma_wait3A_833 = tpu.memref_slice %arg7[%dma_wait3A_824, %dma_wait3A_831, %dma_wait3A_832] : memref<2x8x1024xi32, #tpu.memory_space<vmem>> -> memref<1x8x1024xi32, #tpu.memory_space<vmem>>
    %dma_wait3A_834 = tpu.memref_squeeze %dma_wait3A_833 : memref<1x8x1024xi32, #tpu.memory_space<vmem>> -> memref<8x1024xi32, #tpu.memory_space<vmem>>
    %dma_wait3A_835 = tpu.memref_slice %arg2[%dma_wait3A_823, %mul3A_804, %mul3A_822] : memref<3x200x4096xi32, #tpu.memory_space<hbm>> -> memref<1x8x1024xi32, #tpu.memory_space<hbm>>
    %dma_wait3A_836 = tpu.memref_squeeze %dma_wait3A_835 : memref<1x8x1024xi32, #tpu.memory_space<hbm>> -> memref<8x1024xi32, #tpu.memory_space<hbm>>
    tpu.wait_dma2 semaphore(%arg11 : memref<!tpu.dma_semaphore, #tpu.memory_space<semaphore_mem>>) src(%dma_wait3A_836 : memref<8x1024xi32, #tpu.memory_space<hbm>>) dst(%dma_wait3A_834 : memref<8x1024xi32, #tpu.memory_space<vmem>>)
    %scan3A_837 = arith.constant 0 : i32
    %scan3A_838 = arith.constant 0 : i32
    %scan3A_839 = arith.constant 8 : i32
    %scan3A_840 = arith.addi %scan3A_838, %scan3A_839 : i32
    %scan3A_841 = arith.constant 1 : i32
    scf.for %scan3A_990 = %scan3A_838 to %scan3A_840 step %scan3A_841  : i32 {
      %parallel_loop3A = arith.constant 0 : i32
      %parallel_loop3A_991 = arith.constant 64 : i32
      %parallel_loop3A_992 = arith.constant 1 : i32
      scf.for %parallel_loop3A_993 = %parallel_loop3A to %parallel_loop3A_991 step %parallel_loop3A_992  : i32 {
        %parallel_loop3A_994 = arith.constant 16 : i32
        %parallel_loop3A_995 = arith.muli %parallel_loop3A_993, %parallel_loop3A_994 : i32
        %parallel_loop3A_996 = arith.constant 0 : i32
        %parallel_loop3A_997 = arith.index_cast %parallel_loop3A_996 : i32 to index
        %parallel_loop3A_998 = arith.index_cast %scan3A_990 : i32 to index
        %parallel_loop3A_999 = arith.index_cast %parallel_loop3A_995 : i32 to index
        %parallel_loop3A_1000 = tpu.vector_load %arg7[%parallel_loop3A_997, %parallel_loop3A_998, %parallel_loop3A_999] {strides = array<i32>} : memref<2x8x1024xi32, #tpu.memory_space<vmem>>, vector<16xi32>,
        %parallel_loop3A_1001 = arith.sitofp %parallel_loop3A_1000 : vector<16xi32> to vector<16xf32>
        %parallel_loop3A_1002 = arith.constant 0 : i32
        %parallel_loop3A_1003 = arith.index_cast %parallel_loop3A_1002 : i32 to index
        %parallel_loop3A_1004 = arith.index_cast %scan3A_990 : i32 to index
        %parallel_loop3A_1005 = arith.index_cast %parallel_loop3A_995 : i32 to index
        %parallel_loop3A_1006 = tpu.vector_load %arg9[%parallel_loop3A_1003, %parallel_loop3A_1004, %parallel_loop3A_1005] {strides = array<i32>} : memref<2x8x1024xf32, #tpu.memory_space<vmem>>, vector<16xf32>,
        tpu.vector_store %arg9[%parallel_loop3A_1003, %parallel_loop3A_1004, %parallel_loop3A_1005], %parallel_loop3A_1001 {strides = array<i32>} : memref<2x8x1024xf32, #tpu.memory_space<vmem>>, vector<16xf32>,
      } {sc.loop_unroll_factor = 8 : i64, sc.parallel_access}
    }
    %scan3A_842 = arith.constant 8 : i32
    %jit3A_843 = arith.constant 4 : i32
    %div3A_844 = arith.divsi %add3A_778, %jit3A_843 : i32
    %sign3A_845 = arith.constant 0 : i32
    %sign3A_846 = arith.cmpi sgt, %add3A_778, %sign3A_845 : i32
    %sign3A_847 = arith.extui %sign3A_846 : i1 to i32
    %sign3A_848 = arith.constant 0 : i32
    %sign3A_849 = arith.cmpi slt, %add3A_778, %sign3A_848 : i32
    %sign3A_850 = arith.extui %sign3A_849 : i1 to i32
    %sign3A_851 = arith.subi %sign3A_847, %sign3A_850 : i32
    %sign3A_852 = arith.constant 0 : i32
    %sign3A_853 = arith.cmpi sgt, %jit3A_843, %sign3A_852 : i32
    %sign3A_854 = arith.extui %sign3A_853 : i1 to i32
    %sign3A_855 = arith.constant 0 : i32
    %sign3A_856 = arith.cmpi slt, %jit3A_843, %sign3A_855 : i32
    %sign3A_857 = arith.extui %sign3A_856 : i1 to i32
    %sign3A_858 = arith.subi %sign3A_854, %sign3A_857 : i32
    %ne3A_859 = arith.cmpi ne, %sign3A_851, %sign3A_858 : i32
    %rem3A_860 = arith.remsi %add3A_778, %jit3A_843 : i32
    %ne3A_861 = arith.constant 0 : i32
    %ne3A_862 = arith.cmpi ne, %rem3A_860, %ne3A_861 : i32
    %and3A_863 = arith.andi %ne3A_859, %ne3A_862 : i1
    %sub3A_864 = arith.constant 1 : i32
    %sub3A_865 = arith.subi %div3A_844, %sub3A_864 : i32
    %select_n3A_866 = arith.select %and3A_863, %sub3A_865, %div3A_844 : i32
    %mul3A_867 = arith.constant 8 : i32
    %mul3A_868 = arith.muli %select_n3A_866, %mul3A_867 : i32
    %jit3A_869 = arith.constant 4 : i32
    %eq3A_870 = arith.constant 0 : i32
    %eq3A_871 = arith.cmpi eq, %jit3A_869, %eq3A_870 : i32
    %jit3A_872 = arith.constant 1 : i32
    %select_n3A_873 = arith.select %eq3A_871, %jit3A_872, %jit3A_869 : i32
    %rem3A_874 = arith.remsi %add3A_778, %select_n3A_873 : i32
    %ne3A_875 = arith.constant 0 : i32
    %ne3A_876 = arith.cmpi ne, %rem3A_874, %ne3A_875 : i32
    %lt3A_877 = arith.constant 0 : i32
    %lt3A_878 = arith.cmpi slt, %rem3A_874, %lt3A_877 : i32
    %lt3A_879 = arith.constant 0 : i32
    %lt3A_880 = arith.cmpi slt, %select_n3A_873, %lt3A_879 : i32
    %ne3A_881 = arith.xori %lt3A_878, %lt3A_880 : i1
    %and3A_882 = arith.andi %ne3A_881, %ne3A_876 : i1
    %add3A_883 = arith.addi %rem3A_874, %select_n3A_873 : i32
    %select_n3A_884 = arith.select %and3A_882, %add3A_883, %rem3A_874 : i32
    %mul3A_885 = arith.constant 1024 : i32
    %mul3A_886 = arith.muli %select_n3A_884, %mul3A_885 : i32
    %dma_start3A_887 = arith.constant 0 : i32
    %dma_start3A_888 = arith.constant 0 : i32
    %dma_start3A_889 = arith.constant 0 : i32
    %dma_start3A_890 = arith.constant 0 : i32
    %dma_start3A_891 = tpu.memref_slice %arg9[%dma_start3A_887, %dma_start3A_889, %dma_start3A_890] : memref<2x8x1024xf32, #tpu.memory_space<vmem>> -> memref<1x8x1024xf32, #tpu.memory_space<vmem>>
    %dma_start3A_892 = tpu.memref_squeeze %dma_start3A_891 : memref<1x8x1024xf32, #tpu.memory_space<vmem>> -> memref<8x1024xf32, #tpu.memory_space<vmem>>
    %dma_start3A_893 = tpu.memref_slice %arg4[%dma_start3A_888, %mul3A_868, %mul3A_886] : memref<3x200x4096xf32, #tpu.memory_space<hbm>> -> memref<1x8x1024xf32, #tpu.memory_space<hbm>>
    %dma_start3A_894 = tpu.memref_squeeze %dma_start3A_893 : memref<1x8x1024xf32, #tpu.memory_space<hbm>> -> memref<8x1024xf32, #tpu.memory_space<hbm>>
    %dma_start3A_895 = tpu.memref_slice %arg4[%dma_start3A_888, %mul3A_868, %mul3A_886] : memref<3x200x4096xf32, #tpu.memory_space<hbm>> -> memref<1x8x1024xf32, #tpu.memory_space<hbm>>
    %dma_start3A_896 = tpu.memref_squeeze %dma_start3A_895 : memref<1x8x1024xf32, #tpu.memory_space<hbm>> -> memref<8x1024xf32, #tpu.memory_space<hbm>>
    %dma_start3A_897 = arith.constant 0 : i32
    %dma_start3A_898 = arith.constant 0 : i32
    %dma_start3A_899 = tpu.memref_slice %arg9[%dma_start3A_887, %dma_start3A_897, %dma_start3A_898] : memref<2x8x1024xf32, #tpu.memory_space<vmem>> -> memref<1x8x1024xf32, #tpu.memory_space<vmem>>
    %dma_start3A_900 = tpu.memref_squeeze %dma_start3A_899 : memref<1x8x1024xf32, #tpu.memory_space<vmem>> -> memref<8x1024xf32, #tpu.memory_space<vmem>>
    tpu.enqueue_dma source(%dma_start3A_900 : memref<8x1024xf32, #tpu.memory_space<vmem>>) target(%dma_start3A_896 : memref<8x1024xf32, #tpu.memory_space<hbm>>) target_semaphore(%arg13 : memref<!tpu.dma_semaphore, #tpu.memory_space<semaphore_mem>>)
    %gt3A_901 = arith.constant 2 : i32
    %gt3A_902 = arith.cmpi sgt, %select_n3A_21, %gt3A_901 : i32
    %convert_element_type3A_903 = arith.extui %gt3A_902 : i1 to i32
    %cond3A_904 = arith.constant 0 : i32
    %cond3A_905 = arith.cmpi ne, %convert_element_type3A_903, %cond3A_904 : i32
    scf.if %cond3A_905 {
      %add3A_990 = arith.constant 2 : i32
      %add3A_991 = arith.addi %select_n3A_39, %add3A_990 : i32
      %jit3A_992 = arith.constant 4 : i32
      %div3A_993 = arith.divsi %add3A_991, %jit3A_992 : i32
      %sign3A_994 = arith.constant 0 : i32
      %sign3A_995 = arith.cmpi sgt, %add3A_991, %sign3A_994 : i32
      %sign3A_996 = arith.extui %sign3A_995 : i1 to i32
      %sign3A_997 = arith.constant 0 : i32
      %sign3A_998 = arith.cmpi slt, %add3A_991, %sign3A_997 : i32
      %sign3A_999 = arith.extui %sign3A_998 : i1 to i32
      %sign3A_1000 = arith.subi %sign3A_996, %sign3A_999 : i32
      %sign3A_1001 = arith.constant 0 : i32
      %sign3A_1002 = arith.cmpi sgt, %jit3A_992, %sign3A_1001 : i32
      %sign3A_1003 = arith.extui %sign3A_1002 : i1 to i32
      %sign3A_1004 = arith.constant 0 : i32
      %sign3A_1005 = arith.cmpi slt, %jit3A_992, %sign3A_1004 : i32
      %sign3A_1006 = arith.extui %sign3A_1005 : i1 to i32
      %sign3A_1007 = arith.subi %sign3A_1003, %sign3A_1006 : i32
      %ne3A_1008 = arith.cmpi ne, %sign3A_1000, %sign3A_1007 : i32
      %rem3A_1009 = arith.remsi %add3A_991, %jit3A_992 : i32
      %ne3A_1010 = arith.constant 0 : i32
      %ne3A_1011 = arith.cmpi ne, %rem3A_1009, %ne3A_1010 : i32
      %and3A_1012 = arith.andi %ne3A_1008, %ne3A_1011 : i1
      %sub3A_1013 = arith.constant 1 : i32
      %sub3A_1014 = arith.subi %div3A_993, %sub3A_1013 : i32
      %select_n3A_1015 = arith.select %and3A_1012, %sub3A_1014, %div3A_993 : i32
      %mul3A_1016 = arith.constant 8 : i32
      %mul3A_1017 = arith.muli %select_n3A_1015, %mul3A_1016 : i32
      %jit3A_1018 = arith.constant 4 : i32
      %eq3A_1019 = arith.constant 0 : i32
      %eq3A_1020 = arith.cmpi eq, %jit3A_1018, %eq3A_1019 : i32
      %jit3A_1021 = arith.constant 1 : i32
      %select_n3A_1022 = arith.select %eq3A_1020, %jit3A_1021, %jit3A_1018 : i32
      %rem3A_1023 = arith.remsi %add3A_991, %select_n3A_1022 : i32
      %ne3A_1024 = arith.constant 0 : i32
      %ne3A_1025 = arith.cmpi ne, %rem3A_1023, %ne3A_1024 : i32
      %lt3A_1026 = arith.constant 0 : i32
      %lt3A_1027 = arith.cmpi slt, %rem3A_1023, %lt3A_1026 : i32
      %lt3A_1028 = arith.constant 0 : i32
      %lt3A_1029 = arith.cmpi slt, %select_n3A_1022, %lt3A_1028 : i32
      %ne3A_1030 = arith.xori %lt3A_1027, %lt3A_1029 : i1
      %and3A_1031 = arith.andi %ne3A_1030, %ne3A_1025 : i1
      %add3A_1032 = arith.addi %rem3A_1023, %select_n3A_1022 : i32
      %select_n3A_1033 = arith.select %and3A_1031, %add3A_1032, %rem3A_1023 : i32
      %mul3A_1034 = arith.constant 1024 : i32
      %mul3A_1035 = arith.muli %select_n3A_1033, %mul3A_1034 : i32
      %dma_start3A_1036 = arith.constant 0 : i32
      %dma_start3A_1037 = arith.constant 0 : i32
      %dma_start3A_1038 = arith.constant 0 : i32
      %dma_start3A_1039 = arith.constant 0 : i32
      %dma_start3A_1040 = tpu.memref_slice %arg7[%dma_start3A_1037, %dma_start3A_1038, %dma_start3A_1039] : memref<2x8x1024xi32, #tpu.memory_space<vmem>> -> memref<1x8x1024xi32, #tpu.memory_space<vmem>>
      %dma_start3A_1041 = tpu.memref_squeeze %dma_start3A_1040 : memref<1x8x1024xi32, #tpu.memory_space<vmem>> -> memref<8x1024xi32, #tpu.memory_space<vmem>>
      %dma_start3A_1042 = tpu.memref_slice %arg2[%dma_start3A_1036, %mul3A_1017, %mul3A_1035] : memref<3x200x4096xi32, #tpu.memory_space<hbm>> -> memref<1x8x1024xi32, #tpu.memory_space<hbm>>
      %dma_start3A_1043 = tpu.memref_squeeze %dma_start3A_1042 : memref<1x8x1024xi32, #tpu.memory_space<hbm>> -> memref<8x1024xi32, #tpu.memory_space<hbm>>
      %dma_start3A_1044 = arith.constant 0 : i32
      %dma_start3A_1045 = arith.constant 0 : i32
      %dma_start3A_1046 = tpu.memref_slice %arg7[%dma_start3A_1037, %dma_start3A_1044, %dma_start3A_1045] : memref<2x8x1024xi32, #tpu.memory_space<vmem>> -> memref<1x8x1024xi32, #tpu.memory_space<vmem>>
      %dma_start3A_1047 = tpu.memref_squeeze %dma_start3A_1046 : memref<1x8x1024xi32, #tpu.memory_space<vmem>> -> memref<8x1024xi32, #tpu.memory_space<vmem>>
      %dma_start3A_1048 = tpu.memref_slice %arg2[%dma_start3A_1036, %mul3A_1017, %mul3A_1035] : memref<3x200x4096xi32, #tpu.memory_space<hbm>> -> memref<1x8x1024xi32, #tpu.memory_space<hbm>>
      %dma_start3A_1049 = tpu.memref_squeeze %dma_start3A_1048 : memref<1x8x1024xi32, #tpu.memory_space<hbm>> -> memref<8x1024xi32, #tpu.memory_space<hbm>>
      tpu.enqueue_dma source(%dma_start3A_1049 : memref<8x1024xi32, #tpu.memory_space<hbm>>) target(%dma_start3A_1047 : memref<8x1024xi32, #tpu.memory_space<vmem>>) target_semaphore(%arg11 : memref<!tpu.dma_semaphore, #tpu.memory_space<semaphore_mem>>)
    } else {
    }
    %add3A_906 = arith.constant 1 : i32
    %add3A_907 = arith.addi %select_n3A_39, %add3A_906 : i32
    %gt3A_908 = arith.constant 1 : i32
    %gt3A_909 = arith.cmpi sgt, %select_n3A_21, %gt3A_908 : i32
    %convert_element_type3A_910 = arith.extui %gt3A_909 : i1 to i32
    %cond3A_911 = arith.constant 0 : i32
    %cond3A_912 = arith.cmpi ne, %convert_element_type3A_910, %cond3A_911 : i32
    scf.if %cond3A_912 {
      %jit3A_990 = arith.constant 4 : i32
      %div3A_991 = arith.divsi %add3A_907, %jit3A_990 : i32
      %sign3A_992 = arith.constant 0 : i32
      %sign3A_993 = arith.cmpi sgt, %add3A_907, %sign3A_992 : i32
      %sign3A_994 = arith.extui %sign3A_993 : i1 to i32
      %sign3A_995 = arith.constant 0 : i32
      %sign3A_996 = arith.cmpi slt, %add3A_907, %sign3A_995 : i32
      %sign3A_997 = arith.extui %sign3A_996 : i1 to i32
      %sign3A_998 = arith.subi %sign3A_994, %sign3A_997 : i32
      %sign3A_999 = arith.constant 0 : i32
      %sign3A_1000 = arith.cmpi sgt, %jit3A_990, %sign3A_999 : i32
      %sign3A_1001 = arith.extui %sign3A_1000 : i1 to i32
      %sign3A_1002 = arith.constant 0 : i32
      %sign3A_1003 = arith.cmpi slt, %jit3A_990, %sign3A_1002 : i32
      %sign3A_1004 = arith.extui %sign3A_1003 : i1 to i32
      %sign3A_1005 = arith.subi %sign3A_1001, %sign3A_1004 : i32
      %ne3A_1006 = arith.cmpi ne, %sign3A_998, %sign3A_1005 : i32
      %rem3A_1007 = arith.remsi %add3A_907, %jit3A_990 : i32
      %ne3A_1008 = arith.constant 0 : i32
      %ne3A_1009 = arith.cmpi ne, %rem3A_1007, %ne3A_1008 : i32
      %and3A_1010 = arith.andi %ne3A_1006, %ne3A_1009 : i1
      %sub3A_1011 = arith.constant 1 : i32
      %sub3A_1012 = arith.subi %div3A_991, %sub3A_1011 : i32
      %select_n3A_1013 = arith.select %and3A_1010, %sub3A_1012, %div3A_991 : i32
      %mul3A_1014 = arith.constant 8 : i32
      %mul3A_1015 = arith.muli %select_n3A_1013, %mul3A_1014 : i32
      %jit3A_1016 = arith.constant 4 : i32
      %eq3A_1017 = arith.constant 0 : i32
      %eq3A_1018 = arith.cmpi eq, %jit3A_1016, %eq3A_1017 : i32
      %jit3A_1019 = arith.constant 1 : i32
      %select_n3A_1020 = arith.select %eq3A_1018, %jit3A_1019, %jit3A_1016 : i32
      %rem3A_1021 = arith.remsi %add3A_907, %select_n3A_1020 : i32
      %ne3A_1022 = arith.constant 0 : i32
      %ne3A_1023 = arith.cmpi ne, %rem3A_1021, %ne3A_1022 : i32
      %lt3A_1024 = arith.constant 0 : i32
      %lt3A_1025 = arith.cmpi slt, %rem3A_1021, %lt3A_1024 : i32
      %lt3A_1026 = arith.constant 0 : i32
      %lt3A_1027 = arith.cmpi slt, %select_n3A_1020, %lt3A_1026 : i32
      %ne3A_1028 = arith.xori %lt3A_1025, %lt3A_1027 : i1
      %and3A_1029 = arith.andi %ne3A_1028, %ne3A_1023 : i1
      %add3A_1030 = arith.addi %rem3A_1021, %select_n3A_1020 : i32
      %select_n3A_1031 = arith.select %and3A_1029, %add3A_1030, %rem3A_1021 : i32
      %mul3A_1032 = arith.constant 1024 : i32
      %mul3A_1033 = arith.muli %select_n3A_1031, %mul3A_1032 : i32
      %dma_wait3A_1034 = arith.constant 0 : i32
      %dma_wait3A_1035 = arith.constant 0 : i32
      %dma_wait3A_1036 = arith.constant 0 : i32
      %dma_wait3A_1037 = arith.constant 0 : i32
      %dma_wait3A_1038 = tpu.memref_slice %arg8[%dma_wait3A_1035, %dma_wait3A_1036, %dma_wait3A_1037] : memref<2x8x1024xi32, #tpu.memory_space<vmem>> -> memref<1x8x1024xi32, #tpu.memory_space<vmem>>
      %dma_wait3A_1039 = tpu.memref_squeeze %dma_wait3A_1038 : memref<1x8x1024xi32, #tpu.memory_space<vmem>> -> memref<8x1024xi32, #tpu.memory_space<vmem>>
      %dma_wait3A_1040 = tpu.memref_slice %arg2[%dma_wait3A_1034, %mul3A_1015, %mul3A_1033] : memref<3x200x4096xi32, #tpu.memory_space<hbm>> -> memref<1x8x1024xi32, #tpu.memory_space<hbm>>
      %dma_wait3A_1041 = tpu.memref_squeeze %dma_wait3A_1040 : memref<1x8x1024xi32, #tpu.memory_space<hbm>> -> memref<8x1024xi32, #tpu.memory_space<hbm>>
      %dma_wait3A_1042 = arith.constant 0 : i32
      %dma_wait3A_1043 = arith.constant 0 : i32
      %dma_wait3A_1044 = tpu.memref_slice %arg8[%dma_wait3A_1035, %dma_wait3A_1042, %dma_wait3A_1043] : memref<2x8x1024xi32, #tpu.memory_space<vmem>> -> memref<1x8x1024xi32, #tpu.memory_space<vmem>>
      %dma_wait3A_1045 = tpu.memref_squeeze %dma_wait3A_1044 : memref<1x8x1024xi32, #tpu.memory_space<vmem>> -> memref<8x1024xi32, #tpu.memory_space<vmem>>
      %dma_wait3A_1046 = tpu.memref_slice %arg2[%dma_wait3A_1034, %mul3A_1015, %mul3A_1033] : memref<3x200x4096xi32, #tpu.memory_space<hbm>> -> memref<1x8x1024xi32, #tpu.memory_space<hbm>>
      %dma_wait3A_1047 = tpu.memref_squeeze %dma_wait3A_1046 : memref<1x8x1024xi32, #tpu.memory_space<hbm>> -> memref<8x1024xi32, #tpu.memory_space<hbm>>
      tpu.wait_dma2 semaphore(%arg12 : memref<!tpu.dma_semaphore, #tpu.memory_space<semaphore_mem>>) src(%dma_wait3A_1047 : memref<8x1024xi32, #tpu.memory_space<hbm>>) dst(%dma_wait3A_1045 : memref<8x1024xi32, #tpu.memory_space<vmem>>)
      %scan3A_1048 = arith.constant 0 : i32
      %scan3A_1049 = arith.constant 0 : i32
      %scan3A_1050 = arith.constant 8 : i32
      %scan3A_1051 = arith.addi %scan3A_1049, %scan3A_1050 : i32
      %scan3A_1052 = arith.constant 1 : i32
      scf.for %scan3A_1117 = %scan3A_1049 to %scan3A_1051 step %scan3A_1052  : i32 {
        %parallel_loop3A = arith.constant 0 : i32
        %parallel_loop3A_1118 = arith.constant 64 : i32
        %parallel_loop3A_1119 = arith.constant 1 : i32
        scf.for %parallel_loop3A_1120 = %parallel_loop3A to %parallel_loop3A_1118 step %parallel_loop3A_1119  : i32 {
          %parallel_loop3A_1121 = arith.constant 16 : i32
          %parallel_loop3A_1122 = arith.muli %parallel_loop3A_1120, %parallel_loop3A_1121 : i32
          %parallel_loop3A_1123 = arith.constant 0 : i32
          %parallel_loop3A_1124 = arith.index_cast %parallel_loop3A_1123 : i32 to index
          %parallel_loop3A_1125 = arith.index_cast %scan3A_1117 : i32 to index
          %parallel_loop3A_1126 = arith.index_cast %parallel_loop3A_1122 : i32 to index
          %parallel_loop3A_1127 = tpu.vector_load %arg8[%parallel_loop3A_1124, %parallel_loop3A_1125, %parallel_loop3A_1126] {strides = array<i32>} : memref<2x8x1024xi32, #tpu.memory_space<vmem>>, vector<16xi32>,
          %parallel_loop3A_1128 = arith.sitofp %parallel_loop3A_1127 : vector<16xi32> to vector<16xf32>
          %parallel_loop3A_1129 = arith.constant 0 : i32
          %parallel_loop3A_1130 = arith.index_cast %parallel_loop3A_1129 : i32 to index
          %parallel_loop3A_1131 = arith.index_cast %scan3A_1117 : i32 to index
          %parallel_loop3A_1132 = arith.index_cast %parallel_loop3A_1122 : i32 to index
          %parallel_loop3A_1133 = tpu.vector_load %arg10[%parallel_loop3A_1130, %parallel_loop3A_1131, %parallel_loop3A_1132] {strides = array<i32>} : memref<2x8x1024xf32, #tpu.memory_space<vmem>>, vector<16xf32>,
          tpu.vector_store %arg10[%parallel_loop3A_1130, %parallel_loop3A_1131, %parallel_loop3A_1132], %parallel_loop3A_1128 {strides = array<i32>} : memref<2x8x1024xf32, #tpu.memory_space<vmem>>, vector<16xf32>,
        } {sc.loop_unroll_factor = 8 : i64, sc.parallel_access}
      }
      %scan3A_1053 = arith.constant 8 : i32
      %jit3A_1054 = arith.constant 4 : i32
      %div3A_1055 = arith.divsi %add3A_907, %jit3A_1054 : i32
      %sign3A_1056 = arith.constant 0 : i32
      %sign3A_1057 = arith.cmpi sgt, %add3A_907, %sign3A_1056 : i32
      %sign3A_1058 = arith.extui %sign3A_1057 : i1 to i32
      %sign3A_1059 = arith.constant 0 : i32
      %sign3A_1060 = arith.cmpi slt, %add3A_907, %sign3A_1059 : i32
      %sign3A_1061 = arith.extui %sign3A_1060 : i1 to i32
      %sign3A_1062 = arith.subi %sign3A_1058, %sign3A_1061 : i32
      %sign3A_1063 = arith.constant 0 : i32
      %sign3A_1064 = arith.cmpi sgt, %jit3A_1054, %sign3A_1063 : i32
      %sign3A_1065 = arith.extui %sign3A_1064 : i1 to i32
      %sign3A_1066 = arith.constant 0 : i32
      %sign3A_1067 = arith.cmpi slt, %jit3A_1054, %sign3A_1066 : i32
      %sign3A_1068 = arith.extui %sign3A_1067 : i1 to i32
      %sign3A_1069 = arith.subi %sign3A_1065, %sign3A_1068 : i32
      %ne3A_1070 = arith.cmpi ne, %sign3A_1062, %sign3A_1069 : i32
      %rem3A_1071 = arith.remsi %add3A_907, %jit3A_1054 : i32
      %ne3A_1072 = arith.constant 0 : i32
      %ne3A_1073 = arith.cmpi ne, %rem3A_1071, %ne3A_1072 : i32
      %and3A_1074 = arith.andi %ne3A_1070, %ne3A_1073 : i1
      %sub3A_1075 = arith.constant 1 : i32
      %sub3A_1076 = arith.subi %div3A_1055, %sub3A_1075 : i32
      %select_n3A_1077 = arith.select %and3A_1074, %sub3A_1076, %div3A_1055 : i32
      %mul3A_1078 = arith.constant 8 : i32
      %mul3A_1079 = arith.muli %select_n3A_1077, %mul3A_1078 : i32
      %jit3A_1080 = arith.constant 4 : i32
      %eq3A_1081 = arith.constant 0 : i32
      %eq3A_1082 = arith.cmpi eq, %jit3A_1080, %eq3A_1081 : i32
      %jit3A_1083 = arith.constant 1 : i32
      %select_n3A_1084 = arith.select %eq3A_1082, %jit3A_1083, %jit3A_1080 : i32
      %rem3A_1085 = arith.remsi %add3A_907, %select_n3A_1084 : i32
      %ne3A_1086 = arith.constant 0 : i32
      %ne3A_1087 = arith.cmpi ne, %rem3A_1085, %ne3A_1086 : i32
      %lt3A_1088 = arith.constant 0 : i32
      %lt3A_1089 = arith.cmpi slt, %rem3A_1085, %lt3A_1088 : i32
      %lt3A_1090 = arith.constant 0 : i32
      %lt3A_1091 = arith.cmpi slt, %select_n3A_1084, %lt3A_1090 : i32
      %ne3A_1092 = arith.xori %lt3A_1089, %lt3A_1091 : i1
      %and3A_1093 = arith.andi %ne3A_1092, %ne3A_1087 : i1
      %add3A_1094 = arith.addi %rem3A_1085, %select_n3A_1084 : i32
      %select_n3A_1095 = arith.select %and3A_1093, %add3A_1094, %rem3A_1085 : i32
      %mul3A_1096 = arith.constant 1024 : i32
      %mul3A_1097 = arith.muli %select_n3A_1095, %mul3A_1096 : i32
      %dma_start3A_1098 = arith.constant 0 : i32
      %dma_start3A_1099 = arith.constant 0 : i32
      %dma_start3A_1100 = arith.constant 0 : i32
      %dma_start3A_1101 = arith.constant 0 : i32
      %dma_start3A_1102 = tpu.memref_slice %arg10[%dma_start3A_1098, %dma_start3A_1100, %dma_start3A_1101] : memref<2x8x1024xf32, #tpu.memory_space<vmem>> -> memref<1x8x1024xf32, #tpu.memory_space<vmem>>
      %dma_start3A_1103 = tpu.memref_squeeze %dma_start3A_1102 : memref<1x8x1024xf32, #tpu.memory_space<vmem>> -> memref<8x1024xf32, #tpu.memory_space<vmem>>
      %dma_start3A_1104 = tpu.memref_slice %arg4[%dma_start3A_1099, %mul3A_1079, %mul3A_1097] : memref<3x200x4096xf32, #tpu.memory_space<hbm>> -> memref<1x8x1024xf32, #tpu.memory_space<hbm>>
      %dma_start3A_1105 = tpu.memref_squeeze %dma_start3A_1104 : memref<1x8x1024xf32, #tpu.memory_space<hbm>> -> memref<8x1024xf32, #tpu.memory_space<hbm>>
      %dma_start3A_1106 = tpu.memref_slice %arg4[%dma_start3A_1099, %mul3A_1079, %mul3A_1097] : memref<3x200x4096xf32, #tpu.memory_space<hbm>> -> memref<1x8x1024xf32, #tpu.memory_space<hbm>>
      %dma_start3A_1107 = tpu.memref_squeeze %dma_start3A_1106 : memref<1x8x1024xf32, #tpu.memory_space<hbm>> -> memref<8x1024xf32, #tpu.memory_space<hbm>>
      %dma_start3A_1108 = arith.constant 0 : i32
      %dma_start3A_1109 = arith.constant 0 : i32
      %dma_start3A_1110 = tpu.memref_slice %arg10[%dma_start3A_1098, %dma_start3A_1108, %dma_start3A_1109] : memref<2x8x1024xf32, #tpu.memory_space<vmem>> -> memref<1x8x1024xf32, #tpu.memory_space<vmem>>
      %dma_start3A_1111 = tpu.memref_squeeze %dma_start3A_1110 : memref<1x8x1024xf32, #tpu.memory_space<vmem>> -> memref<8x1024xf32, #tpu.memory_space<vmem>>
      tpu.enqueue_dma source(%dma_start3A_1111 : memref<8x1024xf32, #tpu.memory_space<vmem>>) target(%dma_start3A_1107 : memref<8x1024xf32, #tpu.memory_space<hbm>>) target_semaphore(%arg14 : memref<!tpu.dma_semaphore, #tpu.memory_space<semaphore_mem>>)
      %gt3A_1112 = arith.constant 3 : i32
      %gt3A_1113 = arith.cmpi sgt, %select_n3A_21, %gt3A_1112 : i32
      %convert_element_type3A_1114 = arith.extui %gt3A_1113 : i1 to i32
      %cond3A_1115 = arith.constant 0 : i32
      %cond3A_1116 = arith.cmpi ne, %convert_element_type3A_1114, %cond3A_1115 : i32
      scf.if %cond3A_1116 {
        %add3A_1117 = arith.constant 3 : i32
        %add3A_1118 = arith.addi %select_n3A_39, %add3A_1117 : i32
        %jit3A_1119 = arith.constant 4 : i32
        %div3A_1120 = arith.divsi %add3A_1118, %jit3A_1119 : i32
        %sign3A_1121 = arith.constant 0 : i32
        %sign3A_1122 = arith.cmpi sgt, %add3A_1118, %sign3A_1121 : i32
        %sign3A_1123 = arith.extui %sign3A_1122 : i1 to i32
        %sign3A_1124 = arith.constant 0 : i32
        %sign3A_1125 = arith.cmpi slt, %add3A_1118, %sign3A_1124 : i32
        %sign3A_1126 = arith.extui %sign3A_1125 : i1 to i32
        %sign3A_1127 = arith.subi %sign3A_1123, %sign3A_1126 : i32
        %sign3A_1128 = arith.constant 0 : i32
        %sign3A_1129 = arith.cmpi sgt, %jit3A_1119, %sign3A_1128 : i32
        %sign3A_1130 = arith.extui %sign3A_1129 : i1 to i32
        %sign3A_1131 = arith.constant 0 : i32
        %sign3A_1132 = arith.cmpi slt, %jit3A_1119, %sign3A_1131 : i32
        %sign3A_1133 = arith.extui %sign3A_1132 : i1 to i32
        %sign3A_1134 = arith.subi %sign3A_1130, %sign3A_1133 : i32
        %ne3A_1135 = arith.cmpi ne, %sign3A_1127, %sign3A_1134 : i32
        %rem3A_1136 = arith.remsi %add3A_1118, %jit3A_1119 : i32
        %ne3A_1137 = arith.constant 0 : i32
        %ne3A_1138 = arith.cmpi ne, %rem3A_1136, %ne3A_1137 : i32
        %and3A_1139 = arith.andi %ne3A_1135, %ne3A_1138 : i1
        %sub3A_1140 = arith.constant 1 : i32
        %sub3A_1141 = arith.subi %div3A_1120, %sub3A_1140 : i32
        %select_n3A_1142 = arith.select %and3A_1139, %sub3A_1141, %div3A_1120 : i32
        %mul3A_1143 = arith.constant 8 : i32
        %mul3A_1144 = arith.muli %select_n3A_1142, %mul3A_1143 : i32
        %jit3A_1145 = arith.constant 4 : i32
        %eq3A_1146 = arith.constant 0 : i32
        %eq3A_1147 = arith.cmpi eq, %jit3A_1145, %eq3A_1146 : i32
        %jit3A_1148 = arith.constant 1 : i32
        %select_n3A_1149 = arith.select %eq3A_1147, %jit3A_1148, %jit3A_1145 : i32
        %rem3A_1150 = arith.remsi %add3A_1118, %select_n3A_1149 : i32
        %ne3A_1151 = arith.constant 0 : i32
        %ne3A_1152 = arith.cmpi ne, %rem3A_1150, %ne3A_1151 : i32
        %lt3A_1153 = arith.constant 0 : i32
        %lt3A_1154 = arith.cmpi slt, %rem3A_1150, %lt3A_1153 : i32
        %lt3A_1155 = arith.constant 0 : i32
        %lt3A_1156 = arith.cmpi slt, %select_n3A_1149, %lt3A_1155 : i32
        %ne3A_1157 = arith.xori %lt3A_1154, %lt3A_1156 : i1
        %and3A_1158 = arith.andi %ne3A_1157, %ne3A_1152 : i1
        %add3A_1159 = arith.addi %rem3A_1150, %select_n3A_1149 : i32
        %select_n3A_1160 = arith.select %and3A_1158, %add3A_1159, %rem3A_1150 : i32
        %mul3A_1161 = arith.constant 1024 : i32
        %mul3A_1162 = arith.muli %select_n3A_1160, %mul3A_1161 : i32
        %dma_start3A_1163 = arith.constant 0 : i32
        %dma_start3A_1164 = arith.constant 0 : i32
        %dma_start3A_1165 = arith.constant 0 : i32
        %dma_start3A_1166 = arith.constant 0 : i32
        %dma_start3A_1167 = tpu.memref_slice %arg8[%dma_start3A_1164, %dma_start3A_1165, %dma_start3A_1166] : memref<2x8x1024xi32, #tpu.memory_space<vmem>> -> memref<1x8x1024xi32, #tpu.memory_space<vmem>>
        %dma_start3A_1168 = tpu.memref_squeeze %dma_start3A_1167 : memref<1x8x1024xi32, #tpu.memory_space<vmem>> -> memref<8x1024xi32, #tpu.memory_space<vmem>>
        %dma_start3A_1169 = tpu.memref_slice %arg2[%dma_start3A_1163, %mul3A_1144, %mul3A_1162] : memref<3x200x4096xi32, #tpu.memory_space<hbm>> -> memref<1x8x1024xi32, #tpu.memory_space<hbm>>
        %dma_start3A_1170 = tpu.memref_squeeze %dma_start3A_1169 : memref<1x8x1024xi32, #tpu.memory_space<hbm>> -> memref<8x1024xi32, #tpu.memory_space<hbm>>
        %dma_start3A_1171 = arith.constant 0 : i32
        %dma_start3A_1172 = arith.constant 0 : i32
        %dma_start3A_1173 = tpu.memref_slice %arg8[%dma_start3A_1164, %dma_start3A_1171, %dma_start3A_1172] : memref<2x8x1024xi32, #tpu.memory_space<vmem>> -> memref<1x8x1024xi32, #tpu.memory_space<vmem>>
        %dma_start3A_1174 = tpu.memref_squeeze %dma_start3A_1173 : memref<1x8x1024xi32, #tpu.memory_space<vmem>> -> memref<8x1024xi32, #tpu.memory_space<vmem>>
        %dma_start3A_1175 = tpu.memref_slice %arg2[%dma_start3A_1163, %mul3A_1144, %mul3A_1162] : memref<3x200x4096xi32, #tpu.memory_space<hbm>> -> memref<1x8x1024xi32, #tpu.memory_space<hbm>>
        %dma_start3A_1176 = tpu.memref_squeeze %dma_start3A_1175 : memref<1x8x1024xi32, #tpu.memory_space<hbm>> -> memref<8x1024xi32, #tpu.memory_space<hbm>>
        tpu.enqueue_dma source(%dma_start3A_1176 : memref<8x1024xi32, #tpu.memory_space<hbm>>) target(%dma_start3A_1174 : memref<8x1024xi32, #tpu.memory_space<vmem>>) target_semaphore(%arg12 : memref<!tpu.dma_semaphore, #tpu.memory_space<semaphore_mem>>)
      } else {
      }
    } else {
    }
    %add3A_913 = arith.constant 2 : i32
    %add3A_914 = arith.addi %select_n3A_39, %add3A_913 : i32
    %gt3A_915 = arith.constant 2 : i32
    %gt3A_916 = arith.cmpi sgt, %select_n3A_21, %gt3A_915 : i32
    %convert_element_type3A_917 = arith.extui %gt3A_916 : i1 to i32
    %cond3A_918 = arith.constant 0 : i32
    %cond3A_919 = arith.cmpi ne, %convert_element_type3A_917, %cond3A_918 : i32
    scf.if %cond3A_919 {
      %jit3A_990 = arith.constant 4 : i32
      %div3A_991 = arith.divsi %add3A_914, %jit3A_990 : i32
      %sign3A_992 = arith.constant 0 : i32
      %sign3A_993 = arith.cmpi sgt, %add3A_914, %sign3A_992 : i32
      %sign3A_994 = arith.extui %sign3A_993 : i1 to i32
      %sign3A_995 = arith.constant 0 : i32
      %sign3A_996 = arith.cmpi slt, %add3A_914, %sign3A_995 : i32
      %sign3A_997 = arith.extui %sign3A_996 : i1 to i32
      %sign3A_998 = arith.subi %sign3A_994, %sign3A_997 : i32
      %sign3A_999 = arith.constant 0 : i32
      %sign3A_1000 = arith.cmpi sgt, %jit3A_990, %sign3A_999 : i32
      %sign3A_1001 = arith.extui %sign3A_1000 : i1 to i32
      %sign3A_1002 = arith.constant 0 : i32
      %sign3A_1003 = arith.cmpi slt, %jit3A_990, %sign3A_1002 : i32
      %sign3A_1004 = arith.extui %sign3A_1003 : i1 to i32
      %sign3A_1005 = arith.subi %sign3A_1001, %sign3A_1004 : i32
      %ne3A_1006 = arith.cmpi ne, %sign3A_998, %sign3A_1005 : i32
      %rem3A_1007 = arith.remsi %add3A_914, %jit3A_990 : i32
      %ne3A_1008 = arith.constant 0 : i32
      %ne3A_1009 = arith.cmpi ne, %rem3A_1007, %ne3A_1008 : i32
      %and3A_1010 = arith.andi %ne3A_1006, %ne3A_1009 : i1
      %sub3A_1011 = arith.constant 1 : i32
      %sub3A_1012 = arith.subi %div3A_991, %sub3A_1011 : i32
      %select_n3A_1013 = arith.select %and3A_1010, %sub3A_1012, %div3A_991 : i32
      %mul3A_1014 = arith.constant 8 : i32
      %mul3A_1015 = arith.muli %select_n3A_1013, %mul3A_1014 : i32
      %jit3A_1016 = arith.constant 4 : i32
      %eq3A_1017 = arith.constant 0 : i32
      %eq3A_1018 = arith.cmpi eq, %jit3A_1016, %eq3A_1017 : i32
      %jit3A_1019 = arith.constant 1 : i32
      %select_n3A_1020 = arith.select %eq3A_1018, %jit3A_1019, %jit3A_1016 : i32
      %rem3A_1021 = arith.remsi %add3A_914, %select_n3A_1020 : i32
      %ne3A_1022 = arith.constant 0 : i32
      %ne3A_1023 = arith.cmpi ne, %rem3A_1021, %ne3A_1022 : i32
      %lt3A_1024 = arith.constant 0 : i32
      %lt3A_1025 = arith.cmpi slt, %rem3A_1021, %lt3A_1024 : i32
      %lt3A_1026 = arith.constant 0 : i32
      %lt3A_1027 = arith.cmpi slt, %select_n3A_1020, %lt3A_1026 : i32
      %ne3A_1028 = arith.xori %lt3A_1025, %lt3A_1027 : i1
      %and3A_1029 = arith.andi %ne3A_1028, %ne3A_1023 : i1
      %add3A_1030 = arith.addi %rem3A_1021, %select_n3A_1020 : i32
      %select_n3A_1031 = arith.select %and3A_1029, %add3A_1030, %rem3A_1021 : i32
      %mul3A_1032 = arith.constant 1024 : i32
      %mul3A_1033 = arith.muli %select_n3A_1031, %mul3A_1032 : i32
      %dma_wait3A_1034 = arith.constant 0 : i32
      %dma_wait3A_1035 = arith.constant 0 : i32
      %dma_wait3A_1036 = arith.constant 0 : i32
      %dma_wait3A_1037 = arith.constant 0 : i32
      %dma_wait3A_1038 = tpu.memref_slice %arg7[%dma_wait3A_1035, %dma_wait3A_1036, %dma_wait3A_1037] : memref<2x8x1024xi32, #tpu.memory_space<vmem>> -> memref<1x8x1024xi32, #tpu.memory_space<vmem>>
      %dma_wait3A_1039 = tpu.memref_squeeze %dma_wait3A_1038 : memref<1x8x1024xi32, #tpu.memory_space<vmem>> -> memref<8x1024xi32, #tpu.memory_space<vmem>>
      %dma_wait3A_1040 = tpu.memref_slice %arg2[%dma_wait3A_1034, %mul3A_1015, %mul3A_1033] : memref<3x200x4096xi32, #tpu.memory_space<hbm>> -> memref<1x8x1024xi32, #tpu.memory_space<hbm>>
      %dma_wait3A_1041 = tpu.memref_squeeze %dma_wait3A_1040 : memref<1x8x1024xi32, #tpu.memory_space<hbm>> -> memref<8x1024xi32, #tpu.memory_space<hbm>>
      %dma_wait3A_1042 = arith.constant 0 : i32
      %dma_wait3A_1043 = arith.constant 0 : i32
      %dma_wait3A_1044 = tpu.memref_slice %arg7[%dma_wait3A_1035, %dma_wait3A_1042, %dma_wait3A_1043] : memref<2x8x1024xi32, #tpu.memory_space<vmem>> -> memref<1x8x1024xi32, #tpu.memory_space<vmem>>
      %dma_wait3A_1045 = tpu.memref_squeeze %dma_wait3A_1044 : memref<1x8x1024xi32, #tpu.memory_space<vmem>> -> memref<8x1024xi32, #tpu.memory_space<vmem>>
      %dma_wait3A_1046 = tpu.memref_slice %arg2[%dma_wait3A_1034, %mul3A_1015, %mul3A_1033] : memref<3x200x4096xi32, #tpu.memory_space<hbm>> -> memref<1x8x1024xi32, #tpu.memory_space<hbm>>
      %dma_wait3A_1047 = tpu.memref_squeeze %dma_wait3A_1046 : memref<1x8x1024xi32, #tpu.memory_space<hbm>> -> memref<8x1024xi32, #tpu.memory_space<hbm>>
      tpu.wait_dma2 semaphore(%arg11 : memref<!tpu.dma_semaphore, #tpu.memory_space<semaphore_mem>>) src(%dma_wait3A_1047 : memref<8x1024xi32, #tpu.memory_space<hbm>>) dst(%dma_wait3A_1045 : memref<8x1024xi32, #tpu.memory_space<vmem>>)
      %add3A_1048 = arith.constant 0 : i32
      %add3A_1049 = arith.addi %select_n3A_39, %add3A_1048 : i32
      %jit3A_1050 = arith.constant 4 : i32
      %div3A_1051 = arith.divsi %add3A_1049, %jit3A_1050 : i32
      %sign3A_1052 = arith.constant 0 : i32
      %sign3A_1053 = arith.cmpi sgt, %add3A_1049, %sign3A_1052 : i32
      %sign3A_1054 = arith.extui %sign3A_1053 : i1 to i32
      %sign3A_1055 = arith.constant 0 : i32
      %sign3A_1056 = arith.cmpi slt, %add3A_1049, %sign3A_1055 : i32
      %sign3A_1057 = arith.extui %sign3A_1056 : i1 to i32
      %sign3A_1058 = arith.subi %sign3A_1054, %sign3A_1057 : i32
      %sign3A_1059 = arith.constant 0 : i32
      %sign3A_1060 = arith.cmpi sgt, %jit3A_1050, %sign3A_1059 : i32
      %sign3A_1061 = arith.extui %sign3A_1060 : i1 to i32
      %sign3A_1062 = arith.constant 0 : i32
      %sign3A_1063 = arith.cmpi slt, %jit3A_1050, %sign3A_1062 : i32
      %sign3A_1064 = arith.extui %sign3A_1063 : i1 to i32
      %sign3A_1065 = arith.subi %sign3A_1061, %sign3A_1064 : i32
      %ne3A_1066 = arith.cmpi ne, %sign3A_1058, %sign3A_1065 : i32
      %rem3A_1067 = arith.remsi %add3A_1049, %jit3A_1050 : i32
      %ne3A_1068 = arith.constant 0 : i32
      %ne3A_1069 = arith.cmpi ne, %rem3A_1067, %ne3A_1068 : i32
      %and3A_1070 = arith.andi %ne3A_1066, %ne3A_1069 : i1
      %sub3A_1071 = arith.constant 1 : i32
      %sub3A_1072 = arith.subi %div3A_1051, %sub3A_1071 : i32
      %select_n3A_1073 = arith.select %and3A_1070, %sub3A_1072, %div3A_1051 : i32
      %mul3A_1074 = arith.constant 8 : i32
      %mul3A_1075 = arith.muli %select_n3A_1073, %mul3A_1074 : i32
      %jit3A_1076 = arith.constant 4 : i32
      %eq3A_1077 = arith.constant 0 : i32
      %eq3A_1078 = arith.cmpi eq, %jit3A_1076, %eq3A_1077 : i32
      %jit3A_1079 = arith.constant 1 : i32
      %select_n3A_1080 = arith.select %eq3A_1078, %jit3A_1079, %jit3A_1076 : i32
      %rem3A_1081 = arith.remsi %add3A_1049, %select_n3A_1080 : i32
      %ne3A_1082 = arith.constant 0 : i32
      %ne3A_1083 = arith.cmpi ne, %rem3A_1081, %ne3A_1082 : i32
      %lt3A_1084 = arith.constant 0 : i32
      %lt3A_1085 = arith.cmpi slt, %rem3A_1081, %lt3A_1084 : i32
      %lt3A_1086 = arith.constant 0 : i32
      %lt3A_1087 = arith.cmpi slt, %select_n3A_1080, %lt3A_1086 : i32
      %ne3A_1088 = arith.xori %lt3A_1085, %lt3A_1087 : i1
      %and3A_1089 = arith.andi %ne3A_1088, %ne3A_1083 : i1
      %add3A_1090 = arith.addi %rem3A_1081, %select_n3A_1080 : i32
      %select_n3A_1091 = arith.select %and3A_1089, %add3A_1090, %rem3A_1081 : i32
      %mul3A_1092 = arith.constant 1024 : i32
      %mul3A_1093 = arith.muli %select_n3A_1091, %mul3A_1092 : i32
      %dma_wait3A_1094 = arith.constant 0 : i32
      %dma_wait3A_1095 = arith.constant 0 : i32
      %dma_wait3A_1096 = arith.constant 0 : i32
      %dma_wait3A_1097 = arith.constant 0 : i32
      %dma_wait3A_1098 = tpu.memref_slice %arg9[%dma_wait3A_1094, %dma_wait3A_1096, %dma_wait3A_1097] : memref<2x8x1024xf32, #tpu.memory_space<vmem>> -> memref<1x8x1024xf32, #tpu.memory_space<vmem>>
      %dma_wait3A_1099 = tpu.memref_squeeze %dma_wait3A_1098 : memref<1x8x1024xf32, #tpu.memory_space<vmem>> -> memref<8x1024xf32, #tpu.memory_space<vmem>>
      %dma_wait3A_1100 = tpu.memref_slice %arg4[%dma_wait3A_1095, %mul3A_1075, %mul3A_1093] : memref<3x200x4096xf32, #tpu.memory_space<hbm>> -> memref<1x8x1024xf32, #tpu.memory_space<hbm>>
      %dma_wait3A_1101 = tpu.memref_squeeze %dma_wait3A_1100 : memref<1x8x1024xf32, #tpu.memory_space<hbm>> -> memref<8x1024xf32, #tpu.memory_space<hbm>>
      %dma_wait3A_1102 = tpu.memref_slice %arg4[%dma_wait3A_1095, %mul3A_1075, %mul3A_1093] : memref<3x200x4096xf32, #tpu.memory_space<hbm>> -> memref<1x8x1024xf32, #tpu.memory_space<hbm>>
      %dma_wait3A_1103 = tpu.memref_squeeze %dma_wait3A_1102 : memref<1x8x1024xf32, #tpu.memory_space<hbm>> -> memref<8x1024xf32, #tpu.memory_space<hbm>>
      %dma_wait3A_1104 = arith.constant 0 : i32
      %dma_wait3A_1105 = arith.constant 0 : i32
      %dma_wait3A_1106 = tpu.memref_slice %arg9[%dma_wait3A_1094, %dma_wait3A_1104, %dma_wait3A_1105] : memref<2x8x1024xf32, #tpu.memory_space<vmem>> -> memref<1x8x1024xf32, #tpu.memory_space<vmem>>
      %dma_wait3A_1107 = tpu.memref_squeeze %dma_wait3A_1106 : memref<1x8x1024xf32, #tpu.memory_space<vmem>> -> memref<8x1024xf32, #tpu.memory_space<vmem>>
      tpu.wait_dma2 semaphore(%arg13 : memref<!tpu.dma_semaphore, #tpu.memory_space<semaphore_mem>>) src(%dma_wait3A_1107 : memref<8x1024xf32, #tpu.memory_space<vmem>>) dst(%dma_wait3A_1103 : memref<8x1024xf32, #tpu.memory_space<hbm>>)
      %scan3A_1108 = arith.constant 0 : i32
      %scan3A_1109 = arith.constant 0 : i32
      %scan3A_1110 = arith.constant 8 : i32
      %scan3A_1111 = arith.addi %scan3A_1109, %scan3A_1110 : i32
      %scan3A_1112 = arith.constant 1 : i32
      scf.for %scan3A_1172 = %scan3A_1109 to %scan3A_1111 step %scan3A_1112  : i32 {
        %parallel_loop3A = arith.constant 0 : i32
        %parallel_loop3A_1173 = arith.constant 64 : i32
        %parallel_loop3A_1174 = arith.constant 1 : i32
        scf.for %parallel_loop3A_1175 = %parallel_loop3A to %parallel_loop3A_1173 step %parallel_loop3A_1174  : i32 {
          %parallel_loop3A_1176 = arith.constant 16 : i32
          %parallel_loop3A_1177 = arith.muli %parallel_loop3A_1175, %parallel_loop3A_1176 : i32
          %parallel_loop3A_1178 = arith.constant 0 : i32
          %parallel_loop3A_1179 = arith.index_cast %parallel_loop3A_1178 : i32 to index
          %parallel_loop3A_1180 = arith.index_cast %scan3A_1172 : i32 to index
          %parallel_loop3A_1181 = arith.index_cast %parallel_loop3A_1177 : i32 to index
          %parallel_loop3A_1182 = tpu.vector_load %arg7[%parallel_loop3A_1179, %parallel_loop3A_1180, %parallel_loop3A_1181] {strides = array<i32>} : memref<2x8x1024xi32, #tpu.memory_space<vmem>>, vector<16xi32>,
          %parallel_loop3A_1183 = arith.sitofp %parallel_loop3A_1182 : vector<16xi32> to vector<16xf32>
          %parallel_loop3A_1184 = arith.constant 0 : i32
          %parallel_loop3A_1185 = arith.index_cast %parallel_loop3A_1184 : i32 to index
          %parallel_loop3A_1186 = arith.index_cast %scan3A_1172 : i32 to index
          %parallel_loop3A_1187 = arith.index_cast %parallel_loop3A_1177 : i32 to index
          %parallel_loop3A_1188 = tpu.vector_load %arg9[%parallel_loop3A_1185, %parallel_loop3A_1186, %parallel_loop3A_1187] {strides = array<i32>} : memref<2x8x1024xf32, #tpu.memory_space<vmem>>, vector<16xf32>,
          tpu.vector_store %arg9[%parallel_loop3A_1185, %parallel_loop3A_1186, %parallel_loop3A_1187], %parallel_loop3A_1183 {strides = array<i32>} : memref<2x8x1024xf32, #tpu.memory_space<vmem>>, vector<16xf32>,
        } {sc.loop_unroll_factor = 8 : i64, sc.parallel_access}
      }
      %scan3A_1113 = arith.constant 8 : i32
      %jit3A_1114 = arith.constant 4 : i32
      %div3A_1115 = arith.divsi %add3A_914, %jit3A_1114 : i32
      %sign3A_1116 = arith.constant 0 : i32
      %sign3A_1117 = arith.cmpi sgt, %add3A_914, %sign3A_1116 : i32
      %sign3A_1118 = arith.extui %sign3A_1117 : i1 to i32
      %sign3A_1119 = arith.constant 0 : i32
      %sign3A_1120 = arith.cmpi slt, %add3A_914, %sign3A_1119 : i32
      %sign3A_1121 = arith.extui %sign3A_1120 : i1 to i32
      %sign3A_1122 = arith.subi %sign3A_1118, %sign3A_1121 : i32
      %sign3A_1123 = arith.constant 0 : i32
      %sign3A_1124 = arith.cmpi sgt, %jit3A_1114, %sign3A_1123 : i32
      %sign3A_1125 = arith.extui %sign3A_1124 : i1 to i32
      %sign3A_1126 = arith.constant 0 : i32
      %sign3A_1127 = arith.cmpi slt, %jit3A_1114, %sign3A_1126 : i32
      %sign3A_1128 = arith.extui %sign3A_1127 : i1 to i32
      %sign3A_1129 = arith.subi %sign3A_1125, %sign3A_1128 : i32
      %ne3A_1130 = arith.cmpi ne, %sign3A_1122, %sign3A_1129 : i32
      %rem3A_1131 = arith.remsi %add3A_914, %jit3A_1114 : i32
      %ne3A_1132 = arith.constant 0 : i32
      %ne3A_1133 = arith.cmpi ne, %rem3A_1131, %ne3A_1132 : i32
      %and3A_1134 = arith.andi %ne3A_1130, %ne3A_1133 : i1
      %sub3A_1135 = arith.constant 1 : i32
      %sub3A_1136 = arith.subi %div3A_1115, %sub3A_1135 : i32
      %select_n3A_1137 = arith.select %and3A_1134, %sub3A_1136, %div3A_1115 : i32
      %mul3A_1138 = arith.constant 8 : i32
      %mul3A_1139 = arith.muli %select_n3A_1137, %mul3A_1138 : i32
      %jit3A_1140 = arith.constant 4 : i32
      %eq3A_1141 = arith.constant 0 : i32
      %eq3A_1142 = arith.cmpi eq, %jit3A_1140, %eq3A_1141 : i32
      %jit3A_1143 = arith.constant 1 : i32
      %select_n3A_1144 = arith.select %eq3A_1142, %jit3A_1143, %jit3A_1140 : i32
      %rem3A_1145 = arith.remsi %add3A_914, %select_n3A_1144 : i32
      %ne3A_1146 = arith.constant 0 : i32
      %ne3A_1147 = arith.cmpi ne, %rem3A_1145, %ne3A_1146 : i32
      %lt3A_1148 = arith.constant 0 : i32
      %lt3A_1149 = arith.cmpi slt, %rem3A_1145, %lt3A_1148 : i32
      %lt3A_1150 = arith.constant 0 : i32
      %lt3A_1151 = arith.cmpi slt, %select_n3A_1144, %lt3A_1150 : i32
      %ne3A_1152 = arith.xori %lt3A_1149, %lt3A_1151 : i1
      %and3A_1153 = arith.andi %ne3A_1152, %ne3A_1147 : i1
      %add3A_1154 = arith.addi %rem3A_1145, %select_n3A_1144 : i32
      %select_n3A_1155 = arith.select %and3A_1153, %add3A_1154, %rem3A_1145 : i32
      %mul3A_1156 = arith.constant 1024 : i32
      %mul3A_1157 = arith.muli %select_n3A_1155, %mul3A_1156 : i32
      %dma_start3A_1158 = arith.constant 0 : i32
      %dma_start3A_1159 = arith.constant 0 : i32
      %dma_start3A_1160 = arith.constant 0 : i32
      %dma_start3A_1161 = arith.constant 0 : i32
      %dma_start3A_1162 = tpu.memref_slice %arg9[%dma_start3A_1158, %dma_start3A_1160, %dma_start3A_1161] : memref<2x8x1024xf32, #tpu.memory_space<vmem>> -> memref<1x8x1024xf32, #tpu.memory_space<vmem>>
      %dma_start3A_1163 = tpu.memref_squeeze %dma_start3A_1162 : memref<1x8x1024xf32, #tpu.memory_space<vmem>> -> memref<8x1024xf32, #tpu.memory_space<vmem>>
      %dma_start3A_1164 = tpu.memref_slice %arg4[%dma_start3A_1159, %mul3A_1139, %mul3A_1157] : memref<3x200x4096xf32, #tpu.memory_space<hbm>> -> memref<1x8x1024xf32, #tpu.memory_space<hbm>>
      %dma_start3A_1165 = tpu.memref_squeeze %dma_start3A_1164 : memref<1x8x1024xf32, #tpu.memory_space<hbm>> -> memref<8x1024xf32, #tpu.memory_space<hbm>>
      %dma_start3A_1166 = tpu.memref_slice %arg4[%dma_start3A_1159, %mul3A_1139, %mul3A_1157] : memref<3x200x4096xf32, #tpu.memory_space<hbm>> -> memref<1x8x1024xf32, #tpu.memory_space<hbm>>
      %dma_start3A_1167 = tpu.memref_squeeze %dma_start3A_1166 : memref<1x8x1024xf32, #tpu.memory_space<hbm>> -> memref<8x1024xf32, #tpu.memory_space<hbm>>
      %dma_start3A_1168 = arith.constant 0 : i32
      %dma_start3A_1169 = arith.constant 0 : i32
      %dma_start3A_1170 = tpu.memref_slice %arg9[%dma_start3A_1158, %dma_start3A_1168, %dma_start3A_1169] : memref<2x8x1024xf32, #tpu.memory_space<vmem>> -> memref<1x8x1024xf32, #tpu.memory_space<vmem>>
      %dma_start3A_1171 = tpu.memref_squeeze %dma_start3A_1170 : memref<1x8x1024xf32, #tpu.memory_space<vmem>> -> memref<8x1024xf32, #tpu.memory_space<vmem>>
      tpu.enqueue_dma source(%dma_start3A_1171 : memref<8x1024xf32, #tpu.memory_space<vmem>>) target(%dma_start3A_1167 : memref<8x1024xf32, #tpu.memory_space<hbm>>) target_semaphore(%arg13 : memref<!tpu.dma_semaphore, #tpu.memory_space<semaphore_mem>>)
    } else {
    }
    %add3A_920 = arith.constant 3 : i32
    %add3A_921 = arith.addi %select_n3A_39, %add3A_920 : i32
    %gt3A_922 = arith.constant 3 : i32
    %gt3A_923 = arith.cmpi sgt, %select_n3A_21, %gt3A_922 : i32
    %convert_element_type3A_924 = arith.extui %gt3A_923 : i1 to i32
    %cond3A_925 = arith.constant 0 : i32
    %cond3A_926 = arith.cmpi ne, %convert_element_type3A_924, %cond3A_925 : i32
    scf.if %cond3A_926 {
      %jit3A_990 = arith.constant 4 : i32
      %div3A_991 = arith.divsi %add3A_921, %jit3A_990 : i32
      %sign3A_992 = arith.constant 0 : i32
      %sign3A_993 = arith.cmpi sgt, %add3A_921, %sign3A_992 : i32
      %sign3A_994 = arith.extui %sign3A_993 : i1 to i32
      %sign3A_995 = arith.constant 0 : i32
      %sign3A_996 = arith.cmpi slt, %add3A_921, %sign3A_995 : i32
      %sign3A_997 = arith.extui %sign3A_996 : i1 to i32
      %sign3A_998 = arith.subi %sign3A_994, %sign3A_997 : i32
      %sign3A_999 = arith.constant 0 : i32
      %sign3A_1000 = arith.cmpi sgt, %jit3A_990, %sign3A_999 : i32
      %sign3A_1001 = arith.extui %sign3A_1000 : i1 to i32
      %sign3A_1002 = arith.constant 0 : i32
      %sign3A_1003 = arith.cmpi slt, %jit3A_990, %sign3A_1002 : i32
      %sign3A_1004 = arith.extui %sign3A_1003 : i1 to i32
      %sign3A_1005 = arith.subi %sign3A_1001, %sign3A_1004 : i32
      %ne3A_1006 = arith.cmpi ne, %sign3A_998, %sign3A_1005 : i32
      %rem3A_1007 = arith.remsi %add3A_921, %jit3A_990 : i32
      %ne3A_1008 = arith.constant 0 : i32
      %ne3A_1009 = arith.cmpi ne, %rem3A_1007, %ne3A_1008 : i32
      %and3A_1010 = arith.andi %ne3A_1006, %ne3A_1009 : i1
      %sub3A_1011 = arith.constant 1 : i32
      %sub3A_1012 = arith.subi %div3A_991, %sub3A_1011 : i32
      %select_n3A_1013 = arith.select %and3A_1010, %sub3A_1012, %div3A_991 : i32
      %mul3A_1014 = arith.constant 8 : i32
      %mul3A_1015 = arith.muli %select_n3A_1013, %mul3A_1014 : i32
      %jit3A_1016 = arith.constant 4 : i32
      %eq3A_1017 = arith.constant 0 : i32
      %eq3A_1018 = arith.cmpi eq, %jit3A_1016, %eq3A_1017 : i32
      %jit3A_1019 = arith.constant 1 : i32
      %select_n3A_1020 = arith.select %eq3A_1018, %jit3A_1019, %jit3A_1016 : i32
      %rem3A_1021 = arith.remsi %add3A_921, %select_n3A_1020 : i32
      %ne3A_1022 = arith.constant 0 : i32
      %ne3A_1023 = arith.cmpi ne, %rem3A_1021, %ne3A_1022 : i32
      %lt3A_1024 = arith.constant 0 : i32
      %lt3A_1025 = arith.cmpi slt, %rem3A_1021, %lt3A_1024 : i32
      %lt3A_1026 = arith.constant 0 : i32
      %lt3A_1027 = arith.cmpi slt, %select_n3A_1020, %lt3A_1026 : i32
      %ne3A_1028 = arith.xori %lt3A_1025, %lt3A_1027 : i1
      %and3A_1029 = arith.andi %ne3A_1028, %ne3A_1023 : i1
      %add3A_1030 = arith.addi %rem3A_1021, %select_n3A_1020 : i32
      %select_n3A_1031 = arith.select %and3A_1029, %add3A_1030, %rem3A_1021 : i32
      %mul3A_1032 = arith.constant 1024 : i32
      %mul3A_1033 = arith.muli %select_n3A_1031, %mul3A_1032 : i32
      %dma_wait3A_1034 = arith.constant 0 : i32
      %dma_wait3A_1035 = arith.constant 0 : i32
      %dma_wait3A_1036 = arith.constant 0 : i32
      %dma_wait3A_1037 = arith.constant 0 : i32
      %dma_wait3A_1038 = tpu.memref_slice %arg8[%dma_wait3A_1035, %dma_wait3A_1036, %dma_wait3A_1037] : memref<2x8x1024xi32, #tpu.memory_space<vmem>> -> memref<1x8x1024xi32, #tpu.memory_space<vmem>>
      %dma_wait3A_1039 = tpu.memref_squeeze %dma_wait3A_1038 : memref<1x8x1024xi32, #tpu.memory_space<vmem>> -> memref<8x1024xi32, #tpu.memory_space<vmem>>
      %dma_wait3A_1040 = tpu.memref_slice %arg2[%dma_wait3A_1034, %mul3A_1015, %mul3A_1033] : memref<3x200x4096xi32, #tpu.memory_space<hbm>> -> memref<1x8x1024xi32, #tpu.memory_space<hbm>>
      %dma_wait3A_1041 = tpu.memref_squeeze %dma_wait3A_1040 : memref<1x8x1024xi32, #tpu.memory_space<hbm>> -> memref<8x1024xi32, #tpu.memory_space<hbm>>
      %dma_wait3A_1042 = arith.constant 0 : i32
      %dma_wait3A_1043 = arith.constant 0 : i32
      %dma_wait3A_1044 = tpu.memref_slice %arg8[%dma_wait3A_1035, %dma_wait3A_1042, %dma_wait3A_1043] : memref<2x8x1024xi32, #tpu.memory_space<vmem>> -> memref<1x8x1024xi32, #tpu.memory_space<vmem>>
      %dma_wait3A_1045 = tpu.memref_squeeze %dma_wait3A_1044 : memref<1x8x1024xi32, #tpu.memory_space<vmem>> -> memref<8x1024xi32, #tpu.memory_space<vmem>>
      %dma_wait3A_1046 = tpu.memref_slice %arg2[%dma_wait3A_1034, %mul3A_1015, %mul3A_1033] : memref<3x200x4096xi32, #tpu.memory_space<hbm>> -> memref<1x8x1024xi32, #tpu.memory_space<hbm>>
      %dma_wait3A_1047 = tpu.memref_squeeze %dma_wait3A_1046 : memref<1x8x1024xi32, #tpu.memory_space<hbm>> -> memref<8x1024xi32, #tpu.memory_space<hbm>>
      tpu.wait_dma2 semaphore(%arg12 : memref<!tpu.dma_semaphore, #tpu.memory_space<semaphore_mem>>) src(%dma_wait3A_1047 : memref<8x1024xi32, #tpu.memory_space<hbm>>) dst(%dma_wait3A_1045 : memref<8x1024xi32, #tpu.memory_space<vmem>>)
      %add3A_1048 = arith.constant 1 : i32
      %add3A_1049 = arith.addi %select_n3A_39, %add3A_1048 : i32
      %jit3A_1050 = arith.constant 4 : i32
      %div3A_1051 = arith.divsi %add3A_1049, %jit3A_1050 : i32
      %sign3A_1052 = arith.constant 0 : i32
      %sign3A_1053 = arith.cmpi sgt, %add3A_1049, %sign3A_1052 : i32
      %sign3A_1054 = arith.extui %sign3A_1053 : i1 to i32
      %sign3A_1055 = arith.constant 0 : i32
      %sign3A_1056 = arith.cmpi slt, %add3A_1049, %sign3A_1055 : i32
      %sign3A_1057 = arith.extui %sign3A_1056 : i1 to i32
      %sign3A_1058 = arith.subi %sign3A_1054, %sign3A_1057 : i32
      %sign3A_1059 = arith.constant 0 : i32
      %sign3A_1060 = arith.cmpi sgt, %jit3A_1050, %sign3A_1059 : i32
      %sign3A_1061 = arith.extui %sign3A_1060 : i1 to i32
      %sign3A_1062 = arith.constant 0 : i32
      %sign3A_1063 = arith.cmpi slt, %jit3A_1050, %sign3A_1062 : i32
      %sign3A_1064 = arith.extui %sign3A_1063 : i1 to i32
      %sign3A_1065 = arith.subi %sign3A_1061, %sign3A_1064 : i32
      %ne3A_1066 = arith.cmpi ne, %sign3A_1058, %sign3A_1065 : i32
      %rem3A_1067 = arith.remsi %add3A_1049, %jit3A_1050 : i32
      %ne3A_1068 = arith.constant 0 : i32
      %ne3A_1069 = arith.cmpi ne, %rem3A_1067, %ne3A_1068 : i32
      %and3A_1070 = arith.andi %ne3A_1066, %ne3A_1069 : i1
      %sub3A_1071 = arith.constant 1 : i32
      %sub3A_1072 = arith.subi %div3A_1051, %sub3A_1071 : i32
      %select_n3A_1073 = arith.select %and3A_1070, %sub3A_1072, %div3A_1051 : i32
      %mul3A_1074 = arith.constant 8 : i32
      %mul3A_1075 = arith.muli %select_n3A_1073, %mul3A_1074 : i32
      %jit3A_1076 = arith.constant 4 : i32
      %eq3A_1077 = arith.constant 0 : i32
      %eq3A_1078 = arith.cmpi eq, %jit3A_1076, %eq3A_1077 : i32
      %jit3A_1079 = arith.constant 1 : i32
      %select_n3A_1080 = arith.select %eq3A_1078, %jit3A_1079, %jit3A_1076 : i32
      %rem3A_1081 = arith.remsi %add3A_1049, %select_n3A_1080 : i32
      %ne3A_1082 = arith.constant 0 : i32
      %ne3A_1083 = arith.cmpi ne, %rem3A_1081, %ne3A_1082 : i32
      %lt3A_1084 = arith.constant 0 : i32
      %lt3A_1085 = arith.cmpi slt, %rem3A_1081, %lt3A_1084 : i32
      %lt3A_1086 = arith.constant 0 : i32
      %lt3A_1087 = arith.cmpi slt, %select_n3A_1080, %lt3A_1086 : i32
      %ne3A_1088 = arith.xori %lt3A_1085, %lt3A_1087 : i1
      %and3A_1089 = arith.andi %ne3A_1088, %ne3A_1083 : i1
      %add3A_1090 = arith.addi %rem3A_1081, %select_n3A_1080 : i32
      %select_n3A_1091 = arith.select %and3A_1089, %add3A_1090, %rem3A_1081 : i32
      %mul3A_1092 = arith.constant 1024 : i32
      %mul3A_1093 = arith.muli %select_n3A_1091, %mul3A_1092 : i32
      %dma_wait3A_1094 = arith.constant 0 : i32
      %dma_wait3A_1095 = arith.constant 0 : i32
      %dma_wait3A_1096 = arith.constant 0 : i32
      %dma_wait3A_1097 = arith.constant 0 : i32
      %dma_wait3A_1098 = tpu.memref_slice %arg10[%dma_wait3A_1094, %dma_wait3A_1096, %dma_wait3A_1097] : memref<2x8x1024xf32, #tpu.memory_space<vmem>> -> memref<1x8x1024xf32, #tpu.memory_space<vmem>>
      %dma_wait3A_1099 = tpu.memref_squeeze %dma_wait3A_1098 : memref<1x8x1024xf32, #tpu.memory_space<vmem>> -> memref<8x1024xf32, #tpu.memory_space<vmem>>
      %dma_wait3A_1100 = tpu.memref_slice %arg4[%dma_wait3A_1095, %mul3A_1075, %mul3A_1093] : memref<3x200x4096xf32, #tpu.memory_space<hbm>> -> memref<1x8x1024xf32, #tpu.memory_space<hbm>>
      %dma_wait3A_1101 = tpu.memref_squeeze %dma_wait3A_1100 : memref<1x8x1024xf32, #tpu.memory_space<hbm>> -> memref<8x1024xf32, #tpu.memory_space<hbm>>
      %dma_wait3A_1102 = tpu.memref_slice %arg4[%dma_wait3A_1095, %mul3A_1075, %mul3A_1093] : memref<3x200x4096xf32, #tpu.memory_space<hbm>> -> memref<1x8x1024xf32, #tpu.memory_space<hbm>>
      %dma_wait3A_1103 = tpu.memref_squeeze %dma_wait3A_1102 : memref<1x8x1024xf32, #tpu.memory_space<hbm>> -> memref<8x1024xf32, #tpu.memory_space<hbm>>
      %dma_wait3A_1104 = arith.constant 0 : i32
      %dma_wait3A_1105 = arith.constant 0 : i32
      %dma_wait3A_1106 = tpu.memref_slice %arg10[%dma_wait3A_1094, %dma_wait3A_1104, %dma_wait3A_1105] : memref<2x8x1024xf32, #tpu.memory_space<vmem>> -> memref<1x8x1024xf32, #tpu.memory_space<vmem>>
      %dma_wait3A_1107 = tpu.memref_squeeze %dma_wait3A_1106 : memref<1x8x1024xf32, #tpu.memory_space<vmem>> -> memref<8x1024xf32, #tpu.memory_space<vmem>>
      tpu.wait_dma2 semaphore(%arg14 : memref<!tpu.dma_semaphore, #tpu.memory_space<semaphore_mem>>) src(%dma_wait3A_1107 : memref<8x1024xf32, #tpu.memory_space<vmem>>) dst(%dma_wait3A_1103 : memref<8x1024xf32, #tpu.memory_space<hbm>>)
      %scan3A_1108 = arith.constant 0 : i32
      %scan3A_1109 = arith.constant 0 : i32
      %scan3A_1110 = arith.constant 8 : i32
      %scan3A_1111 = arith.addi %scan3A_1109, %scan3A_1110 : i32
      %scan3A_1112 = arith.constant 1 : i32
      scf.for %scan3A_1172 = %scan3A_1109 to %scan3A_1111 step %scan3A_1112  : i32 {
        %parallel_loop3A = arith.constant 0 : i32
        %parallel_loop3A_1173 = arith.constant 64 : i32
        %parallel_loop3A_1174 = arith.constant 1 : i32
        scf.for %parallel_loop3A_1175 = %parallel_loop3A to %parallel_loop3A_1173 step %parallel_loop3A_1174  : i32 {
          %parallel_loop3A_1176 = arith.constant 16 : i32
          %parallel_loop3A_1177 = arith.muli %parallel_loop3A_1175, %parallel_loop3A_1176 : i32
          %parallel_loop3A_1178 = arith.constant 0 : i32
          %parallel_loop3A_1179 = arith.index_cast %parallel_loop3A_1178 : i32 to index
          %parallel_loop3A_1180 = arith.index_cast %scan3A_1172 : i32 to index
          %parallel_loop3A_1181 = arith.index_cast %parallel_loop3A_1177 : i32 to index
          %parallel_loop3A_1182 = tpu.vector_load %arg8[%parallel_loop3A_1179, %parallel_loop3A_1180, %parallel_loop3A_1181] {strides = array<i32>} : memref<2x8x1024xi32, #tpu.memory_space<vmem>>, vector<16xi32>,
          %parallel_loop3A_1183 = arith.sitofp %parallel_loop3A_1182 : vector<16xi32> to vector<16xf32>
          %parallel_loop3A_1184 = arith.constant 0 : i32
          %parallel_loop3A_1185 = arith.index_cast %parallel_loop3A_1184 : i32 to index
          %parallel_loop3A_1186 = arith.index_cast %scan3A_1172 : i32 to index
          %parallel_loop3A_1187 = arith.index_cast %parallel_loop3A_1177 : i32 to index
          %parallel_loop3A_1188 = tpu.vector_load %arg10[%parallel_loop3A_1185, %parallel_loop3A_1186, %parallel_loop3A_1187] {strides = array<i32>} : memref<2x8x1024xf32, #tpu.memory_space<vmem>>, vector<16xf32>,
          tpu.vector_store %arg10[%parallel_loop3A_1185, %parallel_loop3A_1186, %parallel_loop3A_1187], %parallel_loop3A_1183 {strides = array<i32>} : memref<2x8x1024xf32, #tpu.memory_space<vmem>>, vector<16xf32>,
        } {sc.loop_unroll_factor = 8 : i64, sc.parallel_access}
      }
      %scan3A_1113 = arith.constant 8 : i32
      %jit3A_1114 = arith.constant 4 : i32
      %div3A_1115 = arith.divsi %add3A_921, %jit3A_1114 : i32
      %sign3A_1116 = arith.constant 0 : i32
      %sign3A_1117 = arith.cmpi sgt, %add3A_921, %sign3A_1116 : i32
      %sign3A_1118 = arith.extui %sign3A_1117 : i1 to i32
      %sign3A_1119 = arith.constant 0 : i32
      %sign3A_1120 = arith.cmpi slt, %add3A_921, %sign3A_1119 : i32
      %sign3A_1121 = arith.extui %sign3A_1120 : i1 to i32
      %sign3A_1122 = arith.subi %sign3A_1118, %sign3A_1121 : i32
      %sign3A_1123 = arith.constant 0 : i32
      %sign3A_1124 = arith.cmpi sgt, %jit3A_1114, %sign3A_1123 : i32
      %sign3A_1125 = arith.extui %sign3A_1124 : i1 to i32
      %sign3A_1126 = arith.constant 0 : i32
      %sign3A_1127 = arith.cmpi slt, %jit3A_1114, %sign3A_1126 : i32
      %sign3A_1128 = arith.extui %sign3A_1127 : i1 to i32
      %sign3A_1129 = arith.subi %sign3A_1125, %sign3A_1128 : i32
      %ne3A_1130 = arith.cmpi ne, %sign3A_1122, %sign3A_1129 : i32
      %rem3A_1131 = arith.remsi %add3A_921, %jit3A_1114 : i32
      %ne3A_1132 = arith.constant 0 : i32
      %ne3A_1133 = arith.cmpi ne, %rem3A_1131, %ne3A_1132 : i32
      %and3A_1134 = arith.andi %ne3A_1130, %ne3A_1133 : i1
      %sub3A_1135 = arith.constant 1 : i32
      %sub3A_1136 = arith.subi %div3A_1115, %sub3A_1135 : i32
      %select_n3A_1137 = arith.select %and3A_1134, %sub3A_1136, %div3A_1115 : i32
      %mul3A_1138 = arith.constant 8 : i32
      %mul3A_1139 = arith.muli %select_n3A_1137, %mul3A_1138 : i32
      %jit3A_1140 = arith.constant 4 : i32
      %eq3A_1141 = arith.constant 0 : i32
      %eq3A_1142 = arith.cmpi eq, %jit3A_1140, %eq3A_1141 : i32
      %jit3A_1143 = arith.constant 1 : i32
      %select_n3A_1144 = arith.select %eq3A_1142, %jit3A_1143, %jit3A_1140 : i32
      %rem3A_1145 = arith.remsi %add3A_921, %select_n3A_1144 : i32
      %ne3A_1146 = arith.constant 0 : i32
      %ne3A_1147 = arith.cmpi ne, %rem3A_1145, %ne3A_1146 : i32
      %lt3A_1148 = arith.constant 0 : i32
      %lt3A_1149 = arith.cmpi slt, %rem3A_1145, %lt3A_1148 : i32
      %lt3A_1150 = arith.constant 0 : i32
      %lt3A_1151 = arith.cmpi slt, %select_n3A_1144, %lt3A_1150 : i32
      %ne3A_1152 = arith.xori %lt3A_1149, %lt3A_1151 : i1
      %and3A_1153 = arith.andi %ne3A_1152, %ne3A_1147 : i1
      %add3A_1154 = arith.addi %rem3A_1145, %select_n3A_1144 : i32
      %select_n3A_1155 = arith.select %and3A_1153, %add3A_1154, %rem3A_1145 : i32
      %mul3A_1156 = arith.constant 1024 : i32
      %mul3A_1157 = arith.muli %select_n3A_1155, %mul3A_1156 : i32
      %dma_start3A_1158 = arith.constant 0 : i32
      %dma_start3A_1159 = arith.constant 0 : i32
      %dma_start3A_1160 = arith.constant 0 : i32
      %dma_start3A_1161 = arith.constant 0 : i32
      %dma_start3A_1162 = tpu.memref_slice %arg10[%dma_start3A_1158, %dma_start3A_1160, %dma_start3A_1161] : memref<2x8x1024xf32, #tpu.memory_space<vmem>> -> memref<1x8x1024xf32, #tpu.memory_space<vmem>>
      %dma_start3A_1163 = tpu.memref_squeeze %dma_start3A_1162 : memref<1x8x1024xf32, #tpu.memory_space<vmem>> -> memref<8x1024xf32, #tpu.memory_space<vmem>>
      %dma_start3A_1164 = tpu.memref_slice %arg4[%dma_start3A_1159, %mul3A_1139, %mul3A_1157] : memref<3x200x4096xf32, #tpu.memory_space<hbm>> -> memref<1x8x1024xf32, #tpu.memory_space<hbm>>
      %dma_start3A_1165 = tpu.memref_squeeze %dma_start3A_1164 : memref<1x8x1024xf32, #tpu.memory_space<hbm>> -> memref<8x1024xf32, #tpu.memory_space<hbm>>
      %dma_start3A_1166 = tpu.memref_slice %arg4[%dma_start3A_1159, %mul3A_1139, %mul3A_1157] : memref<3x200x4096xf32, #tpu.memory_space<hbm>> -> memref<1x8x1024xf32, #tpu.memory_space<hbm>>
      %dma_start3A_1167 = tpu.memref_squeeze %dma_start3A_1166 : memref<1x8x1024xf32, #tpu.memory_space<hbm>> -> memref<8x1024xf32, #tpu.memory_space<hbm>>
      %dma_start3A_1168 = arith.constant 0 : i32
      %dma_start3A_1169 = arith.constant 0 : i32
      %dma_start3A_1170 = tpu.memref_slice %arg10[%dma_start3A_1158, %dma_start3A_1168, %dma_start3A_1169] : memref<2x8x1024xf32, #tpu.memory_space<vmem>> -> memref<1x8x1024xf32, #tpu.memory_space<vmem>>
      %dma_start3A_1171 = tpu.memref_squeeze %dma_start3A_1170 : memref<1x8x1024xf32, #tpu.memory_space<vmem>> -> memref<8x1024xf32, #tpu.memory_space<vmem>>
      tpu.enqueue_dma source(%dma_start3A_1171 : memref<8x1024xf32, #tpu.memory_space<vmem>>) target(%dma_start3A_1167 : memref<8x1024xf32, #tpu.memory_space<hbm>>) target_semaphore(%arg14 : memref<!tpu.dma_semaphore, #tpu.memory_space<semaphore_mem>>)
    } else {
    }
    %jit3A_927 = arith.constant 4 : i32
    %div3A_928 = arith.divsi %select_n3A_39, %jit3A_927 : i32
    %sign3A_929 = arith.constant 0 : i32
    %sign3A_930 = arith.cmpi sgt, %select_n3A_39, %sign3A_929 : i32
    %sign3A_931 = arith.extui %sign3A_930 : i1 to i32
    %sign3A_932 = arith.constant 0 : i32
    %sign3A_933 = arith.cmpi slt, %select_n3A_39, %sign3A_932 : i32
    %sign3A_934 = arith.extui %sign3A_933 : i1 to i32
    %sign3A_935 = arith.subi %sign3A_931, %sign3A_934 : i32
    %sign3A_936 = arith.constant 0 : i32
    %sign3A_937 = arith.cmpi sgt, %jit3A_927, %sign3A_936 : i32
    %sign3A_938 = arith.extui %sign3A_937 : i1 to i32
    %sign3A_939 = arith.constant 0 : i32
    %sign3A_940 = arith.cmpi slt, %jit3A_927, %sign3A_939 : i32
    %sign3A_941 = arith.extui %sign3A_940 : i1 to i32
    %sign3A_942 = arith.subi %sign3A_938, %sign3A_941 : i32
    %ne3A_943 = arith.cmpi ne, %sign3A_935, %sign3A_942 : i32
    %rem3A_944 = arith.remsi %select_n3A_39, %jit3A_927 : i32
    %ne3A_945 = arith.constant 0 : i32
    %ne3A_946 = arith.cmpi ne, %rem3A_944, %ne3A_945 : i32
    %and3A_947 = arith.andi %ne3A_943, %ne3A_946 : i1
    %sub3A_948 = arith.constant 1 : i32
    %sub3A_949 = arith.subi %div3A_928, %sub3A_948 : i32
    %select_n3A_950 = arith.select %and3A_947, %sub3A_949, %div3A_928 : i32
    %mul3A_951 = arith.constant 8 : i32
    %mul3A_952 = arith.muli %select_n3A_950, %mul3A_951 : i32
    %jit3A_953 = arith.constant 4 : i32
    %eq3A_954 = arith.constant 0 : i32
    %eq3A_955 = arith.cmpi eq, %jit3A_953, %eq3A_954 : i32
    %jit3A_956 = arith.constant 1 : i32
    %select_n3A_957 = arith.select %eq3A_955, %jit3A_956, %jit3A_953 : i32
    %rem3A_958 = arith.remsi %select_n3A_39, %select_n3A_957 : i32
    %ne3A_959 = arith.constant 0 : i32
    %ne3A_960 = arith.cmpi ne, %rem3A_958, %ne3A_959 : i32
    %lt3A_961 = arith.constant 0 : i32
    %lt3A_962 = arith.cmpi slt, %rem3A_958, %lt3A_961 : i32
    %lt3A_963 = arith.constant 0 : i32
    %lt3A_964 = arith.cmpi slt, %select_n3A_957, %lt3A_963 : i32
    %ne3A_965 = arith.xori %lt3A_962, %lt3A_964 : i1
    %and3A_966 = arith.andi %ne3A_965, %ne3A_960 : i1
    %add3A_967 = arith.addi %rem3A_958, %select_n3A_957 : i32
    %select_n3A_968 = arith.select %and3A_966, %add3A_967, %rem3A_958 : i32
    %mul3A_969 = arith.constant 1024 : i32
    %mul3A_970 = arith.muli %select_n3A_968, %mul3A_969 : i32
    %dma_wait3A_971 = arith.constant 0 : i32
    %dma_wait3A_972 = arith.constant 0 : i32
    %dma_wait3A_973 = arith.constant 0 : i32
    %dma_wait3A_974 = arith.constant 0 : i32
    %dma_wait3A_975 = tpu.memref_slice %arg9[%dma_wait3A_971, %dma_wait3A_973, %dma_wait3A_974] : memref<2x8x1024xf32, #tpu.memory_space<vmem>> -> memref<1x8x1024xf32, #tpu.memory_space<vmem>>
    %dma_wait3A_976 = tpu.memref_squeeze %dma_wait3A_975 : memref<1x8x1024xf32, #tpu.memory_space<vmem>> -> memref<8x1024xf32, #tpu.memory_space<vmem>>
    %dma_wait3A_977 = tpu.memref_slice %arg4[%dma_wait3A_972, %mul3A_952, %mul3A_970] : memref<3x200x4096xf32, #tpu.memory_space<hbm>> -> memref<1x8x1024xf32, #tpu.memory_space<hbm>>
    %dma_wait3A_978 = tpu.memref_squeeze %dma_wait3A_977 : memref<1x8x1024xf32, #tpu.memory_space<hbm>> -> memref<8x1024xf32, #tpu.memory_space<hbm>>
    %dma_wait3A_979 = tpu.memref_slice %arg4[%dma_wait3A_972, %mul3A_952, %mul3A_970] : memref<3x200x4096xf32, #tpu.memory_space<hbm>> -> memref<1x8x1024xf32, #tpu.memory_space<hbm>>
    %dma_wait3A_980 = tpu.memref_squeeze %dma_wait3A_979 : memref<1x8x1024xf32, #tpu.memory_space<hbm>> -> memref<8x1024xf32, #tpu.memory_space<hbm>>
    %dma_wait3A_981 = arith.constant 0 : i32
    %dma_wait3A_982 = arith.constant 0 : i32
    %dma_wait3A_983 = tpu.memref_slice %arg9[%dma_wait3A_971, %dma_wait3A_981, %dma_wait3A_982] : memref<2x8x1024xf32, #tpu.memory_space<vmem>> -> memref<1x8x1024xf32, #tpu.memory_space<vmem>>
    %dma_wait3A_984 = tpu.memref_squeeze %dma_wait3A_983 : memref<1x8x1024xf32, #tpu.memory_space<vmem>> -> memref<8x1024xf32, #tpu.memory_space<vmem>>
    tpu.wait_dma2 semaphore(%arg13 : memref<!tpu.dma_semaphore, #tpu.memory_space<semaphore_mem>>) src(%dma_wait3A_984 : memref<8x1024xf32, #tpu.memory_space<vmem>>) dst(%dma_wait3A_980 : memref<8x1024xf32, #tpu.memory_space<hbm>>)
    %ge3A_985 = arith.constant 2 : i32
    %ge3A_986 = arith.cmpi sge, %select_n3A_21, %ge3A_985 : i32
    %convert_element_type3A_987 = arith.extui %ge3A_986 : i1 to i32
    %cond3A_988 = arith.constant 0 : i32
    %cond3A_989 = arith.cmpi ne, %convert_element_type3A_987, %cond3A_988 : i32
    scf.if %cond3A_989 {
      %jit3A_990 = arith.constant 4 : i32
      %div3A_991 = arith.divsi %select_n3A_39, %jit3A_990 : i32
      %sign3A_992 = arith.constant 0 : i32
      %sign3A_993 = arith.cmpi sgt, %select_n3A_39, %sign3A_992 : i32
      %sign3A_994 = arith.extui %sign3A_993 : i1 to i32
      %sign3A_995 = arith.constant 0 : i32
      %sign3A_996 = arith.cmpi slt, %select_n3A_39, %sign3A_995 : i32
      %sign3A_997 = arith.extui %sign3A_996 : i1 to i32
      %sign3A_998 = arith.subi %sign3A_994, %sign3A_997 : i32
      %sign3A_999 = arith.constant 0 : i32
      %sign3A_1000 = arith.cmpi sgt, %jit3A_990, %sign3A_999 : i32
      %sign3A_1001 = arith.extui %sign3A_1000 : i1 to i32
      %sign3A_1002 = arith.constant 0 : i32
      %sign3A_1003 = arith.cmpi slt, %jit3A_990, %sign3A_1002 : i32
      %sign3A_1004 = arith.extui %sign3A_1003 : i1 to i32
      %sign3A_1005 = arith.subi %sign3A_1001, %sign3A_1004 : i32
      %ne3A_1006 = arith.cmpi ne, %sign3A_998, %sign3A_1005 : i32
      %rem3A_1007 = arith.remsi %select_n3A_39, %jit3A_990 : i32
      %ne3A_1008 = arith.constant 0 : i32
      %ne3A_1009 = arith.cmpi ne, %rem3A_1007, %ne3A_1008 : i32
      %and3A_1010 = arith.andi %ne3A_1006, %ne3A_1009 : i1
      %sub3A_1011 = arith.constant 1 : i32
      %sub3A_1012 = arith.subi %div3A_991, %sub3A_1011 : i32
      %select_n3A_1013 = arith.select %and3A_1010, %sub3A_1012, %div3A_991 : i32
      %mul3A_1014 = arith.constant 8 : i32
      %mul3A_1015 = arith.muli %select_n3A_1013, %mul3A_1014 : i32
      %jit3A_1016 = arith.constant 4 : i32
      %eq3A_1017 = arith.constant 0 : i32
      %eq3A_1018 = arith.cmpi eq, %jit3A_1016, %eq3A_1017 : i32
      %jit3A_1019 = arith.constant 1 : i32
      %select_n3A_1020 = arith.select %eq3A_1018, %jit3A_1019, %jit3A_1016 : i32
      %rem3A_1021 = arith.remsi %select_n3A_39, %select_n3A_1020 : i32
      %ne3A_1022 = arith.constant 0 : i32
      %ne3A_1023 = arith.cmpi ne, %rem3A_1021, %ne3A_1022 : i32
      %lt3A_1024 = arith.constant 0 : i32
      %lt3A_1025 = arith.cmpi slt, %rem3A_1021, %lt3A_1024 : i32
      %lt3A_1026 = arith.constant 0 : i32
      %lt3A_1027 = arith.cmpi slt, %select_n3A_1020, %lt3A_1026 : i32
      %ne3A_1028 = arith.xori %lt3A_1025, %lt3A_1027 : i1
      %and3A_1029 = arith.andi %ne3A_1028, %ne3A_1023 : i1
      %add3A_1030 = arith.addi %rem3A_1021, %select_n3A_1020 : i32
      %select_n3A_1031 = arith.select %and3A_1029, %add3A_1030, %rem3A_1021 : i32
      %mul3A_1032 = arith.constant 1024 : i32
      %mul3A_1033 = arith.muli %select_n3A_1031, %mul3A_1032 : i32
      %dma_wait3A_1034 = arith.constant 0 : i32
      %dma_wait3A_1035 = arith.constant 0 : i32
      %dma_wait3A_1036 = arith.constant 0 : i32
      %dma_wait3A_1037 = arith.constant 0 : i32
      %dma_wait3A_1038 = tpu.memref_slice %arg10[%dma_wait3A_1034, %dma_wait3A_1036, %dma_wait3A_1037] : memref<2x8x1024xf32, #tpu.memory_space<vmem>> -> memref<1x8x1024xf32, #tpu.memory_space<vmem>>
      %dma_wait3A_1039 = tpu.memref_squeeze %dma_wait3A_1038 : memref<1x8x1024xf32, #tpu.memory_space<vmem>> -> memref<8x1024xf32, #tpu.memory_space<vmem>>
      %dma_wait3A_1040 = tpu.memref_slice %arg4[%dma_wait3A_1035, %mul3A_1015, %mul3A_1033] : memref<3x200x4096xf32, #tpu.memory_space<hbm>> -> memref<1x8x1024xf32, #tpu.memory_space<hbm>>
      %dma_wait3A_1041 = tpu.memref_squeeze %dma_wait3A_1040 : memref<1x8x1024xf32, #tpu.memory_space<hbm>> -> memref<8x1024xf32, #tpu.memory_space<hbm>>
      %dma_wait3A_1042 = tpu.memref_slice %arg4[%dma_wait3A_1035, %mul3A_1015, %mul3A_1033] : memref<3x200x4096xf32, #tpu.memory_space<hbm>> -> memref<1x8x1024xf32, #tpu.memory_space<hbm>>
      %dma_wait3A_1043 = tpu.memref_squeeze %dma_wait3A_1042 : memref<1x8x1024xf32, #tpu.memory_space<hbm>> -> memref<8x1024xf32, #tpu.memory_space<hbm>>
      %dma_wait3A_1044 = arith.constant 0 : i32
      %dma_wait3A_1045 = arith.constant 0 : i32
      %dma_wait3A_1046 = tpu.memref_slice %arg10[%dma_wait3A_1034, %dma_wait3A_1044, %dma_wait3A_1045] : memref<2x8x1024xf32, #tpu.memory_space<vmem>> -> memref<1x8x1024xf32, #tpu.memory_space<vmem>>
      %dma_wait3A_1047 = tpu.memref_squeeze %dma_wait3A_1046 : memref<1x8x1024xf32, #tpu.memory_space<vmem>> -> memref<8x1024xf32, #tpu.memory_space<vmem>>
      tpu.wait_dma2 semaphore(%arg14 : memref<!tpu.dma_semaphore, #tpu.memory_space<semaphore_mem>>) src(%dma_wait3A_1047 : memref<8x1024xf32, #tpu.memory_space<vmem>>) dst(%dma_wait3A_1043 : memref<8x1024xf32, #tpu.memory_space<hbm>>)
    } else {
    }
    return
  }
}

</mosaic_0001>

<sc_bundles>
// kernel: kernel.3.cloned.1.call-start
scs
__scs_entry_jumppad:
0x0: {  	(pc) =	sbr.rel $0x88, $3  }
0x1: {  	(tag) =	ssettag $0x0;
	lr =	simm.s32 $0x1  }
0x2: {  	[smem:$0x3F9F] =	sst lr;
	_ =	strace $0xD0000000  }
0x3: {  	_ = 	snop  }
0x4: {  	_ = 	snop  }
0x5: {  	_ = 	snop  }
0x6: {  	_ = 	snop  }
0x7: {  	_ = 	snop  }
__scs_overlays_trampoline_lowered:
0x8: {  	[smem:$0x3FAE] =	sst s0  }
0x9: {  	[smem:$0x3FAF] =	sst s1  }
0xa: {  	[smem:$0x3FB0] =	sst s2  }
0xb: {  	[smem:$0x3FB1] =	sst s3  }
0xc: {  	[smem:$0x3FB2] =	sst s4  }
0xd: {  	[smem:$0x3FB3] =	sst s5  }
0xe: {  	[smem:$0x3FB4] =	sst s6  }
0xf: {  	[smem:$0x3FB5] =	sst s7  }
0x10: {  	[smem:$0x3FB6] =	sst s8  }
0x11: {  	[smem:$0x3FB7] =	sst s9;
	s0 =	simm.s32 @!p0 $0x0  }
0x12: {  	s1 =	sld [smem:$0x3F9D];
	s0 =	simm.s32 @p0 $0x1  }
0x13: {  	[smem:$0x3FB8] =	sst s0;
	s0 =	simm.s32 @!p1 $0x0  }
0x14: {  	s2 =	sld [smem:$0x3F9C];
	s0 =	simm.s32 @p1 $0x1  }
0x15: {  	[smem:$0x3FB9] =	sst s0;
	s0 =	simm.s32 @!p2 $0x0  }
0x16: {  	s3 =	sld [smem:$0x3FDB];
	s0 =	simm.s32 @p2 $0x1  }
0x17: {  	s4 =	simm.s32 $0x1BF5;
	[smem:$0x3FBB] =	sst s0  }
0x18: {  	s0 =	sld [smem:$0x3F9E];
	_ =	swait.ge [sflag:s4], $0x0  }
0x19: {  	s7 =	sld [smem:$0x3F9F]  }
0x1a: {  	s8 =	sadd.s32 $0xFFFFE003, lr  }
0x1b: {  	s9 =	sadd.s32 $0xFFFFFEF7, lr;
	s5 =	simm.s32 $0xFFFFFFFF;
	p2 =	slt.u32 s8, $0xFFFFF086  }
0x1c: {  	p1 =	slt.u32 s9, $0xF7A;
	s5 =	simm.s32 @!p2 $0x0  }
0x1d: {  	s5 =	simm.s32 @p1 $0x1;
	p0 =	seq.s32 s7, s2  }
0x1e: {  	s7 =	smul.u32 @!p0 $0xF7A, s2;
	p2 =	seq.s32 @!p0 s5, $0x0  }
0x1f: {  	s9 =	smul.u32 $0xF7A, s1;
	s8 =	simm.s32 @!p0 $0x1BF5;
	p2 =	por !p2, p0  }
0x20: {  	[sflag:s8] =	ssyncset.s32 @!p0 $0xFFFFF086;
	s6 =	sadd.s32 @!p0 s3, s7;
	s7 =	simm.s32 @!p0 $0x108  }
0x21: {  	s3 =	sadd.s32 s3, s9;
	s6 =	sadd.s32 @!p0 $0x88, s6;
	s7 =	simm.s32 @p2 $0x1082  }
0x22: {  	[simem:s7], [sflag:s8] =	dma.local @!p0 [hbm:s6], $0xF7A  }
0x23: {  	s9 =	sor.u32 $0xD0000000, s2;
	s6 =	simm.s32 $0x108;
	_ =	swait.ge @!p0 [sflag:s8], $0x0  }
0x24: {  	s3 =	sadd.s32 $0x88, s3;
	s6 =	simm.s32 @!p1 $0x1082;
	[sflag:s4] =	ssyncset.s32 $0xFFFFF086  }
0x25: {  	[simem:s6], [sflag:s4] =	dma.local [hbm:s3], $0xF7A  }
0x26: {  	[smem:$0x3F9F] =	sst s1;
	(tag) =	ssettag s2;
	_ =	strace s9  }
0x27: {  	s1 =	sld [smem:$0x3FAF]  }
0x28: {  	s2 =	sld [smem:$0x3FB0]  }
0x29: {  	s4 =	sld [smem:$0x3FB2]  }
0x2a: {  	p0 =	seq.s32 s5, $0x0;
	s5 =	sld [smem:$0x3FB3]  }
0x2b: {  	s6 =	sld [smem:$0x3FB4]  }
0x2c: {  	s7 =	sld [smem:$0x3FB5]  }
0x2d: {  	s3 =	simm.s32 $0x108;
	s8 =	sld [smem:$0x3FB6]  }
0x2e: {  	s3 =	simm.s32 @!p0 $0x1082;
	s9 =	sld [smem:$0x3FB7]  }
0x2f: {  	lr =	sadd.s32 s0, s3;
	s0 =	sld [smem:$0x3FAE]  }
0x30: {  	s3 =	sld [smem:$0x3FB1]  }
0x31: {  	[smem:$0x3FBA] =	sst s10  }
0x32: {  	s10 =	sld [smem:$0x3FB8];
	_ =	sdelay $0x3  }
0x33: {  	p0 =	seq.s32 s10, $0x1;
	s10 =	sld [smem:$0x3FBA];
	_ =	sdelay $0x3  }
0x34: {  	[smem:$0x3FBA] =	sst s10  }
0x35: {  	s10 =	sld [smem:$0x3FB9];
	_ =	sdelay $0x3  }
0x36: {  	p1 =	seq.s32 s10, $0x1;
	s10 =	sld [smem:$0x3FBA];
	_ =	sdelay $0x3  }
0x37: {  	[smem:$0x3FBA] =	sst s10  }
0x38: {  	s10 =	sld [smem:$0x3FBB]  }
0x39: {  	_ = 	snop;
	(pc) =	sbr.ind lr, $3  }
0x3a: {  	_ = 	snop  }
0x3b: {  	_ = 	snop  }
0x3c: {  	p2 =	seq.s32 s10, $0x1;
	s10 =	sld [smem:$0x3FBA]  }
0x3d: {  	_ =	shalt  }
0x3e: {  	_ =	shalt  }
0x3f: {  	_ =	shalt  }
0x40: {  	_ =	shalt  }
0x41: {  	_ =	shalt  }
0x42: {  	_ =	shalt  }
0x43: {  	_ =	shalt  }
0x44: {  	_ =	shalt  }
0x45: {  	_ =	shalt  }
0x46: {  	_ =	shalt  }
0x47: {  	_ =	shalt  }
0x48: {  	_ =	shalt  }
0x49: {  	_ =	shalt  }
0x4a: {  	_ =	shalt  }
0x4b: {  	_ =	shalt  }
0x4c: {  	_ =	shalt  }
0x4d: {  	_ =	shalt  }
0x4e: {  	_ =	shalt  }
0x4f: {  	_ =	shalt  }
0x50: {  	_ =	shalt  }
0x51: {  	_ =	shalt  }
0x52: {  	_ =	shalt  }
0x53: {  	_ =	shalt  }
0x54: {  	_ =	shalt  }
0x55: {  	_ =	shalt  }
0x56: {  	_ =	shalt  }
0x57: {  	_ =	shalt  }
0x58: {  	_ =	shalt  }
0x59: {  	_ =	shalt  }
0x5a: {  	_ =	shalt  }
0x5b: {  	_ =	shalt  }
0x5c: {  	_ =	shalt  }
0x5d: {  	_ =	shalt  }
0x5e: {  	_ =	shalt  }
0x5f: {  	_ =	shalt  }
0x60: {  	_ =	shalt  }
0x61: {  	_ =	shalt  }
0x62: {  	_ =	shalt  }
0x63: {  	_ =	shalt  }
0x64: {  	_ =	shalt  }
0x65: {  	_ =	shalt  }
0x66: {  	_ =	shalt  }
0x67: {  	_ =	shalt  }
0x68: {  	_ =	shalt  }
0x69: {  	_ =	shalt  }
0x6a: {  	_ =	shalt  }
0x6b: {  	_ =	shalt  }
0x6c: {  	_ =	shalt  }
0x6d: {  	_ =	shalt  }
0x6e: {  	_ =	shalt  }
0x6f: {  	_ =	shalt  }
0x70: {  	_ =	shalt  }
0x71: {  	_ =	shalt  }
0x72: {  	_ =	shalt  }
0x73: {  	_ =	shalt  }
0x74: {  	_ =	shalt  }
0x75: {  	_ =	shalt  }
0x76: {  	_ =	shalt  }
0x77: {  	_ =	shalt  }
0x78: {  	_ =	shalt  }
0x79: {  	_ =	shalt  }
0x7a: {  	_ =	shalt  }
0x7b: {  	_ =	shalt  }
0x7c: {  	_ =	shalt  }
0x7d: {  	_ =	shalt  }
0x7e: {  	_ =	shalt  }
0x7f: {  	_ =	shalt  }
0x80: {  	_ =	shalt  }
0x81: {  	_ =	shalt  }
0x82: {  	_ =	shalt  }
0x83: {  	_ =	shalt  }
0x84: {  	_ =	shalt  }
0x85: {  	_ =	shalt  }
0x86: {  	_ =	shalt  }
0x87: {  	_ =	shalt  }
.Lfunc_end0:
.L_simem_size_0:
called_computation_lowered:
.L_overlay_start_0:
0x88: {  	s2 =	sld [smem:$0x3FD9]  }
0x89: {  	s3 =	sld [smem:$0x3FFE];
	_ =	sdelay $0x1  }
0x8a: {  	s1 =	srdreg.scid  }
0x8b: {  	s0 =	sand.u32 $0x1, s1  }
0x8c: {  	s18 =	sshll.u32 s0, $0xA;
	s2 =	sadd.s32 s3, s2  }
0x8d: {  	s2 =	sadd.s32 s2, s18  }
0x8e: {  	[smem:$0x3FC6] =	sst s2  }
0x8f: {  	_ = 	snop  }
0x90: {  	s2 =	sld [smem:$0x3FC9]  }
0x91: {  	s19 =	sld [smem:$0x3FC8]  }
0x92: {  	s4 =	sld [smem:$0x3FD0];
	(tm) =	ssettm $0x1  }
0x93: {  	s5 =	sld [smem:$0x3FFB];
	_ =	sdelay $0x3  }
0x94: {  	_ =	strace s5  }
0x95: {  	s5 =	sld [smem:$0x3FFC];
	_ =	sdelay $0x3  }
0x96: {  	_ =	strace s5  }
0x97: {  	s5 =	sld [smem:$0x3FFD];
	_ =	sdelay $0x3  }
0x98: {  	_ =	strace s5  }
0x99: {  	_ =	strace $0x8FFFFFFF  }
0x9a: {  	s20 =	sld [smem:$0x3FDB];
	_ =	sdelay $0x1  }
0x9b: {  	s6 =	simm.s32 $_scs_section_size  }
0x9c: {  	s7 =	simm.s32 $_size__tile_overlayer_lowered;
	s8 =	simm.s32 $_tile_overlayer_lowered  }
0x9d: {  	s23 =	simm.s32 $0x1BFF;
	s22 =	sshll.u32 s8, $0x1;
	s5 =	sadd.s32 s6, s20  }
0x9e: {  	s9 =	simm.s32 $0x0;
	s21 =	sshll.u32 s7, $0x1;
	s7 =	sadd.s32 s22, s5  }
0x9f: {  	[timem:s9], [sflag:s23] =	dma.local [hbm:s7], s21  }
0xa0: {  	_ =	swait.ge [sflag:s23], s21  }
0xa1: {  	s6 =	ssub.s32 $0x0, s21;
	[sflag:s23] =	ssyncset.done $0x0  }
0xa2: {  	[sflag:s23] =	ssyncadd.s32 s6;
	_ =	sdelay $0x1  }
0xa3: {  	s24 =	simm.s32 $0x1B8B  }
0xa4: {  	_ =	swait.ge [sflag:s24], $0x1  }
0xa5: {  	[sflag:s24] =	ssyncset.done $0x0  }
0xa6: {  	s25 =	simm.s32 $0x1B8E;
	[sflag:s24] =	ssyncadd.s32 $0xFFFFFFFF  }
0xa7: {  	s26 =	simm.s32 $execute0_lowered;
	[smem:$0x3FD2] =	sst s25  }
0xa8: {  	s6 =	sshll.u32 s26, $0x1;
	_ =	strace $0x80000046;
	[dreg:$0x1] =	wrdreg $0xFFFFFFFF  }
0xa9: {  	s28 =	simm.s32 $_size_execute0_lowered;
	s5 =	sadd.s32 s5, s6;
	[dreg:$0x0] =	wrdreg $0x0  }
0xaa: {  	s6 =	sshll.u32 s28, $0x1;
	[dreg:$0x2] =	wrdreg s5  }
0xab: {  	[dreg:$0x3] =	wrdreg s6  }
0xac: {  	[dreg:$0x4] =	wrdreg $0xC0  }
0xad: {  	_ =	task [dreg:s9], $0x5FFFF  }
0xae: {  	[dreg:$0x1] =	wrdreg $0xFFFFFFFF  }
0xaf: {  	[dreg:$0x0] =	wrdreg $0x60  }
0xb0: {  	[dreg:$0x2] =	wrdreg s2  }
0xb1: {  	[dreg:$0x3] =	wrdreg s19  }
0xb2: {  	[dreg:$0x4] =	wrdreg s4  }
0xb3: {  	[dreg:$0x5] =	wrdreg $0x9  }
0xb4: {  	_ =	task.clear_ibuf [dreg:s9], $0x6FFFF;
	_ =	strace $0x90000046  }
0xb5: {  	s29 =	simm.s32 $0x9;
	_ =	strace $0x80000048  }
0xb6: {  	_ =	swait.ge [sflag:s29], $0x1  }
0xb7: {  	[sflag:s29] =	ssyncadd.s32 $0xFFFFFFFF  }
0xb8: {  	_ =	strace $0x90000048  }
0xb9: {  	_ =	sfence  }
0xba: {  	s30 =	sld [smem:$0x0];
	_ =	sdelay $0x2  }
0xbb: {  	s31 =	sshll.u32 s1, $0xD;
	s1 =	sshrl.u32 s1, $0x2  }
0xbc: {  	s3 =	sand.u32 $0x4000, s31;
	s1 =	sadd.s32 s1, s30  }
0xbd: {  	s0 =	sor.u32 s3, s0;
	s1 =	sshll.u32 s1, $0x11  }
0xbe: {  	s0 =	sor.u32 s1, s0  }
0xbf: {  	s0 =	sadd.s32 $0x8F2B, s0  }
0xc0: {  	[sflag:s0] =	ssyncadd.remote.s32 $0x1  }
0xc1: {  	_ =	sfence.sel $0xFFFF  }
0xc2: {  	[dreg:$0x0] =	wrdreg $0xFFFFFFFF;
	(pc) =	sbr.abs _section_cstart, $3  }
0xc3: {  	[dreg:$0x1] =	wrdreg $0xFFFFFFFF  }
0xc4: {  	_ =	task.clear_ibuf [dreg:s9], $0x2FFFF;
	_ =	strace $0x9FFFFFFF  }
0xc5: {  	(tm) =	ssettm $0x7FFFFFFF  }
tec
execute0_lowered:
.L_overlay_start_1:
0x0: {  	(tag) =	ssettag $0x1  }
0x1: {  	s0 =	srdreg.scid  }
0x2: {  	s26 =	stileid.u32;
	s19 =	simm.s32 $0x1;
	s28 =	simm.s32 $0x100  }
0x3: {  	s29 =	simm.s32 $0x8200;
	s4 =	sand.u32 $0x1, s0;
	s11 =	sshll.u32 s26, $0x1  }
0x4: {  	s30 =	simm.s32 $0x2;
	s31 =	simm.s32 $0xC200;
	s7 =	sor.u32 s4, s11  }
0x5: {  	p0 =	slt.u32 s26, $0x8;
	s4 =	ssub.s32 $0x2, s4;
	s5 =	smul.u32 $0x3, s7  }
0x6: {  	s0 =	sadd.s32 $0xFFFFFFFC, s7;
	s18 =	smov.u32 s7;
	s9 =	sshll.u32 s7, $0x2  }
0x7: {  	s23 =	sshrl.u32 s4, $0x1;
	s24 =	sshll.u32 s7, $0xC;
	s1 =	sshll.u32 s0, $0x2  }
0x8: {  	s6 =	sadd.s32 $0x4, s5;
	s5 =	smov.u32 @p0 s1;
	p0 =	sgt.u32 s26, $0x1  }
0x9: {  	s10 =	sadd.s32 $0x4, s5;
	s9 =	smov.u32 @p0 s6;
	s14 =	sadd.s32 $0x5, s5  }
0xa: {  	s15 =	sadd.s32 $0x6, s5;
	p6 =	slt.s32 s5, $0xFFFFFFFB;
	s5 =	simm.s32 $0x1  }
0xb: {  	s18 =	smov.u32 @p0 s10;
	s6 =	sshll.u32 s9, $0xD;
	s9 =	simm.s32 $0x1  }
0xc: {  	s13 =	sshll.u32 s15, $0x18;
	s16 =	sshra.s32 s14, $0x1F;
	s12 =	sshll.u32 s18, $0x18  }
0xd: {  	p1 =	slt.s32 s18, $0x1;
	s13 =	sshra.s32 s13, $0x1F;
	s22 =	sand.u32 $0x7FFFE000, s6  }
0xe: {  	s1 =	sshra.s32 s12, $0x1F;
	s12 =	sshll.u32 s14, $0x18;
	s13 =	sand.u32 $0x3, s13  }
0xf: {  	s2 =	sand.u32 $0x3, s1;
	s1 =	rddreg [dreg:$0x0];
	s12 =	sshra.s32 s12, $0x1F  }
0x10: {  	s13 =	sadd.s32 s13, s15;
	s8 =	sadd.s32 s2, s18;
	s2 =	rddreg [dreg:$0x2]  }
0x11: {  	s12 =	sand.u32 $0x3, s12;
	s25 =	sadd.s32 s24, s1;
	s3 =	sand.u32 $0xFFFFFFFC, s8  }
0x12: {  	s12 =	sadd.s32 s12, s14;
	s8 =	sshll.u32 s8, $0x18;
	s11 =	ssub.s32 s18, s3  }
0x13: {  	s17 =	sand.u32 $0xFFFFFFFC, s12;
	s8 =	sshra.s32 s8, $0x1A;
	s3 =	sand.u32 $0xFF, s11  }
0x14: {  	s17 =	ssub.s32 s14, s17;
	s11 =	sshll.u32 s11, $0xD;
	p2 =	sne.s32 s3, $0x0  }
0x15: {  	s3 =	simm.s32 $0x0;
	s20 =	sand.u32 $0xFF, s17;
	s11 =	sand.u32 $0x6000, s11  }
0x16: {  	s17 =	sshll.u32 s17, $0xD;
	p1 =	por !p1, !p2;
	p5 =	sne.s32 s20, $0x0  }
0x17: {  	s20 =	simm.s32 $0x1;
	[smem:$0x7FF] =	sst s3;
	p1 =	por !p1, !p1  }
0x18: {  	s9 =	simm.s32 @!p1 $0x0;
	p1 =	slt.u32 s10, $0x7FFFFFFF;
	s10 =	sand.u32 $0xFFFFFFFC, s13  }
0x19: {  	s17 =	sand.u32 $0x6000, s17;
	s19 =	simm.s32 @!p1 $0x0;
	s15 =	ssub.s32 s15, s10  }
0x1a: {  	_ =	strace $0x80000047;
	s19 =	sadd.s32 s19, s16;
	s10 =	sand.u32 $0xFF, s15  }
0x1b: {  	s16 =	sadd.s32 $0x3, s18;
	s15 =	sshll.u32 s15, $0xD;
	p4 =	sne.s32 s19, $0x1  }
0x1c: {  	p3 =	sne.s32 s10, $0x0;
	s19 =	simm.s32 $0x1;
	s14 =	sand.u32 $0x3, s16  }
0x1d: {  	s21 =	sshrl.u32 s16, $0x1F;
	s16 =	sshrl.u32 s16, $0x2;
	p1 =	por !p5, !p4  }
0x1e: {  	p2 =	por !p6, !p3;
	p3 =	slt.s32 s18, $0xFFFFFFFE;
	p4 =	sne.s32 s14, $0x0  }
0x1f: {  	s14 =	sshll.u32 s14, $0xD;
	p1 =	por !p1, !p1;
	p5 =	por !p3, !p4  }
0x20: {  	s19 =	simm.s32 @!p1 $0x0;
	p1 =	por !p2, !p2;
	p2 =	sgt.s32 s18, $0xFFFFFFFD  }
0x21: {  	s18 =	ssub.s32 s4, s23;
	s23 =	ssub.s32 s8, s9;
	s9 =	sadd.s32 $0x19C00, s25  }
0x22: {  	s5 =	simm.s32 @!p2 $0x0;
	s20 =	simm.s32 @!p1 $0x0;
	s23 =	sshll.u32 s23, $0xF  }
0x23: {  	p1 =	por !p5, !p5;
	s5 =	sadd.s32 s5, s21;
	s11 =	sor.u32 s11, s23  }
0x24: {  	p6 =	sne.s32 s5, $0x1;
	s5 =	sadd.s32 $0xC8000, s22;
	s22 =	sshrl.u32 s6, $0x3  }
0x25: {  	s11 =	sshrl.u32 s11, $0x3;
	s21 =	sshrl.u32 s5, $0x3;
	s10 =	sadd.s32 $0x19400, s22  }
0x26: {  	p2 =	por !p4, !p6;
	s4 =	sadd.s32 s1, s21;
	s5 =	sadd.s32 s1, s10  }
0x27: {  	s6 =	sadd.s32 s2, s21;
	s21 =	sadd.s32 $0x19800, s22;
	s8 =	sadd.s32 s2, s10  }
0x28: {  	s22 =	sadd.s32 s24, s2;
	s24 =	sshll.u32 s12, $0x18;
	s12 =	simm.s32 $0x1  }
0x29: {  	p2 =	por !p2, !p2;
	s7 =	sadd.s32 s1, s21;
	s22 =	sadd.s32 $0x19C00, s22  }
0x2a: {  	s10 =	sadd.s32 s2, s21;
	s25 =	sshra.s32 s24, $0x1A;
	[dreg:$0x4] =	wrdreg s22  }
0x2b: {  	s19 =	ssub.s32 s25, s19;
	s22 =	sshll.u32 s13, $0x18;
	s13 =	sadd.s32 s1, s11  }
0x2c: {  	s25 =	sand.u32 $0x6000, s15;
	s19 =	sshll.u32 s19, $0xF;
	s23 =	sshra.s32 s22, $0x1A  }
0x2d: {  	s15 =	sadd.s32 s2, s11;
	s17 =	sor.u32 s17, s19;
	s19 =	ssub.s32 s23, s20  }
0x2e: {  	s20 =	simm.s32 $0x1;
	s17 =	sshrl.u32 s17, $0x3;
	s19 =	sshll.u32 s19, $0xF  }
0x2f: {  	s20 =	simm.s32 @!p2 $0x0;
	p2 =	slt.u32 s26, $0x2;
	s26 =	simm.s32 $0x5  }
0x30: {  	s24 =	sadd.s32 s1, s17;
	s21 =	sor.u32 s25, s19;
	s19 =	simm.s32 $0x1  }
0x31: {  	s23 =	sadd.s32 s2, s17;
	[dreg:$0x5] =	wrdreg s24;
	s19 =	simm.s32 @!p1 $0x0  }
0x32: {  	s11 =	sshrl.u32 s21, $0x3;
	[dreg:$0x7] =	wrdreg s23;
	s21 =	smax.u32 s18, $0x1  }
0x33: {  	s23 =	simm.s32 $0xC8000;
	p1 =	sgt.u32 s0, $0xB;
	s0 =	simm.s32 $0x4  }
0x34: {  	s19 =	ssub.s32 s16, s19;
	s16 =	ssub.s32 s16, s20;
	s22 =	sadd.s32 s1, s11  }
0x35: {  	s25 =	sadd.s32 s2, s11;
	s19 =	sshll.u32 s19, $0xF;
	[dreg:$0x6] =	wrdreg s22  }
.Ltmp0:
0x36: {  	s16 =	sshll.u32 s16, $0xF;
	[dreg:$0x9] =	wrdreg s25;
	(pc) =	sbr.rel .LBB2_1-.Ltmp0, $4  }
0x37: {  	s22 =	simm.s32 $0x2000;
	s19 =	sor.u32 s14, s19;
	s14 =	sor.u32 s14, s16  }
0x38: {  	s25 =	simm.s32 $0x4200;
	s24 =	sshrl.u32 s19, $0x3;
	s14 =	sshrl.u32 s14, $0x3  }
0x39: {  	s1 =	sadd.s32 s1, s24;
	s20 =	sadd.s32 s2, s14;
	s24 =	simm.s32 $0x200  }
0x3a: {  	s2 =	simm.s32 $0x0;
	[dreg:$0x8] =	wrdreg s1;
	s1 =	simm.s32 $0x3  }
.LBB2_40:
0x3b: {  	s2 =	sadd.s32 $0x1, s2  }
0x3c: {  	_ =	swait.ge [sflag:s1], $0x2000;
	p3 =	sne.s32 s2, s21  }
.Ltmp1:
0x3d: {  	[sflag:s1] =	ssyncset.done $0x0;
	(pc) =	sbr.rel @!p3 .LBB2_41-.Ltmp1, $4  }
0x3e: {  	s11 =	simm.s32 @!p2 $0x4;
	[sflag:s1] =	ssyncadd.s32 $0xFFFFE000  }
0x3f: {  	_ =	swait.ge @!p2 [sflag:s11], $0x2000  }
0x40: {  	[sflag:s11] =	ssyncset.done @!p2 $0x0  }
0x41: {  	[sflag:s11] =	ssyncadd.s32 @!p2 $0xFFFFE000  }
.LBB2_1:
0x42: {  	[tilespmem:s24], [sflag:$0x1] =	stream.strided.gather [hbm4b:s4+s22], $0x4000, s23, s22, $0x38;
	[tilespmem:$0x10200] =	vst v63  }
0x43: {  	_ = 	snop  }
0x44: {  	[tilespmem:s25], [sflag:$0x2] =	stream.strided.gather [hbm4b:s5+s22], $0x4000, s23, s22, $0x38;
	[tilespmem:$0x10200] =	vst v63  }
0x45: {  	s11 =	rddreg [dreg:$0x1]  }
0x46: {  	[tilespmem:s3], [sflag:$0x5] =	stream.linear.gather [hbm4b:s11+s3], $0x100, $0x38;
	[tilespmem:$0x10200] =	vst v63  }
0x47: {  	_ =	swait.ge [sflag:s26], $0x100  }
0x48: {  	[sflag:s26] =	ssyncset.done $0x0  }
0x49: {  	[sflag:s26] =	ssyncadd.s32 $0xFFFFFF00  }
0x4a: {  	v0 =	vld [tilespmem:$0x0]  }
0x4b: {  	v1 =	vld [tilespmem:$0x10]  }
0x4c: {  	v2 =	vld [tilespmem:$0x20]  }
0x4d: {  	v3 =	vld [tilespmem:$0x30]  }
0x4e: {  	v4 =	vld [tilespmem:$0x40]  }
0x4f: {  	v38 =	vld [tilespmem:$0x50];
	(erf) = vrcp.f32 v0  }
0x50: {  	v39 =	vld [tilespmem:$0x60];
	(erf) = vrcp.f32 v1  }
0x51: {  	v40 =	vld [tilespmem:$0x70];
	(erf) = vrcp.f32 v2  }
0x52: {  	v41 =	vld [tilespmem:$0x80];
	(erf) = vrcp.f32 v3  }
0x53: {  	v42 =	vld [tilespmem:$0x90];
	(erf) = vrcp.f32 v4  }
0x54: {  	v43 =	vld [tilespmem:$0xA0];
	(erf) = vrcp.f32 v38  }
0x55: {  	v44 =	vld [tilespmem:$0xB0];
	(erf) = vrcp.f32 v39  }
0x56: {  	v45 =	vld [tilespmem:$0xC0];
	(erf) = vrcp.f32 v40  }
0x57: {  	v46 =	vld [tilespmem:$0xD0];
	(erf) = vrcp.f32 v41  }
0x58: {  	v47 =	vld [tilespmem:$0xE0];
	v5 =	vpop (erf);
	(erf) = vrcp.f32 v42  }
0x59: {  	v49 =	vld [tilespmem:$0xF0];
	[tilespmem:$0x100] =	vst v5;
	v48 =	vpop (erf);
	(erf) = vrcp.f32 v43  }
0x5a: {  	[tilespmem:$0x110] =	vst v48;
	v50 =	vpop (erf);
	(erf) = vrcp.f32 v44  }
0x5b: {  	[tilespmem:$0x120] =	vst v50;
	v51 =	vpop (erf);
	(erf) = vrcp.f32 v45  }
0x5c: {  	[tilespmem:$0x130] =	vst v51;
	v52 =	vpop (erf);
	(erf) = vrcp.f32 v46  }
0x5d: {  	[tilespmem:$0x140] =	vst v52;
	v53 =	vpop (erf);
	(erf) = vrcp.f32 v47  }
0x5e: {  	[tilespmem:$0x150] =	vst v53;
	v54 =	vpop (erf);
	(erf) = vrcp.f32 v49  }
0x5f: {  	v55 =	vpop (erf);
	[tilespmem:$0x160] =	vst v54  }
0x60: {  	v56 =	vpop (erf);
	[tilespmem:$0x170] =	vst v55  }
0x61: {  	v57 =	vpop (erf);
	[tilespmem:$0x180] =	vst v56  }
0x62: {  	v58 =	vpop (erf);
	[tilespmem:$0x190] =	vst v57  }
0x63: {  	v59 =	vpop (erf);
	[tilespmem:$0x1A0] =	vst v58  }
0x64: {  	v60 =	vpop (erf);
	[tilespmem:$0x1B0] =	vst v59  }
0x65: {  	v61 =	vpop (erf);
	[tilespmem:$0x1C0] =	vst v60  }
0x66: {  	v62 =	vpop (erf);
	[tilespmem:$0x1D0] =	vst v61  }
0x67: {  	[tilespmem:$0x1E0] =	vst v62;
	v63 =	vpop (erf)  }
0x68: {  	[tilespmem:$0x1F0] =	vst v63  }
0x69: {  	_ =	swait.ge [sflag:s12], $0x4000  }
0x6a: {  	s17 =	simm.s32 $0xA200;
	[sflag:s12] =	ssyncset.done $0x0  }
0x6b: {  	s14 =	simm.s32 $0x2200;
	s16 =	simm.s32 $0x0;
	[sflag:s12] =	ssyncadd.s32 $0xFFFFC000  }
.LBB2_2:
0x6c: {  	v0 =	vld [tilespmem:s14+$0xFFFFE070]  }
0x6d: {  	v1 =	vld [tilespmem:s14+$0xFFFFE010]  }
0x6e: {  	v3 =	vld [tilespmem:s14+$0xFFFFE020]  }
0x6f: {  	v4 =	vld [tilespmem:s14+$0xFFFFE030]  }
0x70: {  	v5 =	vld [tilespmem:s14+$0xFFFFE040]  }
0x71: {  	v8 =	vld [tilespmem:s14+$0xFFFFE050]  }
0x72: {  	v9 =	vld [tilespmem:s14+$0xFFFFE060]  }
0x73: {  	v2 =	vld [tilespmem:s14+$0x70]  }
0x74: {  	v7 =	vld [tilespmem:s14+$0xFFFFE000]  }
0x75: {  	v10 =	vld [tilespmem:s14+$0x0]  }
0x76: {  	v6 =	vld.idx.msk [tilespmem:v0+s28+$0x0], $0xffff  }
0x77: {  	v11 =	vld [tilespmem:s14+$0x10]  }
0x78: {  	v12 =	vld [tilespmem:s14+$0x20]  }
0x79: {  	v13 =	vld [tilespmem:s14+$0x30];
	v2 =	vcvt.s32.f32 v2  }
0x7a: {  	v14 =	vld [tilespmem:s14+$0x40];
	v20 =	vcvt.s32.f32 v5  }
0x7b: {  	v15 =	vld [tilespmem:s14+$0x50];
	v2 =	vmul.f32 v2, v6  }
0x7c: {  	v22 =	vcvt.s32.f32 v10;
	v10 =	vld.idx.msk [tilespmem:v5+s28+$0x0], $0xffff;
	[tilespmem:s17+$0xFFFFE040] =	vst v20;
	v6 =	vcvt.s32.f32 v7  }
0x7d: {  	v16 =	vld [tilespmem:s14+$0x60];
	v17 =	vcvt.s32.f32 v1;
	[tilespmem:s17+$0x70] =	vst v2  }
0x7e: {  	v19 =	vcvt.s32.f32 v4;
	v18 =	vld.idx.msk [tilespmem:v7+s28+$0x0], $0xffff;
	v7 =	vcvt.s32.f32 v3;
	[tilespmem:s17+$0xFFFFE000] =	vst v6  }
0x7f: {  	v63 =	vcvt.s32.f32 v8;
	v21 =	vcvt.s32.f32 v9;
	v2 =	vld.idx.msk [tilespmem:v1+s28+$0x0], $0xffff;
	[tilespmem:s17+$0xFFFFE010] =	vst v17  }
0x80: {  	v0 =	vcvt.s32.f32 v0;
	v5 =	vcvt.s32.f32 v15;
	v1 =	vld.idx.msk [tilespmem:v3+s28+$0x0], $0xffff;
	[tilespmem:s17+$0xFFFFE020] =	vst v7  }
0x81: {  	v3 =	vld.idx.msk [tilespmem:v4+s28+$0x0], $0xffff;
	v6 =	vcvt.s32.f32 v11;
	[tilespmem:s17+$0xFFFFE030] =	vst v19;
	v7 =	vcvt.s32.f32 v12  }
0x82: {  	v4 =	vcvt.s32.f32 v13;
	v11 =	vld.idx.msk [tilespmem:v8+s28+$0x0], $0xffff;
	v8 =	vcvt.s32.f32 v14;
	[tilespmem:s17+$0xFFFFE050] =	vst v63  }
0x83: {  	s18 =	simm.s32 $0x0;
	s19 =	sadd.s32 $0x400, s14;
	s11 =	smov.u32 s17;
	v12 =	vld.idx.msk [tilespmem:v9+s28+$0x0], $0xffff;
	v9 =	vcvt.s32.f32 v16;
	v13 =	vmul.f32 v22, v18;
	[tilespmem:s17+$0xFFFFE060] =	vst v21  }
.LBB2_3:
0x84: {  	v14 =	vld [tilespmem:s19+$0xFFFFE070];
	s18 =	sadd.s32 $0x8, s18;
	v2 =	vmul.f32 v6, v2;
	[tilespmem:s11+$0xFFFFE070] =	vst v0  }
0x85: {  	v0 =	vmul.f32 v7, v1;
	v15 =	vld [tilespmem:s19+$0xFFFFE010];
	p3 =	slt.u32 s18, $0x38;
	[tilespmem:s11+$0x0] =	vst v13  }
0x86: {  	v1 =	vld [tilespmem:s19+$0xFFFFE020];
	[tilespmem:s11+$0x10] =	vst v2;
	v2 =	vmul.f32 v4, v3  }
0x87: {  	v4 =	vmul.f32 v8, v10;
	v3 =	vld [tilespmem:s19+$0xFFFFE030];
	[tilespmem:s11+$0x20] =	vst v0  }
0x88: {  	v10 =	vld [tilespmem:s19+$0xFFFFE040];
	[tilespmem:s11+$0x30] =	vst v2;
	v2 =	vmul.f32 v5, v11  }
0x89: {  	v11 =	vld [tilespmem:s19+$0xFFFFE050];
	v0 =	vcvt.s32.f32 v14;
	[tilespmem:s11+$0x40] =	vst v4;
	v4 =	vmul.f32 v9, v12  }
0x8a: {  	v5 =	vcvt.s32.f32 v15;
	v12 =	vld [tilespmem:s19+$0xFFFFE060];
	[tilespmem:s11+$0x50] =	vst v2  }
0x8b: {  	v8 =	vcvt.s32.f32 v1;
	v2 =	vld [tilespmem:s19+$0x70];
	[tilespmem:s11+$0x60] =	vst v4  }
0x8c: {  	v9 =	vcvt.s32.f32 v3;
	v4 =	vld.idx.msk [tilespmem:v14+s28+$0x0], $0xffff  }
0x8d: {  	v7 =	vld [tilespmem:s19+$0xFFFFE000];
	v13 =	vcvt.s32.f32 v10  }
0x8e: {  	v6 =	vld [tilespmem:s19+$0x0];
	v14 =	vcvt.s32.f32 v11  }
0x8f: {  	v16 =	vld [tilespmem:s19+$0x10];
	v17 =	vcvt.s32.f32 v12  }
0x90: {  	v18 =	vld [tilespmem:s19+$0x20];
	v2 =	vcvt.s32.f32 v2  }
0x91: {  	v19 =	vld [tilespmem:s19+$0x30]  }
0x92: {  	v20 =	vcvt.s32.f32 v7;
	v21 =	vld [tilespmem:s19+$0x40];
	v2 =	vmul.f32 v2, v4  }
0x93: {  	s11 =	sadd.s32 $0x400, s11;
	v22 =	vcvt.s32.f32 v6;
	v23 =	vld [tilespmem:s19+$0x50]  }
0x94: {  	v6 =	vcvt.s32.f32 v16;
	v16 =	vld [tilespmem:s19+$0x60];
	[tilespmem:s11+$0x70] =	vst v2  }
0x95: {  	v24 =	vld.idx.msk [tilespmem:v7+s28+$0x0], $0xffff;
	[tilespmem:s11+$0xFFFFE000] =	vst v20;
	v7 =	vcvt.s32.f32 v18  }
0x96: {  	v2 =	vld.idx.msk [tilespmem:v15+s28+$0x0], $0xffff;
	[tilespmem:s11+$0xFFFFE010] =	vst v5;
	v4 =	vcvt.s32.f32 v19  }
.Ltmp2:
0x97: {  	v1 =	vld.idx.msk [tilespmem:v1+s28+$0x0], $0xffff;
	[tilespmem:s11+$0xFFFFE020] =	vst v8;
	v8 =	vcvt.s32.f32 v21;
	(pc) =	sbr.rel @p3 .LBB2_3-.Ltmp2, $4  }
0x98: {  	v3 =	vld.idx.msk [tilespmem:v3+s28+$0x0], $0xffff;
	[tilespmem:s11+$0xFFFFE030] =	vst v9;
	v5 =	vcvt.s32.f32 v23  }
0x99: {  	v10 =	vld.idx.msk [tilespmem:v10+s28+$0x0], $0xffff;
	[tilespmem:s11+$0xFFFFE040] =	vst v13;
	v9 =	vcvt.s32.f32 v16  }
0x9a: {  	v11 =	vld.idx.msk [tilespmem:v11+s28+$0x0], $0xffff;
	[tilespmem:s11+$0xFFFFE050] =	vst v14  }
0x9b: {  	s19 =	sadd.s32 $0x400, s19;
	v13 =	vmul.f32 v22, v24;
	v12 =	vld.idx.msk [tilespmem:v12+s28+$0x0], $0xffff;
	[tilespmem:s11+$0xFFFFE060] =	vst v17  }
0x9c: {  	v2 =	vmul.f32 v6, v2;
	[tilespmem:s11+$0xFFFFE070] =	vst v0  }
0x9d: {  	v59 =	vmul.f32 v7, v1;
	s16 =	sadd.s32 $0x1, s16;
	[tilespmem:s11+$0x0] =	vst v13  }
0x9e: {  	v60 =	vmul.f32 v4, v3;
	p3 =	sne.s32 s16, $0x8;
	[tilespmem:s11+$0x10] =	vst v2  }
.Ltmp3:
0x9f: {  	[tilespmem:s11+$0x20] =	vst v59;
	v61 =	vmul.f32 v8, v10;
	(pc) =	sbr.rel @p3 .LBB2_2-.Ltmp3, $4  }
0xa0: {  	[tilespmem:s11+$0x30] =	vst v60;
	v62 =	vmul.f32 v5, v11  }
0xa1: {  	[tilespmem:s11+$0x40] =	vst v61;
	v63 =	vmul.f32 v9, v12  }
0xa2: {  	[tilespmem:s11+$0x50] =	vst v62  }
0xa3: {  	s17 =	sadd.s32 $0x80, s17;
	s14 =	sadd.s32 $0x80, s14;
	[tilespmem:s11+$0x60] =	vst v63  }
0xa4: {  	[hbm4b:s6+s22] =	stream.strided.scatter [tilespmem:s29], [sflag:$0x3], $0x4000, s23, s22, $0x38;
	[tilespmem:$0x10200] =	vst v63  }
0xa5: {  	_ = 	snop  }
0xa6: {  	[tilespmem:s24], [sflag:$0x1] =	stream.strided.gather [hbm4b:s7+s22], $0x4000, s23, s22, $0x38;
	[tilespmem:$0x10200] =	vst v63  }
0xa7: {  	_ =	swait.ge [sflag:s30], $0x4000  }
0xa8: {  	s11 =	simm.s32 $0x0;
	[sflag:s30] =	ssyncset.done $0x0  }
0xa9: {  	s14 =	simm.s32 $0xE200;
	s16 =	simm.s32 $0x6200;
	[sflag:s30] =	ssyncadd.s32 $0xFFFFC000  }
.LBB2_6:
0xaa: {  	v0 =	vld [tilespmem:s16+$0xFFFFE070]  }
0xab: {  	v1 =	vld [tilespmem:s16+$0xFFFFE010]  }
0xac: {  	v3 =	vld [tilespmem:s16+$0xFFFFE020]  }
0xad: {  	v4 =	vld [tilespmem:s16+$0xFFFFE030]  }
0xae: {  	v5 =	vld [tilespmem:s16+$0xFFFFE040]  }
0xaf: {  	v8 =	vld [tilespmem:s16+$0xFFFFE050]  }
0xb0: {  	v9 =	vld [tilespmem:s16+$0xFFFFE060]  }
0xb1: {  	v2 =	vld [tilespmem:s16+$0x70]  }
0xb2: {  	v7 =	vld [tilespmem:s16+$0xFFFFE000]  }
0xb3: {  	v10 =	vld [tilespmem:s16+$0x0]  }
0xb4: {  	v6 =	vld.idx.msk [tilespmem:v0+s28+$0x0], $0xffff  }
0xb5: {  	v11 =	vld [tilespmem:s16+$0x10]  }
0xb6: {  	v12 =	vld [tilespmem:s16+$0x20]  }
0xb7: {  	v13 =	vld [tilespmem:s16+$0x30];
	v2 =	vcvt.s32.f32 v2  }
0xb8: {  	v14 =	vld [tilespmem:s16+$0x40];
	v20 =	vcvt.s32.f32 v5  }
0xb9: {  	v15 =	vld [tilespmem:s16+$0x50];
	v2 =	vmul.f32 v2, v6  }
0xba: {  	v22 =	vcvt.s32.f32 v10;
	v10 =	vld.idx.msk [tilespmem:v5+s28+$0x0], $0xffff;
	[tilespmem:s14+$0xFFFFE040] =	vst v20;
	v6 =	vcvt.s32.f32 v7  }
0xbb: {  	v16 =	vld [tilespmem:s16+$0x60];
	v17 =	vcvt.s32.f32 v1;
	[tilespmem:s14+$0x70] =	vst v2  }
0xbc: {  	v19 =	vcvt.s32.f32 v4;
	v18 =	vld.idx.msk [tilespmem:v7+s28+$0x0], $0xffff;
	v7 =	vcvt.s32.f32 v3;
	[tilespmem:s14+$0xFFFFE000] =	vst v6  }
0xbd: {  	v63 =	vcvt.s32.f32 v8;
	v21 =	vcvt.s32.f32 v9;
	v2 =	vld.idx.msk [tilespmem:v1+s28+$0x0], $0xffff;
	[tilespmem:s14+$0xFFFFE010] =	vst v17  }
0xbe: {  	v0 =	vcvt.s32.f32 v0;
	v5 =	vcvt.s32.f32 v15;
	v1 =	vld.idx.msk [tilespmem:v3+s28+$0x0], $0xffff;
	[tilespmem:s14+$0xFFFFE020] =	vst v7  }
0xbf: {  	v3 =	vld.idx.msk [tilespmem:v4+s28+$0x0], $0xffff;
	v6 =	vcvt.s32.f32 v11;
	[tilespmem:s14+$0xFFFFE030] =	vst v19;
	v7 =	vcvt.s32.f32 v12  }
0xc0: {  	v4 =	vcvt.s32.f32 v13;
	v11 =	vld.idx.msk [tilespmem:v8+s28+$0x0], $0xffff;
	v8 =	vcvt.s32.f32 v14;
	[tilespmem:s14+$0xFFFFE050] =	vst v63  }
0xc1: {  	s18 =	simm.s32 $0x0;
	s19 =	sadd.s32 $0x400, s16;
	s17 =	smov.u32 s14;
	v12 =	vld.idx.msk [tilespmem:v9+s28+$0x0], $0xffff;
	v9 =	vcvt.s32.f32 v16;
	v13 =	vmul.f32 v22, v18;
	[tilespmem:s14+$0xFFFFE060] =	vst v21  }
.LBB2_7:
0xc2: {  	v14 =	vld [tilespmem:s19+$0xFFFFE070];
	s18 =	sadd.s32 $0x8, s18;
	v2 =	vmul.f32 v6, v2;
	[tilespmem:s17+$0xFFFFE070] =	vst v0  }
0xc3: {  	v0 =	vmul.f32 v7, v1;
	v15 =	vld [tilespmem:s19+$0xFFFFE010];
	p3 =	slt.u32 s18, $0x38;
	[tilespmem:s17+$0x0] =	vst v13  }
0xc4: {  	v1 =	vld [tilespmem:s19+$0xFFFFE020];
	[tilespmem:s17+$0x10] =	vst v2;
	v2 =	vmul.f32 v4, v3  }
0xc5: {  	v4 =	vmul.f32 v8, v10;
	v3 =	vld [tilespmem:s19+$0xFFFFE030];
	[tilespmem:s17+$0x20] =	vst v0  }
0xc6: {  	v10 =	vld [tilespmem:s19+$0xFFFFE040];
	[tilespmem:s17+$0x30] =	vst v2;
	v2 =	vmul.f32 v5, v11  }
0xc7: {  	v11 =	vld [tilespmem:s19+$0xFFFFE050];
	v0 =	vcvt.s32.f32 v14;
	[tilespmem:s17+$0x40] =	vst v4;
	v4 =	vmul.f32 v9, v12  }
0xc8: {  	v5 =	vcvt.s32.f32 v15;
	v12 =	vld [tilespmem:s19+$0xFFFFE060];
	[tilespmem:s17+$0x50] =	vst v2  }
0xc9: {  	v8 =	vcvt.s32.f32 v1;
	v2 =	vld [tilespmem:s19+$0x70];
	[tilespmem:s17+$0x60] =	vst v4  }
0xca: {  	v9 =	vcvt.s32.f32 v3;
	v4 =	vld.idx.msk [tilespmem:v14+s28+$0x0], $0xffff  }
0xcb: {  	v7 =	vld [tilespmem:s19+$0xFFFFE000];
	v13 =	vcvt.s32.f32 v10  }
0xcc: {  	v6 =	vld [tilespmem:s19+$0x0];
	v14 =	vcvt.s32.f32 v11  }
0xcd: {  	v16 =	vld [tilespmem:s19+$0x10];
	v17 =	vcvt.s32.f32 v12  }
0xce: {  	v18 =	vld [tilespmem:s19+$0x20];
	v2 =	vcvt.s32.f32 v2  }
0xcf: {  	v19 =	vld [tilespmem:s19+$0x30]  }
0xd0: {  	v20 =	vcvt.s32.f32 v7;
	v21 =	vld [tilespmem:s19+$0x40];
	v2 =	vmul.f32 v2, v4  }
0xd1: {  	s17 =	sadd.s32 $0x400, s17;
	v22 =	vcvt.s32.f32 v6;
	v23 =	vld [tilespmem:s19+$0x50]  }
0xd2: {  	v6 =	vcvt.s32.f32 v16;
	v16 =	vld [tilespmem:s19+$0x60];
	[tilespmem:s17+$0x70] =	vst v2  }
0xd3: {  	v24 =	vld.idx.msk [tilespmem:v7+s28+$0x0], $0xffff;
	[tilespmem:s17+$0xFFFFE000] =	vst v20;
	v7 =	vcvt.s32.f32 v18  }
0xd4: {  	v2 =	vld.idx.msk [tilespmem:v15+s28+$0x0], $0xffff;
	[tilespmem:s17+$0xFFFFE010] =	vst v5;
	v4 =	vcvt.s32.f32 v19  }
.Ltmp4:
0xd5: {  	v1 =	vld.idx.msk [tilespmem:v1+s28+$0x0], $0xffff;
	[tilespmem:s17+$0xFFFFE020] =	vst v8;
	v8 =	vcvt.s32.f32 v21;
	(pc) =	sbr.rel @p3 .LBB2_7-.Ltmp4, $4  }
0xd6: {  	v3 =	vld.idx.msk [tilespmem:v3+s28+$0x0], $0xffff;
	[tilespmem:s17+$0xFFFFE030] =	vst v9;
	v5 =	vcvt.s32.f32 v23  }
0xd7: {  	v10 =	vld.idx.msk [tilespmem:v10+s28+$0x0], $0xffff;
	[tilespmem:s17+$0xFFFFE040] =	vst v13;
	v9 =	vcvt.s32.f32 v16  }
0xd8: {  	v11 =	vld.idx.msk [tilespmem:v11+s28+$0x0], $0xffff;
	[tilespmem:s17+$0xFFFFE050] =	vst v14  }
0xd9: {  	s19 =	sadd.s32 $0x400, s19;
	v13 =	vmul.f32 v22, v24;
	v12 =	vld.idx.msk [tilespmem:v12+s28+$0x0], $0xffff;
	[tilespmem:s17+$0xFFFFE060] =	vst v17  }
0xda: {  	v2 =	vmul.f32 v6, v2;
	[tilespmem:s17+$0xFFFFE070] =	vst v0  }
0xdb: {  	v59 =	vmul.f32 v7, v1;
	s11 =	sadd.s32 $0x1, s11;
	[tilespmem:s17+$0x0] =	vst v13  }
0xdc: {  	v60 =	vmul.f32 v4, v3;
	p3 =	sne.s32 s11, $0x8;
	[tilespmem:s17+$0x10] =	vst v2  }
.Ltmp5:
0xdd: {  	[tilespmem:s17+$0x20] =	vst v59;
	v61 =	vmul.f32 v8, v10;
	(pc) =	sbr.rel @p3 .LBB2_6-.Ltmp5, $4  }
0xde: {  	[tilespmem:s17+$0x30] =	vst v60;
	v62 =	vmul.f32 v5, v11  }
0xdf: {  	[tilespmem:s17+$0x40] =	vst v61;
	v63 =	vmul.f32 v9, v12  }
0xe0: {  	[tilespmem:s17+$0x50] =	vst v62  }
0xe1: {  	s14 =	sadd.s32 $0x80, s14;
	s16 =	sadd.s32 $0x80, s16;
	[tilespmem:s17+$0x60] =	vst v63  }
0xe2: {  	[hbm4b:s8+s22] =	stream.strided.scatter [tilespmem:s31], [sflag:$0x4], $0x4000, s23, s22, $0x38;
	[tilespmem:$0x10200] =	vst v63  }
0xe3: {  	s11 =	simm.s32 @!p0 $0x2000;
	s14 =	simm.s32 @!p0 $0xC8000;
	s16 =	simm.s32 @!p0 $0x4200  }
0xe4: {  	[tilespmem:s16], [sflag:$0x2] =	stream.strided.gather @!p0 [hbm4b:s9+s11], $0x4000, s14, s11, $0x38;
	[tilespmem:$0x10200] =	vst v63  }
0xe5: {  	_ =	swait.ge [sflag:s12], $0x4000  }
0xe6: {  	[sflag:s12] =	ssyncset.done $0x0  }
0xe7: {  	[sflag:s12] =	ssyncadd.s32 $0xFFFFC000  }
0xe8: {  	_ =	swait.ge [sflag:s1], $0x4000  }
0xe9: {  	s11 =	simm.s32 $0x0;
	[sflag:s1] =	ssyncset.done $0x0  }
0xea: {  	s14 =	simm.s32 $0xA200;
	s16 =	simm.s32 $0x2200;
	[sflag:s1] =	ssyncadd.s32 $0xFFFFC000  }
.LBB2_10:
0xeb: {  	v0 =	vld [tilespmem:s16+$0xFFFFE070]  }
0xec: {  	v1 =	vld [tilespmem:s16+$0xFFFFE010]  }
0xed: {  	v3 =	vld [tilespmem:s16+$0xFFFFE020]  }
0xee: {  	v4 =	vld [tilespmem:s16+$0xFFFFE030]  }
0xef: {  	v5 =	vld [tilespmem:s16+$0xFFFFE040]  }
0xf0: {  	v8 =	vld [tilespmem:s16+$0xFFFFE050]  }
0xf1: {  	v9 =	vld [tilespmem:s16+$0xFFFFE060]  }
0xf2: {  	v2 =	vld [tilespmem:s16+$0x70]  }
0xf3: {  	v7 =	vld [tilespmem:s16+$0xFFFFE000]  }
0xf4: {  	v10 =	vld [tilespmem:s16+$0x0]  }
0xf5: {  	v6 =	vld.idx.msk [tilespmem:v0+s28+$0x0], $0xffff  }
0xf6: {  	v11 =	vld [tilespmem:s16+$0x10]  }
0xf7: {  	v12 =	vld [tilespmem:s16+$0x20]  }
0xf8: {  	v13 =	vld [tilespmem:s16+$0x30];
	v2 =	vcvt.s32.f32 v2  }
0xf9: {  	v14 =	vld [tilespmem:s16+$0x40];
	v20 =	vcvt.s32.f32 v5  }
0xfa: {  	v15 =	vld [tilespmem:s16+$0x50];
	v2 =	vmul.f32 v2, v6  }
0xfb: {  	v22 =	vcvt.s32.f32 v10;
	v10 =	vld.idx.msk [tilespmem:v5+s28+$0x0], $0xffff;
	[tilespmem:s14+$0xFFFFE040] =	vst v20;
	v6 =	vcvt.s32.f32 v7  }
0xfc: {  	v16 =	vld [tilespmem:s16+$0x60];
	v17 =	vcvt.s32.f32 v1;
	[tilespmem:s14+$0x70] =	vst v2  }
0xfd: {  	v19 =	vcvt.s32.f32 v4;
	v18 =	vld.idx.msk [tilespmem:v7+s28+$0x0], $0xffff;
	v7 =	vcvt.s32.f32 v3;
	[tilespmem:s14+$0xFFFFE000] =	vst v6  }
0xfe: {  	v63 =	vcvt.s32.f32 v8;
	v21 =	vcvt.s32.f32 v9;
	v2 =	vld.idx.msk [tilespmem:v1+s28+$0x0], $0xffff;
	[tilespmem:s14+$0xFFFFE010] =	vst v17  }
0xff: {  	v0 =	vcvt.s32.f32 v0;
	v5 =	vcvt.s32.f32 v15;
	v1 =	vld.idx.msk [tilespmem:v3+s28+$0x0], $0xffff;
	[tilespmem:s14+$0xFFFFE020] =	vst v7  }
0x100: {  	v3 =	vld.idx.msk [tilespmem:v4+s28+$0x0], $0xffff;
	v6 =	vcvt.s32.f32 v11;
	[tilespmem:s14+$0xFFFFE030] =	vst v19;
	v7 =	vcvt.s32.f32 v12  }
0x101: {  	v4 =	vcvt.s32.f32 v13;
	v11 =	vld.idx.msk [tilespmem:v8+s28+$0x0], $0xffff;
	v8 =	vcvt.s32.f32 v14;
	[tilespmem:s14+$0xFFFFE050] =	vst v63  }
0x102: {  	s18 =	simm.s32 $0x0;
	s19 =	sadd.s32 $0x400, s16;
	s17 =	smov.u32 s14;
	v12 =	vld.idx.msk [tilespmem:v9+s28+$0x0], $0xffff;
	v9 =	vcvt.s32.f32 v16;
	v13 =	vmul.f32 v22, v18;
	[tilespmem:s14+$0xFFFFE060] =	vst v21  }
.LBB2_11:
0x103: {  	v14 =	vld [tilespmem:s19+$0xFFFFE070];
	s18 =	sadd.s32 $0x8, s18;
	v2 =	vmul.f32 v6, v2;
	[tilespmem:s17+$0xFFFFE070] =	vst v0  }
0x104: {  	v0 =	vmul.f32 v7, v1;
	v15 =	vld [tilespmem:s19+$0xFFFFE010];
	p3 =	slt.u32 s18, $0x38;
	[tilespmem:s17+$0x0] =	vst v13  }
0x105: {  	v1 =	vld [tilespmem:s19+$0xFFFFE020];
	[tilespmem:s17+$0x10] =	vst v2;
	v2 =	vmul.f32 v4, v3  }
0x106: {  	v4 =	vmul.f32 v8, v10;
	v3 =	vld [tilespmem:s19+$0xFFFFE030];
	[tilespmem:s17+$0x20] =	vst v0  }
0x107: {  	v10 =	vld [tilespmem:s19+$0xFFFFE040];
	[tilespmem:s17+$0x30] =	vst v2;
	v2 =	vmul.f32 v5, v11  }
0x108: {  	v11 =	vld [tilespmem:s19+$0xFFFFE050];
	v0 =	vcvt.s32.f32 v14;
	[tilespmem:s17+$0x40] =	vst v4;
	v4 =	vmul.f32 v9, v12  }
0x109: {  	v5 =	vcvt.s32.f32 v15;
	v12 =	vld [tilespmem:s19+$0xFFFFE060];
	[tilespmem:s17+$0x50] =	vst v2  }
0x10a: {  	v8 =	vcvt.s32.f32 v1;
	v2 =	vld [tilespmem:s19+$0x70];
	[tilespmem:s17+$0x60] =	vst v4  }
0x10b: {  	v9 =	vcvt.s32.f32 v3;
	v4 =	vld.idx.msk [tilespmem:v14+s28+$0x0], $0xffff  }
0x10c: {  	v7 =	vld [tilespmem:s19+$0xFFFFE000];
	v13 =	vcvt.s32.f32 v10  }
0x10d: {  	v6 =	vld [tilespmem:s19+$0x0];
	v14 =	vcvt.s32.f32 v11  }
0x10e: {  	v16 =	vld [tilespmem:s19+$0x10];
	v17 =	vcvt.s32.f32 v12  }
0x10f: {  	v18 =	vld [tilespmem:s19+$0x20];
	v2 =	vcvt.s32.f32 v2  }
0x110: {  	v19 =	vld [tilespmem:s19+$0x30]  }
0x111: {  	v20 =	vcvt.s32.f32 v7;
	v21 =	vld [tilespmem:s19+$0x40];
	v2 =	vmul.f32 v2, v4  }
0x112: {  	s17 =	sadd.s32 $0x400, s17;
	v22 =	vcvt.s32.f32 v6;
	v23 =	vld [tilespmem:s19+$0x50]  }
0x113: {  	v6 =	vcvt.s32.f32 v16;
	v16 =	vld [tilespmem:s19+$0x60];
	[tilespmem:s17+$0x70] =	vst v2  }
0x114: {  	v24 =	vld.idx.msk [tilespmem:v7+s28+$0x0], $0xffff;
	[tilespmem:s17+$0xFFFFE000] =	vst v20;
	v7 =	vcvt.s32.f32 v18  }
0x115: {  	v2 =	vld.idx.msk [tilespmem:v15+s28+$0x0], $0xffff;
	[tilespmem:s17+$0xFFFFE010] =	vst v5;
	v4 =	vcvt.s32.f32 v19  }
.Ltmp6:
0x116: {  	v1 =	vld.idx.msk [tilespmem:v1+s28+$0x0], $0xffff;
	[tilespmem:s17+$0xFFFFE020] =	vst v8;
	v8 =	vcvt.s32.f32 v21;
	(pc) =	sbr.rel @p3 .LBB2_11-.Ltmp6, $4  }
0x117: {  	v3 =	vld.idx.msk [tilespmem:v3+s28+$0x0], $0xffff;
	[tilespmem:s17+$0xFFFFE030] =	vst v9;
	v5 =	vcvt.s32.f32 v23  }
0x118: {  	v10 =	vld.idx.msk [tilespmem:v10+s28+$0x0], $0xffff;
	[tilespmem:s17+$0xFFFFE040] =	vst v13;
	v9 =	vcvt.s32.f32 v16  }
0x119: {  	v11 =	vld.idx.msk [tilespmem:v11+s28+$0x0], $0xffff;
	[tilespmem:s17+$0xFFFFE050] =	vst v14  }
0x11a: {  	s19 =	sadd.s32 $0x400, s19;
	v13 =	vmul.f32 v22, v24;
	v12 =	vld.idx.msk [tilespmem:v12+s28+$0x0], $0xffff;
	[tilespmem:s17+$0xFFFFE060] =	vst v17  }
0x11b: {  	v2 =	vmul.f32 v6, v2;
	[tilespmem:s17+$0xFFFFE070] =	vst v0  }
0x11c: {  	v59 =	vmul.f32 v7, v1;
	s11 =	sadd.s32 $0x1, s11;
	[tilespmem:s17+$0x0] =	vst v13  }
0x11d: {  	v60 =	vmul.f32 v4, v3;
	p3 =	sne.s32 s11, $0x8;
	[tilespmem:s17+$0x10] =	vst v2  }
.Ltmp7:
0x11e: {  	[tilespmem:s17+$0x20] =	vst v59;
	v61 =	vmul.f32 v8, v10;
	(pc) =	sbr.rel @p3 .LBB2_10-.Ltmp7, $4  }
0x11f: {  	[tilespmem:s17+$0x30] =	vst v60;
	v62 =	vmul.f32 v5, v11  }
0x120: {  	[tilespmem:s17+$0x40] =	vst v61;
	v63 =	vmul.f32 v9, v12  }
0x121: {  	[tilespmem:s17+$0x50] =	vst v62  }
0x122: {  	s14 =	sadd.s32 $0x80, s14;
	s16 =	sadd.s32 $0x80, s16;
	[tilespmem:s17+$0x60] =	vst v63  }
.Ltmp8:
0x123: {  	(pc) =	sbr.rel @!p0 .LBB2_14-.Ltmp8, $2  }
0x124: {  	_ =	sdelay $0x2  }
0x125: {  	[hbm4b:s10+s22] =	stream.strided.scatter [tilespmem:s29], [sflag:$0x3], $0x4000, s23, s22, $0x38;
	[tilespmem:$0x10200] =	vst v63  }
.Ltmp9:
0x126: {  	(pc) =	sbr.rel .LBB2_20-.Ltmp9, $4  }
0x127: {  	_ = 	snop  }
0x128: {  	[tilespmem:s24], [sflag:$0x1] =	stream.linear.gather [hbm4b:s13+s3], $0x2000, $0x38;
	[tilespmem:$0x10200] =	vst v63  }
0x129: {  	s11 =	rddreg [dreg:$0x5]  }
0x12a: {  	[tilespmem:s25], [sflag:$0x2] =	stream.linear.gather [hbm4b:s11+s3], $0x2000, $0x38;
	[tilespmem:$0x10200] =	vst v63  }
.LBB2_14:
0x12b: {  	_ =	swait.ge [sflag:s30], $0x4000  }
0x12c: {  	[sflag:s30] =	ssyncset.done $0x0  }
0x12d: {  	[sflag:s30] =	ssyncadd.s32 $0xFFFFC000  }
0x12e: {  	_ =	swait.ge [sflag:s0], $0x4000  }
0x12f: {  	s11 =	simm.s32 $0x0;
	[sflag:s0] =	ssyncset.done $0x0  }
0x130: {  	s14 =	simm.s32 $0xE200;
	s16 =	simm.s32 $0x6200;
	[sflag:s0] =	ssyncadd.s32 $0xFFFFC000  }
.LBB2_15:
0x131: {  	v0 =	vld [tilespmem:s16+$0xFFFFE070]  }
0x132: {  	v1 =	vld [tilespmem:s16+$0xFFFFE010]  }
0x133: {  	v3 =	vld [tilespmem:s16+$0xFFFFE020]  }
0x134: {  	v4 =	vld [tilespmem:s16+$0xFFFFE030]  }
0x135: {  	v5 =	vld [tilespmem:s16+$0xFFFFE040]  }
0x136: {  	v8 =	vld [tilespmem:s16+$0xFFFFE050]  }
0x137: {  	v9 =	vld [tilespmem:s16+$0xFFFFE060]  }
0x138: {  	v2 =	vld [tilespmem:s16+$0x70]  }
0x139: {  	v7 =	vld [tilespmem:s16+$0xFFFFE000]  }
0x13a: {  	v10 =	vld [tilespmem:s16+$0x0]  }
0x13b: {  	v6 =	vld.idx.msk [tilespmem:v0+s28+$0x0], $0xffff  }
0x13c: {  	v11 =	vld [tilespmem:s16+$0x10]  }
0x13d: {  	v12 =	vld [tilespmem:s16+$0x20]  }
0x13e: {  	v13 =	vld [tilespmem:s16+$0x30];
	v2 =	vcvt.s32.f32 v2  }
0x13f: {  	v14 =	vld [tilespmem:s16+$0x40];
	v20 =	vcvt.s32.f32 v5  }
0x140: {  	v15 =	vld [tilespmem:s16+$0x50];
	v2 =	vmul.f32 v2, v6  }
0x141: {  	v22 =	vcvt.s32.f32 v10;
	v10 =	vld.idx.msk [tilespmem:v5+s28+$0x0], $0xffff;
	[tilespmem:s14+$0xFFFFE040] =	vst v20;
	v6 =	vcvt.s32.f32 v7  }
0x142: {  	v16 =	vld [tilespmem:s16+$0x60];
	v17 =	vcvt.s32.f32 v1;
	[tilespmem:s14+$0x70] =	vst v2  }
0x143: {  	v19 =	vcvt.s32.f32 v4;
	v18 =	vld.idx.msk [tilespmem:v7+s28+$0x0], $0xffff;
	v7 =	vcvt.s32.f32 v3;
	[tilespmem:s14+$0xFFFFE000] =	vst v6  }
0x144: {  	v63 =	vcvt.s32.f32 v8;
	v21 =	vcvt.s32.f32 v9;
	v2 =	vld.idx.msk [tilespmem:v1+s28+$0x0], $0xffff;
	[tilespmem:s14+$0xFFFFE010] =	vst v17  }
0x145: {  	v0 =	vcvt.s32.f32 v0;
	v5 =	vcvt.s32.f32 v15;
	v1 =	vld.idx.msk [tilespmem:v3+s28+$0x0], $0xffff;
	[tilespmem:s14+$0xFFFFE020] =	vst v7  }
0x146: {  	v3 =	vld.idx.msk [tilespmem:v4+s28+$0x0], $0xffff;
	v6 =	vcvt.s32.f32 v11;
	[tilespmem:s14+$0xFFFFE030] =	vst v19;
	v7 =	vcvt.s32.f32 v12  }
0x147: {  	v4 =	vcvt.s32.f32 v13;
	v11 =	vld.idx.msk [tilespmem:v8+s28+$0x0], $0xffff;
	v8 =	vcvt.s32.f32 v14;
	[tilespmem:s14+$0xFFFFE050] =	vst v63  }
0x148: {  	s18 =	simm.s32 $0x0;
	s19 =	sadd.s32 $0x400, s16;
	s17 =	smov.u32 s14;
	v12 =	vld.idx.msk [tilespmem:v9+s28+$0x0], $0xffff;
	v9 =	vcvt.s32.f32 v16;
	v13 =	vmul.f32 v22, v18;
	[tilespmem:s14+$0xFFFFE060] =	vst v21  }
.LBB2_16:
0x149: {  	v14 =	vld [tilespmem:s19+$0xFFFFE070];
	s18 =	sadd.s32 $0x8, s18;
	v2 =	vmul.f32 v6, v2;
	[tilespmem:s17+$0xFFFFE070] =	vst v0  }
0x14a: {  	v0 =	vmul.f32 v7, v1;
	v15 =	vld [tilespmem:s19+$0xFFFFE010];
	p3 =	slt.u32 s18, $0x38;
	[tilespmem:s17+$0x0] =	vst v13  }
0x14b: {  	v1 =	vld [tilespmem:s19+$0xFFFFE020];
	[tilespmem:s17+$0x10] =	vst v2;
	v2 =	vmul.f32 v4, v3  }
0x14c: {  	v4 =	vmul.f32 v8, v10;
	v3 =	vld [tilespmem:s19+$0xFFFFE030];
	[tilespmem:s17+$0x20] =	vst v0  }
0x14d: {  	v10 =	vld [tilespmem:s19+$0xFFFFE040];
	[tilespmem:s17+$0x30] =	vst v2;
	v2 =	vmul.f32 v5, v11  }
0x14e: {  	v11 =	vld [tilespmem:s19+$0xFFFFE050];
	v0 =	vcvt.s32.f32 v14;
	[tilespmem:s17+$0x40] =	vst v4;
	v4 =	vmul.f32 v9, v12  }
0x14f: {  	v5 =	vcvt.s32.f32 v15;
	v12 =	vld [tilespmem:s19+$0xFFFFE060];
	[tilespmem:s17+$0x50] =	vst v2  }
0x150: {  	v8 =	vcvt.s32.f32 v1;
	v2 =	vld [tilespmem:s19+$0x70];
	[tilespmem:s17+$0x60] =	vst v4  }
0x151: {  	v9 =	vcvt.s32.f32 v3;
	v4 =	vld.idx.msk [tilespmem:v14+s28+$0x0], $0xffff  }
0x152: {  	v7 =	vld [tilespmem:s19+$0xFFFFE000];
	v13 =	vcvt.s32.f32 v10  }
0x153: {  	v6 =	vld [tilespmem:s19+$0x0];
	v14 =	vcvt.s32.f32 v11  }
0x154: {  	v16 =	vld [tilespmem:s19+$0x10];
	v17 =	vcvt.s32.f32 v12  }
0x155: {  	v18 =	vld [tilespmem:s19+$0x20];
	v2 =	vcvt.s32.f32 v2  }
0x156: {  	v19 =	vld [tilespmem:s19+$0x30]  }
0x157: {  	v20 =	vcvt.s32.f32 v7;
	v21 =	vld [tilespmem:s19+$0x40];
	v2 =	vmul.f32 v2, v4  }
0x158: {  	s17 =	sadd.s32 $0x400, s17;
	v22 =	vcvt.s32.f32 v6;
	v23 =	vld [tilespmem:s19+$0x50]  }
0x159: {  	v6 =	vcvt.s32.f32 v16;
	v16 =	vld [tilespmem:s19+$0x60];
	[tilespmem:s17+$0x70] =	vst v2  }
0x15a: {  	v24 =	vld.idx.msk [tilespmem:v7+s28+$0x0], $0xffff;
	[tilespmem:s17+$0xFFFFE000] =	vst v20;
	v7 =	vcvt.s32.f32 v18  }
0x15b: {  	v2 =	vld.idx.msk [tilespmem:v15+s28+$0x0], $0xffff;
	[tilespmem:s17+$0xFFFFE010] =	vst v5;
	v4 =	vcvt.s32.f32 v19  }
.Ltmp10:
0x15c: {  	v1 =	vld.idx.msk [tilespmem:v1+s28+$0x0], $0xffff;
	[tilespmem:s17+$0xFFFFE020] =	vst v8;
	v8 =	vcvt.s32.f32 v21;
	(pc) =	sbr.rel @p3 .LBB2_16-.Ltmp10, $4  }
0x15d: {  	v3 =	vld.idx.msk [tilespmem:v3+s28+$0x0], $0xffff;
	[tilespmem:s17+$0xFFFFE030] =	vst v9;
	v5 =	vcvt.s32.f32 v23  }
0x15e: {  	v10 =	vld.idx.msk [tilespmem:v10+s28+$0x0], $0xffff;
	[tilespmem:s17+$0xFFFFE040] =	vst v13;
	v9 =	vcvt.s32.f32 v16  }
0x15f: {  	v11 =	vld.idx.msk [tilespmem:v11+s28+$0x0], $0xffff;
	[tilespmem:s17+$0xFFFFE050] =	vst v14  }
0x160: {  	s19 =	sadd.s32 $0x400, s19;
	v13 =	vmul.f32 v22, v24;
	v12 =	vld.idx.msk [tilespmem:v12+s28+$0x0], $0xffff;
	[tilespmem:s17+$0xFFFFE060] =	vst v17  }
0x161: {  	v2 =	vmul.f32 v6, v2;
	[tilespmem:s17+$0xFFFFE070] =	vst v0  }
0x162: {  	v59 =	vmul.f32 v7, v1;
	s11 =	sadd.s32 $0x1, s11;
	[tilespmem:s17+$0x0] =	vst v13  }
0x163: {  	v60 =	vmul.f32 v4, v3;
	p3 =	sne.s32 s11, $0x8;
	[tilespmem:s17+$0x10] =	vst v2  }
.Ltmp11:
0x164: {  	[tilespmem:s17+$0x20] =	vst v59;
	v61 =	vmul.f32 v8, v10;
	(pc) =	sbr.rel @p3 .LBB2_15-.Ltmp11, $4  }
0x165: {  	[tilespmem:s17+$0x30] =	vst v60;
	v62 =	vmul.f32 v5, v11  }
0x166: {  	[tilespmem:s17+$0x40] =	vst v61;
	v63 =	vmul.f32 v9, v12  }
0x167: {  	[tilespmem:s17+$0x50] =	vst v62  }
0x168: {  	s14 =	sadd.s32 $0x80, s14;
	s16 =	sadd.s32 $0x80, s16;
	[tilespmem:s17+$0x60] =	vst v63  }
0x169: {  	s11 =	rddreg [dreg:$0x4]  }
0x16a: {  	[hbm4b:s11+s22] =	stream.strided.scatter [tilespmem:s31], [sflag:$0x4], $0x4000, s23, s22, $0x38;
	[tilespmem:$0x10200] =	vst v63  }
0x16b: {  	_ = 	snop  }
0x16c: {  	[tilespmem:s24], [sflag:$0x1] =	stream.linear.gather [hbm4b:s13+s3], $0x2000, $0x38;
	[tilespmem:$0x10200] =	vst v63  }
.LBB2_20:
0x16d: {  	_ =	swait.ge [sflag:s1], $0x4000  }
0x16e: {  	[sflag:s1] =	ssyncset.done $0x0  }
0x16f: {  	[sflag:s1] =	ssyncadd.s32 $0xFFFFC000  }
0x170: {  	_ =	swait.ge [sflag:s0], $0x4000  }
0x171: {  	[sflag:s0] =	ssyncset.done $0x0  }
0x172: {  	[sflag:s0] =	ssyncadd.s32 $0xFFFFC000  }
0x173: {  	_ =	swait.ge [sflag:s12], $0x2000  }
0x174: {  	s11 =	simm.s32 $0x0;
	[sflag:s12] =	ssyncset.done $0x0  }
0x175: {  	s14 =	simm.s32 $0x240;
	s16 =	simm.s32 $0x8240;
	[sflag:s12] =	ssyncadd.s32 $0xFFFFE000  }
.LBB2_21:
0x176: {  	v2 =	vld [tilespmem:s14+$0x30]  }
0x177: {  	v4 =	vld [tilespmem:s14+$0xFFFFFFD0]  }
0x178: {  	v6 =	vld [tilespmem:s14+$0xFFFFFFE0]  }
0x179: {  	v3 =	vld [tilespmem:s14+$0xFFFFFFF0]  }
0x17a: {  	v1 =	vld [tilespmem:s14+$0x0]  }
0x17b: {  	v0 =	vld [tilespmem:s14+$0x10];
	v7 =	vcvt.s32.f32 v2  }
0x17c: {  	v2 =	vld [tilespmem:s14+$0x20];
	v5 =	vcvt.s32.f32 v4  }
0x17d: {  	s18 =	simm.s32 $0x0;
	s19 =	sadd.s32 $0x400, s14;
	s17 =	smov.u32 s16;
	v4 =	vld [tilespmem:s14+$0xFFFFFFC0];
	v6 =	vcvt.s32.f32 v6;
	[tilespmem:s16+$0x30] =	vst v7  }
.LBB2_22:
0x17e: {  	v7 =	vld [tilespmem:s19+$0x30];
	s18 =	sadd.s32 $0x8, s18;
	[tilespmem:s17+$0xFFFFFFD0] =	vst v5;
	v3 =	vcvt.s32.f32 v3  }
0x17f: {  	v5 =	vld [tilespmem:s19+$0xFFFFFFD0];
	p3 =	slt.u32 s18, $0x38;
	[tilespmem:s17+$0xFFFFFFE0] =	vst v6;
	v1 =	vcvt.s32.f32 v1  }
0x180: {  	v6 =	vld [tilespmem:s19+$0xFFFFFFE0];
	[tilespmem:s17+$0xFFFFFFF0] =	vst v3;
	v0 =	vcvt.s32.f32 v0  }
.Ltmp12:
0x181: {  	v3 =	vld [tilespmem:s19+$0xFFFFFFF0];
	[tilespmem:s17+$0x0] =	vst v1;
	v2 =	vcvt.s32.f32 v2;
	(pc) =	sbr.rel @p3 .LBB2_22-.Ltmp12, $4  }
0x182: {  	v1 =	vld [tilespmem:s19+$0x0];
	v4 =	vcvt.s32.f32 v4;
	[tilespmem:s17+$0x10] =	vst v0  }
0x183: {  	v0 =	vld [tilespmem:s19+$0x10];
	v7 =	vcvt.s32.f32 v7;
	[tilespmem:s17+$0x20] =	vst v2  }
0x184: {  	v5 =	vcvt.s32.f32 v5;
	v2 =	vld [tilespmem:s19+$0x20];
	[tilespmem:s17+$0xFFFFFFC0] =	vst v4;
	s17 =	sadd.s32 $0x400, s17  }
0x185: {  	v4 =	vld [tilespmem:s19+$0xFFFFFFC0];
	v6 =	vcvt.s32.f32 v6;
	[tilespmem:s17+$0x30] =	vst v7;
	s19 =	sadd.s32 $0x400, s19  }
0x186: {  	[tilespmem:s17+$0xFFFFFFD0] =	vst v5;
	v3 =	vcvt.s32.f32 v3;
	s11 =	sadd.s32 $0x1, s11  }
0x187: {  	[tilespmem:s17+$0xFFFFFFE0] =	vst v6;
	v1 =	vcvt.s32.f32 v1;
	p3 =	sne.s32 s11, $0x8  }
.Ltmp13:
0x188: {  	[tilespmem:s17+$0xFFFFFFF0] =	vst v3;
	v0 =	vcvt.s32.f32 v0;
	(pc) =	sbr.rel @p3 .LBB2_21-.Ltmp13, $4  }
0x189: {  	[tilespmem:s17+$0x0] =	vst v1;
	v62 =	vcvt.s32.f32 v2  }
0x18a: {  	v63 =	vcvt.s32.f32 v4;
	[tilespmem:s17+$0x10] =	vst v0  }
0x18b: {  	[tilespmem:s17+$0x20] =	vst v62  }
0x18c: {  	s14 =	sadd.s32 $0x80, s14;
	s16 =	sadd.s32 $0x80, s16;
	[tilespmem:s17+$0xFFFFFFC0] =	vst v63  }
.Ltmp14:
0x18d: {  	(pc) =	sbr.rel @p2 .LBB2_34-.Ltmp14, $2  }
0x18e: {  	_ =	sdelay $0x2  }
0x18f: {  	[hbm4b:s15+s3] =	stream.linear.scatter [tilespmem:s29], [sflag:$0x3], $0x2000, $0x38;
	[tilespmem:$0x10200] =	vst v63  }
0x190: {  	s11 =	simm.s32 $0x0;
	s14 =	rddreg [dreg:$0x6]  }
0x191: {  	[tilespmem:s24], [sflag:$0x1] =	stream.linear.gather [hbm4b:s14+s11], $0x2000, $0x38;
	[tilespmem:$0x10200] =	vst v63  }
0x192: {  	_ =	swait.ge [sflag:s30], $0x2000  }
0x193: {  	[sflag:s30] =	ssyncset.done $0x0  }
0x194: {  	s16 =	simm.s32 $0xC240;
	s14 =	simm.s32 $0x4240;
	[sflag:s30] =	ssyncadd.s32 $0xFFFFE000  }
.LBB2_26:
0x195: {  	v2 =	vld [tilespmem:s14+$0x30]  }
0x196: {  	v4 =	vld [tilespmem:s14+$0xFFFFFFD0]  }
0x197: {  	v6 =	vld [tilespmem:s14+$0xFFFFFFE0]  }
0x198: {  	v3 =	vld [tilespmem:s14+$0xFFFFFFF0]  }
0x199: {  	v1 =	vld [tilespmem:s14+$0x0]  }
0x19a: {  	v0 =	vld [tilespmem:s14+$0x10];
	v7 =	vcvt.s32.f32 v2  }
0x19b: {  	v2 =	vld [tilespmem:s14+$0x20];
	v5 =	vcvt.s32.f32 v4  }
0x19c: {  	s18 =	simm.s32 $0x0;
	s19 =	sadd.s32 $0x400, s14;
	s17 =	smov.u32 s16;
	v4 =	vld [tilespmem:s14+$0xFFFFFFC0];
	v6 =	vcvt.s32.f32 v6;
	[tilespmem:s16+$0x30] =	vst v7  }
.LBB2_27:
0x19d: {  	v7 =	vld [tilespmem:s19+$0x30];
	s18 =	sadd.s32 $0x8, s18;
	[tilespmem:s17+$0xFFFFFFD0] =	vst v5;
	v3 =	vcvt.s32.f32 v3  }
0x19e: {  	v5 =	vld [tilespmem:s19+$0xFFFFFFD0];
	p3 =	slt.u32 s18, $0x38;
	[tilespmem:s17+$0xFFFFFFE0] =	vst v6;
	v1 =	vcvt.s32.f32 v1  }
0x19f: {  	v6 =	vld [tilespmem:s19+$0xFFFFFFE0];
	[tilespmem:s17+$0xFFFFFFF0] =	vst v3;
	v0 =	vcvt.s32.f32 v0  }
.Ltmp15:
0x1a0: {  	v3 =	vld [tilespmem:s19+$0xFFFFFFF0];
	[tilespmem:s17+$0x0] =	vst v1;
	v2 =	vcvt.s32.f32 v2;
	(pc) =	sbr.rel @p3 .LBB2_27-.Ltmp15, $4  }
0x1a1: {  	v1 =	vld [tilespmem:s19+$0x0];
	v4 =	vcvt.s32.f32 v4;
	[tilespmem:s17+$0x10] =	vst v0  }
0x1a2: {  	v0 =	vld [tilespmem:s19+$0x10];
	v7 =	vcvt.s32.f32 v7;
	[tilespmem:s17+$0x20] =	vst v2  }
0x1a3: {  	v5 =	vcvt.s32.f32 v5;
	v2 =	vld [tilespmem:s19+$0x20];
	[tilespmem:s17+$0xFFFFFFC0] =	vst v4;
	s17 =	sadd.s32 $0x400, s17  }
0x1a4: {  	v4 =	vld [tilespmem:s19+$0xFFFFFFC0];
	v6 =	vcvt.s32.f32 v6;
	[tilespmem:s17+$0x30] =	vst v7;
	s19 =	sadd.s32 $0x400, s19  }
0x1a5: {  	[tilespmem:s17+$0xFFFFFFD0] =	vst v5;
	v3 =	vcvt.s32.f32 v3;
	s11 =	sadd.s32 $0x1, s11  }
0x1a6: {  	[tilespmem:s17+$0xFFFFFFE0] =	vst v6;
	v1 =	vcvt.s32.f32 v1;
	p3 =	sne.s32 s11, $0x8  }
.Ltmp16:
0x1a7: {  	[tilespmem:s17+$0xFFFFFFF0] =	vst v3;
	v0 =	vcvt.s32.f32 v0;
	(pc) =	sbr.rel @p3 .LBB2_26-.Ltmp16, $4  }
0x1a8: {  	[tilespmem:s17+$0x0] =	vst v1;
	v62 =	vcvt.s32.f32 v2  }
0x1a9: {  	v63 =	vcvt.s32.f32 v4;
	[tilespmem:s17+$0x10] =	vst v0  }
0x1aa: {  	[tilespmem:s17+$0x20] =	vst v62  }
0x1ab: {  	s14 =	sadd.s32 $0x80, s14;
	s16 =	sadd.s32 $0x80, s16;
	[tilespmem:s17+$0xFFFFFFC0] =	vst v63  }
0x1ac: {  	s11 =	rddreg [dreg:$0x7]  }
0x1ad: {  	[hbm4b:s11+s3] =	stream.linear.scatter [tilespmem:s31], [sflag:$0x4], $0x2000, $0x38;
	[tilespmem:$0x10200] =	vst v63  }
0x1ae: {  	s14 =	simm.s32 @!p1 $0x4200;
	s16 =	rddreg [dreg:$0x8];
	s11 =	simm.s32 @!p1 $0x0  }
0x1af: {  	[tilespmem:s14], [sflag:$0x2] =	stream.linear.gather @!p1 [hbm4b:s16+s11], $0x2000, $0x38;
	[tilespmem:$0x10200] =	vst v63  }
0x1b0: {  	_ =	swait.ge [sflag:s12], $0x2000  }
0x1b1: {  	[sflag:s12] =	ssyncset.done $0x0  }
0x1b2: {  	[sflag:s12] =	ssyncadd.s32 $0xFFFFE000  }
0x1b3: {  	_ =	swait.ge [sflag:s1], $0x2000  }
0x1b4: {  	s11 =	simm.s32 $0x0;
	[sflag:s1] =	ssyncset.done $0x0  }
0x1b5: {  	s14 =	simm.s32 $0x240;
	s16 =	simm.s32 $0x8240;
	[sflag:s1] =	ssyncadd.s32 $0xFFFFE000  }
.LBB2_30:
0x1b6: {  	v2 =	vld [tilespmem:s14+$0x30]  }
0x1b7: {  	v4 =	vld [tilespmem:s14+$0xFFFFFFD0]  }
0x1b8: {  	v6 =	vld [tilespmem:s14+$0xFFFFFFE0]  }
0x1b9: {  	v3 =	vld [tilespmem:s14+$0xFFFFFFF0]  }
0x1ba: {  	v1 =	vld [tilespmem:s14+$0x0]  }
0x1bb: {  	v0 =	vld [tilespmem:s14+$0x10];
	v7 =	vcvt.s32.f32 v2  }
0x1bc: {  	v2 =	vld [tilespmem:s14+$0x20];
	v5 =	vcvt.s32.f32 v4  }
0x1bd: {  	s18 =	simm.s32 $0x0;
	s19 =	sadd.s32 $0x400, s14;
	s17 =	smov.u32 s16;
	v4 =	vld [tilespmem:s14+$0xFFFFFFC0];
	v6 =	vcvt.s32.f32 v6;
	[tilespmem:s16+$0x30] =	vst v7  }
.LBB2_31:
0x1be: {  	v7 =	vld [tilespmem:s19+$0x30];
	s18 =	sadd.s32 $0x8, s18;
	[tilespmem:s17+$0xFFFFFFD0] =	vst v5;
	v3 =	vcvt.s32.f32 v3  }
0x1bf: {  	v5 =	vld [tilespmem:s19+$0xFFFFFFD0];
	p3 =	slt.u32 s18, $0x38;
	[tilespmem:s17+$0xFFFFFFE0] =	vst v6;
	v1 =	vcvt.s32.f32 v1  }
0x1c0: {  	v6 =	vld [tilespmem:s19+$0xFFFFFFE0];
	[tilespmem:s17+$0xFFFFFFF0] =	vst v3;
	v0 =	vcvt.s32.f32 v0  }
.Ltmp17:
0x1c1: {  	v3 =	vld [tilespmem:s19+$0xFFFFFFF0];
	[tilespmem:s17+$0x0] =	vst v1;
	v2 =	vcvt.s32.f32 v2;
	(pc) =	sbr.rel @p3 .LBB2_31-.Ltmp17, $4  }
0x1c2: {  	v1 =	vld [tilespmem:s19+$0x0];
	v4 =	vcvt.s32.f32 v4;
	[tilespmem:s17+$0x10] =	vst v0  }
0x1c3: {  	v0 =	vld [tilespmem:s19+$0x10];
	v7 =	vcvt.s32.f32 v7;
	[tilespmem:s17+$0x20] =	vst v2  }
0x1c4: {  	v5 =	vcvt.s32.f32 v5;
	v2 =	vld [tilespmem:s19+$0x20];
	[tilespmem:s17+$0xFFFFFFC0] =	vst v4;
	s17 =	sadd.s32 $0x400, s17  }
0x1c5: {  	v4 =	vld [tilespmem:s19+$0xFFFFFFC0];
	v6 =	vcvt.s32.f32 v6;
	[tilespmem:s17+$0x30] =	vst v7;
	s19 =	sadd.s32 $0x400, s19  }
0x1c6: {  	[tilespmem:s17+$0xFFFFFFD0] =	vst v5;
	v3 =	vcvt.s32.f32 v3;
	s11 =	sadd.s32 $0x1, s11  }
0x1c7: {  	[tilespmem:s17+$0xFFFFFFE0] =	vst v6;
	v1 =	vcvt.s32.f32 v1;
	p3 =	sne.s32 s11, $0x8  }
.Ltmp18:
0x1c8: {  	[tilespmem:s17+$0xFFFFFFF0] =	vst v3;
	v0 =	vcvt.s32.f32 v0;
	(pc) =	sbr.rel @p3 .LBB2_30-.Ltmp18, $4  }
0x1c9: {  	[tilespmem:s17+$0x0] =	vst v1;
	v62 =	vcvt.s32.f32 v2  }
0x1ca: {  	v63 =	vcvt.s32.f32 v4;
	[tilespmem:s17+$0x10] =	vst v0  }
0x1cb: {  	[tilespmem:s17+$0x20] =	vst v62  }
0x1cc: {  	s14 =	sadd.s32 $0x80, s14;
	s16 =	sadd.s32 $0x80, s16;
	[tilespmem:s17+$0xFFFFFFC0] =	vst v63  }
0x1cd: {  	s11 =	rddreg [dreg:$0x9]  }
0x1ce: {  	[hbm4b:s11+s3] =	stream.linear.scatter [tilespmem:s29], [sflag:$0x3], $0x2000, $0x38;
	[tilespmem:$0x10200] =	vst v63  }
.LBB2_34:
.Ltmp19:
0x1cf: {  	(pc) =	sbr.rel @p1 .LBB2_40-.Ltmp19, $1  }
0x1d0: {  	_ =	sdelay $0x3  }
0x1d1: {  	_ =	swait.ge [sflag:s30], $0x2000  }
0x1d2: {  	[sflag:s30] =	ssyncset.done $0x0  }
0x1d3: {  	[sflag:s30] =	ssyncadd.s32 $0xFFFFE000  }
0x1d4: {  	_ =	swait.ge [sflag:s0], $0x2000  }
0x1d5: {  	s11 =	simm.s32 $0x0;
	[sflag:s0] =	ssyncset.done $0x0  }
0x1d6: {  	s14 =	simm.s32 $0x4240;
	s16 =	simm.s32 $0xC240;
	[sflag:s0] =	ssyncadd.s32 $0xFFFFE000  }
.LBB2_36:
0x1d7: {  	v2 =	vld [tilespmem:s14+$0x30]  }
0x1d8: {  	v4 =	vld [tilespmem:s14+$0xFFFFFFD0]  }
0x1d9: {  	v6 =	vld [tilespmem:s14+$0xFFFFFFE0]  }
0x1da: {  	v3 =	vld [tilespmem:s14+$0xFFFFFFF0]  }
0x1db: {  	v1 =	vld [tilespmem:s14+$0x0]  }
0x1dc: {  	v0 =	vld [tilespmem:s14+$0x10];
	v7 =	vcvt.s32.f32 v2  }
0x1dd: {  	v2 =	vld [tilespmem:s14+$0x20];
	v5 =	vcvt.s32.f32 v4  }
0x1de: {  	s18 =	simm.s32 $0x0;
	s19 =	sadd.s32 $0x400, s14;
	s17 =	smov.u32 s16;
	v4 =	vld [tilespmem:s14+$0xFFFFFFC0];
	v6 =	vcvt.s32.f32 v6;
	[tilespmem:s16+$0x30] =	vst v7  }
.LBB2_37:
0x1df: {  	v7 =	vld [tilespmem:s19+$0x30];
	s18 =	sadd.s32 $0x8, s18;
	[tilespmem:s17+$0xFFFFFFD0] =	vst v5;
	v3 =	vcvt.s32.f32 v3  }
0x1e0: {  	v5 =	vld [tilespmem:s19+$0xFFFFFFD0];
	p3 =	slt.u32 s18, $0x38;
	[tilespmem:s17+$0xFFFFFFE0] =	vst v6;
	v1 =	vcvt.s32.f32 v1  }
0x1e1: {  	v6 =	vld [tilespmem:s19+$0xFFFFFFE0];
	[tilespmem:s17+$0xFFFFFFF0] =	vst v3;
	v0 =	vcvt.s32.f32 v0  }
.Ltmp20:
0x1e2: {  	v3 =	vld [tilespmem:s19+$0xFFFFFFF0];
	[tilespmem:s17+$0x0] =	vst v1;
	v2 =	vcvt.s32.f32 v2;
	(pc) =	sbr.rel @p3 .LBB2_37-.Ltmp20, $4  }
0x1e3: {  	v1 =	vld [tilespmem:s19+$0x0];
	v4 =	vcvt.s32.f32 v4;
	[tilespmem:s17+$0x10] =	vst v0  }
0x1e4: {  	v0 =	vld [tilespmem:s19+$0x10];
	v7 =	vcvt.s32.f32 v7;
	[tilespmem:s17+$0x20] =	vst v2  }
0x1e5: {  	v5 =	vcvt.s32.f32 v5;
	v2 =	vld [tilespmem:s19+$0x20];
	[tilespmem:s17+$0xFFFFFFC0] =	vst v4;
	s17 =	sadd.s32 $0x400, s17  }
0x1e6: {  	v4 =	vld [tilespmem:s19+$0xFFFFFFC0];
	v6 =	vcvt.s32.f32 v6;
	[tilespmem:s17+$0x30] =	vst v7;
	s19 =	sadd.s32 $0x400, s19  }
0x1e7: {  	[tilespmem:s17+$0xFFFFFFD0] =	vst v5;
	v3 =	vcvt.s32.f32 v3;
	s11 =	sadd.s32 $0x1, s11  }
0x1e8: {  	[tilespmem:s17+$0xFFFFFFE0] =	vst v6;
	v1 =	vcvt.s32.f32 v1;
	p3 =	sne.s32 s11, $0x8  }
.Ltmp21:
0x1e9: {  	[tilespmem:s17+$0xFFFFFFF0] =	vst v3;
	v0 =	vcvt.s32.f32 v0;
	(pc) =	sbr.rel @p3 .LBB2_36-.Ltmp21, $4  }
0x1ea: {  	[tilespmem:s17+$0x0] =	vst v1;
	v62 =	vcvt.s32.f32 v2  }
0x1eb: {  	v63 =	vcvt.s32.f32 v4;
	[tilespmem:s17+$0x10] =	vst v0  }
0x1ec: {  	[tilespmem:s17+$0x20] =	vst v62  }
0x1ed: {  	s14 =	sadd.s32 $0x80, s14;
	s16 =	sadd.s32 $0x80, s16;
	[tilespmem:s17+$0xFFFFFFC0] =	vst v63  }
.Ltmp22:
0x1ee: {  	(pc) =	sbr.rel .LBB2_40-.Ltmp22, $2  }
0x1ef: {  	_ =	sdelay $0x2  }
0x1f0: {  	[hbm4b:s20+s3] =	stream.linear.scatter [tilespmem:s31], [sflag:$0x4], $0x2000, $0x38;
	[tilespmem:$0x10200] =	vst v63  }
.LBB2_41:
0x1f1: {  	_ =	sfence.sel $0x180000  }
0x1f2: {  	[bflag:$0x0] =	sbarrier.arrive $0xFFFF  }
0x1f3: {  	_ =	strace $0x90000047  }
0x1f4: {  	s0 =	stileid.u32;
	[bflag:$0x2] =	sbarrier.arrive $0xFFFF  }
0x1f5: {  	p0 =	sne.s32 s0, $0x0;
	s0 =	rddreg [dreg:$0x3]  }
0x1f6: {  	s0 =	sadd.s32 @!p0 $0x100000, s0  }
0x1f7: {  	[sflag:s0] =	ssyncadd.tile.s32 @!p0 $0x1;
	_ =	shalt  }
.Lfunc_end2:
_tile_overlayer_lowered:
.L_overlay_start_2:
0x1f8: {  	(tag) =	ssettag $0x2  }
0x1f9: {  	s0 =	rddreg [dreg:$0x0];
	s2 =	stileid.u32  }
0x1fa: {  	s1 =	rddreg [dreg:$0x1];
	p0 =	sne.s32 s2, $0x0  }
0x1fb: {  	s3 =	rddreg [dreg:$0x2];
	[bflag:$0x3] =	sbarrier.arrive $0xFFFF;
	s2 =	simm.s32 @!p0 $0x1C05  }
0x1fc: {  	[timem:s3], [sflag:s2] =	dma.local @!p0 [hbm:s0], s1  }
0x1fd: {  	s0 =	simm.s32 @!p0 $0x5  }
0x1fe: {  	_ =	swait.ge @!p0 [sflag:s0], s1  }
0x1ff: {  	s1 =	ssub.s32 @!p0 $0x0, s1;
	[sflag:s0] =	ssyncset.done @!p0 $0x0  }
0x200: {  	[sflag:s0] =	ssyncadd.s32 @!p0 s1  }
0x201: {  	[bflag:$0x3] =	sbarrier.arrive $0xFFFF  }
0x202: {  	_ =	shalt  }

</sc_bundles>
